<compile_context>
chip_gen: v7x
topology: tpu7x:2x2x1
jax: 0.10.2.dev20260603
libtpu: 0.0.44.dev20260713+nightly
codegen_flags: <defaults>
</compile_context>

<pallas_src>
import functools

import jax
import jax.numpy as jnp
from jax import lax
from jax.experimental import pallas as pl
from jax.experimental.pallas import tpu as pltpu
from jax.experimental.pallas import tpu_sc as plsc

N = 10000
E = 320000
F_IN = 128
HID = 64
C = 16

NC = 2
NS = 16
NW = NC * NS
EW = E // NW
K = 125
NCH = EW // K
NBUF = 5
KD = 80
NCHD = EW // KD
NP = 10240
RPT = NP // NS
ZR = 128
DEG_D = 16

_SC_PARAMS = pltpu.CompilerParams(use_tc_tiling_on_sc=False)


@functools.cache
def _get_mesh():
    return plsc.VectorSubcoreMesh(
        core_axis_name="c", subcore_axis_name="s", num_cores=NC, num_subcores=NS
    )


def _fill_rows16(ref, rows, val):
    v = jnp.full((16,), val, jnp.float32)

    def body(i, carry):
        ref[i] = v
        return carry

    lax.fori_loop(0, rows, body, 0)


def _zero2d(ref, rows, d):
    z = jnp.zeros((16,), jnp.float32)

    def body(i, carry):
        for c0 in range(d // 16):
            ref[i, pl.ds(c0 * 16, 16)] = z
        return carry

    lax.fori_loop(0, rows, body, 0)


def _stage_idx(ei_hbm, row, ebase, idx_ref, sem):

    def fire(j, carry):
        pltpu.make_async_copy(
            ei_hbm.at[row, pl.ds(ebase + j * KD, KD)], idx_ref.at[j], sem
        ).start()
        return carry

    lax.fori_loop(0, NCHD, fire, 0)

    def drain(j, carry):
        pltpu.make_async_copy(
            ei_hbm.at[row, pl.ds(ebase + j * KD, KD)], idx_ref.at[j], sem
        ).wait()
        return carry

    lax.fori_loop(0, NCHD, drain, 0)


def _writeout(acc, zbuf, base_r, out_ref):
    def body(i, carry):
        r0 = base_r + i * ZR
        pltpu.sync_copy(acc.at[pl.ds(r0, ZR)], zbuf)
        pltpu.sync_copy(zbuf, out_ref.at[pl.ds(r0, ZR)])
        return carry

    lax.fori_loop(0, RPT // ZR, body, 0)


@functools.cache
def _make_sc_degree():
    @functools.partial(
        pl.kernel,
        out_type=(
            jax.ShapeDtypeStruct((NP, DEG_D), jnp.float32),
            jax.ShapeDtypeStruct((NP, DEG_D), jnp.float32),
        ),
        mesh=_get_mesh(),
        scratch_types=[
            pltpu.VMEM((NCHD, KD), jnp.int32),
            pltpu.VMEM((KD, DEG_D), jnp.float32),
            pltpu.VMEM((ZR, DEG_D), jnp.float32),
            pltpu.VMEM_SHARED((NP, DEG_D), jnp.float32),
            pltpu.SemaphoreType.DMA,
        ],
        name="sc_gcn_degree",
        compiler_params=_SC_PARAMS,
    )
    def _sc_degree(ei_hbm, out0, out1, idx_d, ones_b, zbuf, acc, sem):
        cid = lax.axis_index("c")
        sid = lax.axis_index("s")
        wid = cid * NS + sid
        _stage_idx(ei_hbm, 1, wid * EW, idx_d, sem)
        _fill_rows16(ones_b, KD, 1.0)
        _fill_rows16(zbuf, ZR, 0.0)
        base_r = sid * RPT

        def zc(i, carry):
            pltpu.sync_copy(zbuf, acc.at[pl.ds(base_r + i * ZR, ZR)])
            return carry

        lax.fori_loop(0, RPT // ZR, zc, 0)
        plsc.subcore_barrier()

        def ch(j, carry):
            pltpu.async_copy(ones_b, acc.at[idx_d.at[j]], sem, add=True)
            return carry

        lax.fori_loop(0, NCHD, ch, 0)

        def chw(j, carry):
            pltpu.make_async_copy(ones_b, acc.at[idx_d.at[j]], sem).wait()
            return carry

        lax.fori_loop(0, NCHD, chw, 0)
        plsc.subcore_barrier()

        @pl.when(cid == 0)
        def _():
            _writeout(acc, zbuf, base_r, out0)

        @pl.when(cid == 1)
        def _():
            _writeout(acc, zbuf, base_r, out1)

    return _sc_degree


@functools.cache
def _make_sc_agg(d, tab_bufs):
    scratch = [
        pltpu.VMEM((NCH, K), jnp.int32),
        pltpu.VMEM((NCH, K), jnp.int32),
    ]
    scratch += [pltpu.VMEM((K, d), jnp.float32) for _ in range(NBUF)]
    scratch += [
        pltpu.VMEM((ZR, d), jnp.float32),
        pltpu.VMEM_SHARED((NP, d), jnp.float32),
    ]
    scratch += [pltpu.SemaphoreType.DMA for _ in range(NBUF)]
    if tab_bufs:
        scratch.append(pltpu.VMEM_SHARED((NP, d), jnp.float32))

    @functools.partial(
        pl.kernel,
        out_type=(
            jax.ShapeDtypeStruct((NP, d), jnp.float32),
            jax.ShapeDtypeStruct((NP, d), jnp.float32),
        ),
        mesh=_get_mesh(),
        scratch_types=scratch,
        name=f"sc_gcn_agg_{d}",
        compiler_params=_SC_PARAMS,
    )
    def _agg(y_hbm, src_hbm, dst_hbm, out0, out1, idx_s, idx_d,
             rows0, rows1, rows2, rows3, rows4, zbuf, acc,
             sem0, sem1, sem2, sem3, sem4, *maybe_tab):
        cid = lax.axis_index("c")
        sid = lax.axis_index("s")
        wid = cid * NS + sid
        pltpu.sync_copy(src_hbm.at[wid], idx_s)
        pltpu.sync_copy(dst_hbm.at[wid], idx_d)
        base_r = sid * RPT

        if tab_bufs:
            ytab = maybe_tab[0]

            def st(i, carry):
                r0 = base_r + i * ZR
                pltpu.sync_copy(y_hbm.at[pl.ds(r0, ZR)], zbuf)
                pltpu.sync_copy(zbuf, ytab.at[pl.ds(r0, ZR)])
                return carry

            lax.fori_loop(0, RPT // ZR, st, 0)

        gsrcs = tuple(
            (maybe_tab[0] if b in tab_bufs else y_hbm) for b in range(NBUF)
        )

        _zero2d(zbuf, ZR, d)

        def zc(i, carry):
            pltpu.sync_copy(zbuf, acc.at[pl.ds(base_r + i * ZR, ZR)])
            return carry

        lax.fori_loop(0, RPT // ZR, zc, 0)
        plsc.subcore_barrier()

        rows = (rows0, rows1, rows2, rows3, rows4)
        sems = (sem0, sem1, sem2, sem3, sem4)

        def g_start(j, b):
            pltpu.make_async_copy(gsrcs[b].at[idx_s.at[j]], rows[b], sems[b]).start()

        def g_wait(j, b):
            pltpu.make_async_copy(gsrcs[b].at[idx_s.at[j]], rows[b], sems[b]).wait()

        def scat(j, b):
            pltpu.sync_copy(rows[b], acc.at[idx_d.at[j]], add=True)

        for b in range(NBUF):
            g_start(b, b)

        def body(i, carry):
            for b in range(NBUF):
                j = NBUF * i + b
                g_wait(j, b)
                scat(j, b)
                g_start(j + NBUF, b)
            return carry

        lax.fori_loop(0, NCH // NBUF - 1, body, 0)

        for b in range(NBUF):
            j = NCH - NBUF + b
            g_wait(j, b)
            scat(j, b)

        plsc.subcore_barrier()

        @pl.when(cid == 0)
        def _():
            _writeout(acc, zbuf, base_r, out0)

        @pl.when(cid == 1)
        def _():
            _writeout(acc, zbuf, base_r, out1)

    return _agg


_R = 5120
_GRID = NP // _R


def _dinv_col(d0, d1):
    deg = d0[:, 0:1] + d1[:, 0:1] + 1.0
    return lax.rsqrt(deg)


def _tc1_body(x_ref, w_ref, d0_ref, d1_ref, y_ref):
    dinv = _dinv_col(d0_ref[...], d1_ref[...])
    xw = jnp.dot(x_ref[...], w_ref[...], preferred_element_type=jnp.float32)
    y_ref[...] = xw * dinv


def _tc_phase1(x, W1, d0, d1):
    return pl.pallas_call(
        _tc1_body,
        grid=(_GRID,),
        in_specs=[
            pl.BlockSpec((_R, F_IN), lambda i: (i, 0)),
            pl.BlockSpec((F_IN, HID), lambda i: (0, 0)),
            pl.BlockSpec((_R, DEG_D), lambda i: (i, 0)),
            pl.BlockSpec((_R, DEG_D), lambda i: (i, 0)),
        ],
        out_specs=pl.BlockSpec((_R, HID), lambda i: (i, 0)),
        out_shape=jax.ShapeDtypeStruct((NP, HID), jnp.float32),
    )(x, W1, d0, d1)


def _tc2_body(p0_ref, p1_ref, y1_ref, d0_ref, d1_ref, b1_ref, w2_ref, y2_ref):
    dinv = _dinv_col(d0_ref[...], d1_ref[...])
    h = dinv * (p0_ref[...] + p1_ref[...] + y1_ref[...]) + b1_ref[...]
    h = jnp.maximum(h, 0.0)
    xw2 = jnp.dot(h, w2_ref[...], preferred_element_type=jnp.float32)
    y2_ref[...] = xw2 * dinv


def _tc_phase2(p0, p1, y1, d0, d1, b1, W2):
    return pl.pallas_call(
        _tc2_body,
        grid=(_GRID,),
        in_specs=[
            pl.BlockSpec((_R, HID), lambda i: (i, 0)),
            pl.BlockSpec((_R, HID), lambda i: (i, 0)),
            pl.BlockSpec((_R, HID), lambda i: (i, 0)),
            pl.BlockSpec((_R, DEG_D), lambda i: (i, 0)),
            pl.BlockSpec((_R, DEG_D), lambda i: (i, 0)),
            pl.BlockSpec((1, HID), lambda i: (0, 0)),
            pl.BlockSpec((HID, C), lambda i: (0, 0)),
        ],
        out_specs=pl.BlockSpec((_R, C), lambda i: (i, 0)),
        out_shape=jax.ShapeDtypeStruct((NP, C), jnp.float32),
    )(p0, p1, y1, d0, d1, b1, W2)


def _tc3_body(q0_ref, q1_ref, y2_ref, d0_ref, d1_ref, b2_ref, o_ref):
    dinv = _dinv_col(d0_ref[...], d1_ref[...])
    o = dinv * (q0_ref[...] + q1_ref[...] + y2_ref[...]) + b2_ref[...]
    m = jnp.max(o, axis=1, keepdims=True)
    e = jnp.exp(o - m)
    s = jnp.sum(e, axis=1, keepdims=True)
    o_ref[...] = o - m - jnp.log(s)


def _tc_phase3(q0, q1, y2, d0, d1, b2):
    return pl.pallas_call(
        _tc3_body,
        grid=(_GRID,),
        in_specs=[
            pl.BlockSpec((_R, C), lambda i: (i, 0)),
            pl.BlockSpec((_R, C), lambda i: (i, 0)),
            pl.BlockSpec((_R, C), lambda i: (i, 0)),
            pl.BlockSpec((_R, DEG_D), lambda i: (i, 0)),
            pl.BlockSpec((_R, DEG_D), lambda i: (i, 0)),
            pl.BlockSpec((1, C), lambda i: (0, 0)),
        ],
        out_specs=pl.BlockSpec((_R, C), lambda i: (i, 0)),
        out_shape=jax.ShapeDtypeStruct((N, C), jnp.float32),
    )(q0, q1, y2, d0, d1, b2)


def kernel(x, edge_index, W1, b1, W2, b2):
    src3 = edge_index[0].reshape(NW, NCH, K)
    dst3 = edge_index[1].reshape(NW, NCH, K)
    d0, d1 = _make_sc_degree()(edge_index)
    y1 = _tc_phase1(x, W1, d0, d1)
    p0, p1 = _make_sc_agg(HID, ())(y1, src3, dst3)
    y2 = _tc_phase2(p0, p1, y1, d0, d1, b1.reshape(1, HID), W2)
    q0, q1 = _make_sc_agg(C, (0, 1, 2, 3))(y2, src3, dst3)
    return _tc_phase3(q0, q1, y2, d0, d1, b2.reshape(1, C))

# --- scband reference (transcript-rebuilt; emitter-appended) ---
"""Pipeline reference for scband-gcn-net-53901839565316 (READ-ONLY COPY).

The authoritative reference and input builder live on the scoring server;
editing this copy changes nothing except your own understanding.
"""

import jax, jax.numpy as jnp
import numpy as np

N = 10000
E = 320000
F_IN = 128
HID = 64
C = 16


def setup_inputs(seed: int = 0) -> dict:
    key = jax.random.key(seed)
    k1, k2, k3, k4, k5, k6 = jax.random.split(key, 6)
    x = jax.random.normal(k1, (N, F_IN), dtype=jnp.float32)
    edge_index = jax.random.randint(k2, (2, E), 0, N, dtype=jnp.int32)
    # Glorot-style init for GCNConv weights
    W1 = jax.random.normal(k3, (F_IN, HID), dtype=jnp.float32) * (1.0 / np.sqrt(F_IN))
    b1 = jnp.zeros((HID,), dtype=jnp.float32)
    W2 = jax.random.normal(k4, (HID, C), dtype=jnp.float32) * (1.0 / np.sqrt(HID))
    b2 = jnp.zeros((C,), dtype=jnp.float32)
    return {"x": x, "edge_index": edge_index, "W1": W1, "b1": b1, "W2": W2, "b2": b2}


def _gcn_conv(x, edge_index, W, b):
    # x: [N, d_in], edge_index: [2, E]
    xw = x @ W  # [N, d_out]
    src = edge_index[0]
    dst = edge_index[1]
    # add self-loops (PyG GCNConv default)
    loop = jnp.arange(N, dtype=src.dtype)
    src = jnp.concatenate([src, loop])
    dst = jnp.concatenate([dst, loop])
    # symmetric normalization: deg computed on dst with unit edge weights
    deg = jnp.zeros((N,), dtype=xw.dtype).at[dst].add(1.0)
    deg_inv_sqrt = jnp.where(deg > 0, jax.lax.rsqrt(jnp.maximum(deg, 1e-12)), 0.0)
    norm = deg_inv_sqrt[src] * deg_inv_sqrt[dst]  # [E+N]
    msgs = norm[:, None] * jnp.take(xw, src, axis=0)  # gather
    out = jnp.zeros_like(xw).at[dst].add(msgs)  # scatter-add
    return out + b


def reference(x, edge_index, W1, b1, W2, b2):
    h = jax.nn.relu(_gcn_conv(x, edge_index, W1, b1))
    # dropout inactive (eval mode)
    o = _gcn_conv(h, edge_index, W2, b2)
    return jax.nn.log_softmax(o, axis=1)

if __name__ == "__main__":
    import jax
    _d = setup_inputs()
    print(jax.jit(kernel)(*tuple(_d.values())))

</pallas_src>

<mosaic_0001>
#map = affine_map<(d0, d1) -> (0, 0)>
#map1 = affine_map<(d0, d1) -> (0, 0, 0)>
module attributes {stable_mosaic.version = 14 : i64} {
  func.func @sc_gcn_agg_64(%arg0: i32, %arg1: i32, %arg2: memref<10240x64xf32, #tpu.memory_space<hbm>>, %arg3: memref<32x80x125xi32, #tpu.memory_space<hbm>>, %arg4: memref<32x80x125xi32, #tpu.memory_space<hbm>>, %arg5: memref<10240x64xf32, #tpu.memory_space<hbm>>, %arg6: memref<10240x64xf32, #tpu.memory_space<hbm>>, %arg7: memref<80x125xi32, #tpu.memory_space<vmem>>, %arg8: memref<80x125xi32, #tpu.memory_space<vmem>>, %arg9: memref<125x64xf32, #tpu.memory_space<vmem>>, %arg10: memref<125x64xf32, #tpu.memory_space<vmem>>, %arg11: memref<125x64xf32, #tpu.memory_space<vmem>>, %arg12: memref<125x64xf32, #tpu.memory_space<vmem>>, %arg13: memref<125x64xf32, #tpu.memory_space<vmem>>, %arg14: memref<128x64xf32, #tpu.memory_space<vmem>>, %arg15: memref<10240x64xf32, #tpu.memory_space<vmem_shared>>, %arg16: memref<!tpu.dma_semaphore, #tpu.memory_space<semaphore_mem>>, %arg17: memref<!tpu.dma_semaphore, #tpu.memory_space<semaphore_mem>>, %arg18: memref<!tpu.dma_semaphore, #tpu.memory_space<semaphore_mem>>, %arg19: memref<!tpu.dma_semaphore, #tpu.memory_space<semaphore_mem>>, %arg20: memref<!tpu.dma_semaphore, #tpu.memory_space<semaphore_mem>>) attributes {dimension_semantics = [#tpu.dimension_semantics<core_parallel>, #tpu.dimension_semantics<subcore_parallel>], iteration_bounds = array<i64: 2, 16>, scalar_prefetch = 0 : i64, scratch_operands = 14 : i64, tpu.core_type = #tpu.core_type<sc_vector_subcore>, window_params = [{transform_indices = #map}, {transform_indices = #map1}, {transform_indices = #map1}, {transform_indices = #map}, {transform_indices = #map}]} {
    %mul3A = arith.constant 16 : i32
    %mul3A_0 = arith.muli %arg0, %mul3A : i32
    %add3A = arith.addi %mul3A_0, %arg1 : i32
    "tpu.region"() ({
      %run_scoped3A_101 = tpu.sem_alloc : memref<!tpu.dma_semaphore, #tpu.memory_space<semaphore_mem>>
      %dma_start3A_102 = arith.constant 0 : i32
      %dma_start3A_103 = arith.constant 0 : i32
      %dma_start3A_104 = tpu.memref_slice %arg3[%add3A, %dma_start3A_102, %dma_start3A_103] : memref<32x80x125xi32, #tpu.memory_space<hbm>> -> memref<1x80x125xi32, #tpu.memory_space<hbm>>
      %dma_start3A_105 = tpu.memref_squeeze %dma_start3A_104 : memref<1x80x125xi32, #tpu.memory_space<hbm>> -> memref<80x125xi32, #tpu.memory_space<hbm>>
      %dma_start3A_106 = arith.constant 0 : i32
      %dma_start3A_107 = arith.constant 0 : i32
      %dma_start3A_108 = tpu.memref_slice %arg3[%add3A, %dma_start3A_106, %dma_start3A_107] : memref<32x80x125xi32, #tpu.memory_space<hbm>> -> memref<1x80x125xi32, #tpu.memory_space<hbm>>
      %dma_start3A_109 = tpu.memref_squeeze %dma_start3A_108 : memref<1x80x125xi32, #tpu.memory_space<hbm>> -> memref<80x125xi32, #tpu.memory_space<hbm>>
      tpu.enqueue_dma source(%dma_start3A_109 : memref<80x125xi32, #tpu.memory_space<hbm>>) target(%arg7 : memref<80x125xi32, #tpu.memory_space<vmem>>) target_semaphore(%run_scoped3A_101 : memref<!tpu.dma_semaphore, #tpu.memory_space<semaphore_mem>>)
      %dma_wait3A_110 = arith.constant 0 : i32
      %dma_wait3A_111 = arith.constant 0 : i32
      %dma_wait3A_112 = tpu.memref_slice %arg3[%add3A, %dma_wait3A_110, %dma_wait3A_111] : memref<32x80x125xi32, #tpu.memory_space<hbm>> -> memref<1x80x125xi32, #tpu.memory_space<hbm>>
      %dma_wait3A_113 = tpu.memref_squeeze %dma_wait3A_112 : memref<1x80x125xi32, #tpu.memory_space<hbm>> -> memref<80x125xi32, #tpu.memory_space<hbm>>
      %dma_wait3A_114 = arith.constant 0 : i32
      %dma_wait3A_115 = arith.constant 0 : i32
      %dma_wait3A_116 = tpu.memref_slice %arg3[%add3A, %dma_wait3A_114, %dma_wait3A_115] : memref<32x80x125xi32, #tpu.memory_space<hbm>> -> memref<1x80x125xi32, #tpu.memory_space<hbm>>
      %dma_wait3A_117 = tpu.memref_squeeze %dma_wait3A_116 : memref<1x80x125xi32, #tpu.memory_space<hbm>> -> memref<80x125xi32, #tpu.memory_space<hbm>>
      tpu.wait_dma2 semaphore(%run_scoped3A_101 : memref<!tpu.dma_semaphore, #tpu.memory_space<semaphore_mem>>) src(%dma_wait3A_117 : memref<80x125xi32, #tpu.memory_space<hbm>>) dst(%arg7 : memref<80x125xi32, #tpu.memory_space<vmem>>)
      tpu.yield
    }) : () -> ()
    "tpu.region"() ({
      %run_scoped3A_101 = tpu.sem_alloc : memref<!tpu.dma_semaphore, #tpu.memory_space<semaphore_mem>>
      %dma_start3A_102 = arith.constant 0 : i32
      %dma_start3A_103 = arith.constant 0 : i32
      %dma_start3A_104 = tpu.memref_slice %arg4[%add3A, %dma_start3A_102, %dma_start3A_103] : memref<32x80x125xi32, #tpu.memory_space<hbm>> -> memref<1x80x125xi32, #tpu.memory_space<hbm>>
      %dma_start3A_105 = tpu.memref_squeeze %dma_start3A_104 : memref<1x80x125xi32, #tpu.memory_space<hbm>> -> memref<80x125xi32, #tpu.memory_space<hbm>>
      %dma_start3A_106 = arith.constant 0 : i32
      %dma_start3A_107 = arith.constant 0 : i32
      %dma_start3A_108 = tpu.memref_slice %arg4[%add3A, %dma_start3A_106, %dma_start3A_107] : memref<32x80x125xi32, #tpu.memory_space<hbm>> -> memref<1x80x125xi32, #tpu.memory_space<hbm>>
      %dma_start3A_109 = tpu.memref_squeeze %dma_start3A_108 : memref<1x80x125xi32, #tpu.memory_space<hbm>> -> memref<80x125xi32, #tpu.memory_space<hbm>>
      tpu.enqueue_dma source(%dma_start3A_109 : memref<80x125xi32, #tpu.memory_space<hbm>>) target(%arg8 : memref<80x125xi32, #tpu.memory_space<vmem>>) target_semaphore(%run_scoped3A_101 : memref<!tpu.dma_semaphore, #tpu.memory_space<semaphore_mem>>)
      %dma_wait3A_110 = arith.constant 0 : i32
      %dma_wait3A_111 = arith.constant 0 : i32
      %dma_wait3A_112 = tpu.memref_slice %arg4[%add3A, %dma_wait3A_110, %dma_wait3A_111] : memref<32x80x125xi32, #tpu.memory_space<hbm>> -> memref<1x80x125xi32, #tpu.memory_space<hbm>>
      %dma_wait3A_113 = tpu.memref_squeeze %dma_wait3A_112 : memref<1x80x125xi32, #tpu.memory_space<hbm>> -> memref<80x125xi32, #tpu.memory_space<hbm>>
      %dma_wait3A_114 = arith.constant 0 : i32
      %dma_wait3A_115 = arith.constant 0 : i32
      %dma_wait3A_116 = tpu.memref_slice %arg4[%add3A, %dma_wait3A_114, %dma_wait3A_115] : memref<32x80x125xi32, #tpu.memory_space<hbm>> -> memref<1x80x125xi32, #tpu.memory_space<hbm>>
      %dma_wait3A_117 = tpu.memref_squeeze %dma_wait3A_116 : memref<1x80x125xi32, #tpu.memory_space<hbm>> -> memref<80x125xi32, #tpu.memory_space<hbm>>
      tpu.wait_dma2 semaphore(%run_scoped3A_101 : memref<!tpu.dma_semaphore, #tpu.memory_space<semaphore_mem>>) src(%dma_wait3A_117 : memref<80x125xi32, #tpu.memory_space<hbm>>) dst(%arg8 : memref<80x125xi32, #tpu.memory_space<vmem>>)
      tpu.yield
    }) : () -> ()
    %mul3A_1 = arith.constant 640 : i32
    %mul3A_2 = arith.muli %arg1, %mul3A_1 : i32
    %broadcast_in_dim3A = arith.constant 0.000000e+00 : f32
    %broadcast_in_dim3A_3 = vector.broadcast %broadcast_in_dim3A : f32 to vector<16xf32>
    %scan3A = arith.constant 0 : i32
    %scan3A_4 = arith.constant 0 : i32
    %scan3A_5 = arith.constant 128 : i32
    %scan3A_6 = arith.addi %scan3A_4, %scan3A_5 : i32
    %scan3A_7 = arith.constant 1 : i32
    scf.for %scan3A_101 = %scan3A_4 to %scan3A_6 step %scan3A_7  : i32 {
      %swap3A = arith.index_cast %scan3A_101 : i32 to index
      %swap3A_102 = arith.constant 0 : index
      %swap3A_103 = tpu.vector_load %arg14[%swap3A, %swap3A_102] {strides = array<i32>} : memref<128x64xf32, #tpu.memory_space<vmem>>, vector<1x16xf32>,
      %swap3A_104 = vector.shape_cast %swap3A_103 : vector<1x16xf32> to vector<16xf32>
      %swap3A_105 = vector.shape_cast %broadcast_in_dim3A_3 : vector<16xf32> to vector<1x16xf32>
      tpu.vector_store %arg14[%swap3A, %swap3A_102], %swap3A_105 {strides = array<i32>} : memref<128x64xf32, #tpu.memory_space<vmem>>, vector<1x16xf32>,
      %swap3A_106 = arith.index_cast %scan3A_101 : i32 to index
      %swap3A_107 = arith.constant 16 : index
      %swap3A_108 = tpu.vector_load %arg14[%swap3A_106, %swap3A_107] {strides = array<i32>} : memref<128x64xf32, #tpu.memory_space<vmem>>, vector<1x16xf32>,
      %swap3A_109 = vector.shape_cast %swap3A_108 : vector<1x16xf32> to vector<16xf32>
      %swap3A_110 = vector.shape_cast %broadcast_in_dim3A_3 : vector<16xf32> to vector<1x16xf32>
      tpu.vector_store %arg14[%swap3A_106, %swap3A_107], %swap3A_110 {strides = array<i32>} : memref<128x64xf32, #tpu.memory_space<vmem>>, vector<1x16xf32>,
      %swap3A_111 = arith.index_cast %scan3A_101 : i32 to index
      %swap3A_112 = arith.constant 32 : index
      %swap3A_113 = tpu.vector_load %arg14[%swap3A_111, %swap3A_112] {strides = array<i32>} : memref<128x64xf32, #tpu.memory_space<vmem>>, vector<1x16xf32>,
      %swap3A_114 = vector.shape_cast %swap3A_113 : vector<1x16xf32> to vector<16xf32>
      %swap3A_115 = vector.shape_cast %broadcast_in_dim3A_3 : vector<16xf32> to vector<1x16xf32>
      tpu.vector_store %arg14[%swap3A_111, %swap3A_112], %swap3A_115 {strides = array<i32>} : memref<128x64xf32, #tpu.memory_space<vmem>>, vector<1x16xf32>,
      %swap3A_116 = arith.index_cast %scan3A_101 : i32 to index
      %swap3A_117 = arith.constant 48 : index
      %swap3A_118 = tpu.vector_load %arg14[%swap3A_116, %swap3A_117] {strides = array<i32>} : memref<128x64xf32, #tpu.memory_space<vmem>>, vector<1x16xf32>,
      %swap3A_119 = vector.shape_cast %swap3A_118 : vector<1x16xf32> to vector<16xf32>
      %swap3A_120 = vector.shape_cast %broadcast_in_dim3A_3 : vector<16xf32> to vector<1x16xf32>
      tpu.vector_store %arg14[%swap3A_116, %swap3A_117], %swap3A_120 {strides = array<i32>} : memref<128x64xf32, #tpu.memory_space<vmem>>, vector<1x16xf32>,
    }
    %scan3A_8 = arith.constant 128 : i32
    %scan3A_9 = arith.constant 0 : i32
    %scan3A_10 = arith.constant 0 : i32
    %scan3A_11 = arith.constant 5 : i32
    %scan3A_12 = arith.addi %scan3A_10, %scan3A_11 : i32
    %scan3A_13 = arith.constant 1 : i32
    scf.for %scan3A_101 = %scan3A_10 to %scan3A_12 step %scan3A_13  : i32 {
      %mul3A_102 = arith.constant 128 : i32
      %mul3A_103 = arith.muli %scan3A_101, %mul3A_102 : i32
      %add3A_104 = arith.addi %mul3A_2, %mul3A_103 : i32
      "tpu.region"() ({
        %run_scoped3A_105 = tpu.sem_alloc : memref<!tpu.dma_semaphore, #tpu.memory_space<semaphore_mem>>
        %dma_start3A_106 = arith.constant 0 : i32
        %dma_start3A_107 = tpu.memref_slice %arg15[%add3A_104, %dma_start3A_106] : memref<10240x64xf32, #tpu.memory_space<vmem_shared>> -> memref<128x64xf32, #tpu.memory_space<vmem_shared>>
        %dma_start3A_108 = arith.constant 0 : i32
        %dma_start3A_109 = tpu.memref_slice %arg15[%add3A_104, %dma_start3A_108] : memref<10240x64xf32, #tpu.memory_space<vmem_shared>> -> memref<128x64xf32, #tpu.memory_space<vmem_shared>>
        tpu.enqueue_dma source(%arg14 : memref<128x64xf32, #tpu.memory_space<vmem>>) target(%dma_start3A_109 : memref<128x64xf32, #tpu.memory_space<vmem_shared>>) target_semaphore(%run_scoped3A_105 : memref<!tpu.dma_semaphore, #tpu.memory_space<semaphore_mem>>)
        %dma_wait3A_110 = arith.constant 0 : i32
        %dma_wait3A_111 = tpu.memref_slice %arg15[%add3A_104, %dma_wait3A_110] : memref<10240x64xf32, #tpu.memory_space<vmem_shared>> -> memref<128x64xf32, #tpu.memory_space<vmem_shared>>
        %dma_wait3A_112 = arith.constant 0 : i32
        %dma_wait3A_113 = tpu.memref_slice %arg15[%add3A_104, %dma_wait3A_112] : memref<10240x64xf32, #tpu.memory_space<vmem_shared>> -> memref<128x64xf32, #tpu.memory_space<vmem_shared>>
        tpu.wait_dma2 semaphore(%run_scoped3A_105 : memref<!tpu.dma_semaphore, #tpu.memory_space<semaphore_mem>>) src(%arg14 : memref<128x64xf32, #tpu.memory_space<vmem>>) dst(%dma_wait3A_113 : memref<128x64xf32, #tpu.memory_space<vmem_shared>>)
        tpu.yield
      }) : () -> ()
    }
    %scan3A_14 = arith.constant 5 : i32
    %barrier3A = arith.constant 0 : index
    tpu.barrier barrier_id(%barrier3A)
    %dma_start3A = arith.constant 0 : i32
    %dma_start3A_15 = arith.constant 0 : i32
    %dma_start3A_16 = tpu.memref_slice %arg7[%dma_start3A, %dma_start3A_15] : memref<80x125xi32, #tpu.memory_space<vmem>> -> memref<1x125xi32, #tpu.memory_space<vmem>>
    %dma_start3A_17 = tpu.memref_squeeze %dma_start3A_16 : memref<1x125xi32, #tpu.memory_space<vmem>> -> memref<125xi32, #tpu.memory_space<vmem>>
    %dma_start3A_18 = arith.constant 0 : i32
    %dma_start3A_19 = arith.constant 0 : i32
    %dma_start3A_20 = tpu.memref_slice %arg2[%dma_start3A_18, %dma_start3A_19] : memref<10240x64xf32, #tpu.memory_space<hbm>> -> memref<10240x64xf32, #tpu.memory_space<hbm>>
    tpu.enqueue_indirect_dma source(%dma_start3A_20 : memref<10240x64xf32, #tpu.memory_space<hbm>>) target(%arg9 : memref<125x64xf32, #tpu.memory_space<vmem>>) offsets(%dma_start3A_17 : memref<125xi32, #tpu.memory_space<vmem>>) semaphore(%arg16 : memref<!tpu.dma_semaphore, #tpu.memory_space<semaphore_mem>>)
    %dma_start3A_21 = arith.constant 1 : i32
    %dma_start3A_22 = arith.constant 0 : i32
    %dma_start3A_23 = tpu.memref_slice %arg7[%dma_start3A_21, %dma_start3A_22] : memref<80x125xi32, #tpu.memory_space<vmem>> -> memref<1x125xi32, #tpu.memory_space<vmem>>
    %dma_start3A_24 = tpu.memref_squeeze %dma_start3A_23 : memref<1x125xi32, #tpu.memory_space<vmem>> -> memref<125xi32, #tpu.memory_space<vmem>>
    %dma_start3A_25 = arith.constant 0 : i32
    %dma_start3A_26 = arith.constant 0 : i32
    %dma_start3A_27 = tpu.memref_slice %arg2[%dma_start3A_25, %dma_start3A_26] : memref<10240x64xf32, #tpu.memory_space<hbm>> -> memref<10240x64xf32, #tpu.memory_space<hbm>>
    tpu.enqueue_indirect_dma source(%dma_start3A_27 : memref<10240x64xf32, #tpu.memory_space<hbm>>) target(%arg10 : memref<125x64xf32, #tpu.memory_space<vmem>>) offsets(%dma_start3A_24 : memref<125xi32, #tpu.memory_space<vmem>>) semaphore(%arg17 : memref<!tpu.dma_semaphore, #tpu.memory_space<semaphore_mem>>)
    %dma_start3A_28 = arith.constant 2 : i32
    %dma_start3A_29 = arith.constant 0 : i32
    %dma_start3A_30 = tpu.memref_slice %arg7[%dma_start3A_28, %dma_start3A_29] : memref<80x125xi32, #tpu.memory_space<vmem>> -> memref<1x125xi32, #tpu.memory_space<vmem>>
    %dma_start3A_31 = tpu.memref_squeeze %dma_start3A_30 : memref<1x125xi32, #tpu.memory_space<vmem>> -> memref<125xi32, #tpu.memory_space<vmem>>
    %dma_start3A_32 = arith.constant 0 : i32
    %dma_start3A_33 = arith.constant 0 : i32
    %dma_start3A_34 = tpu.memref_slice %arg2[%dma_start3A_32, %dma_start3A_33] : memref<10240x64xf32, #tpu.memory_space<hbm>> -> memref<10240x64xf32, #tpu.memory_space<hbm>>
    tpu.enqueue_indirect_dma source(%dma_start3A_34 : memref<10240x64xf32, #tpu.memory_space<hbm>>) target(%arg11 : memref<125x64xf32, #tpu.memory_space<vmem>>) offsets(%dma_start3A_31 : memref<125xi32, #tpu.memory_space<vmem>>) semaphore(%arg18 : memref<!tpu.dma_semaphore, #tpu.memory_space<semaphore_mem>>)
    %dma_start3A_35 = arith.constant 3 : i32
    %dma_start3A_36 = arith.constant 0 : i32
    %dma_start3A_37 = tpu.memref_slice %arg7[%dma_start3A_35, %dma_start3A_36] : memref<80x125xi32, #tpu.memory_space<vmem>> -> memref<1x125xi32, #tpu.memory_space<vmem>>
    %dma_start3A_38 = tpu.memref_squeeze %dma_start3A_37 : memref<1x125xi32, #tpu.memory_space<vmem>> -> memref<125xi32, #tpu.memory_space<vmem>>
    %dma_start3A_39 = arith.constant 0 : i32
    %dma_start3A_40 = arith.constant 0 : i32
    %dma_start3A_41 = tpu.memref_slice %arg2[%dma_start3A_39, %dma_start3A_40] : memref<10240x64xf32, #tpu.memory_space<hbm>> -> memref<10240x64xf32, #tpu.memory_space<hbm>>
    tpu.enqueue_indirect_dma source(%dma_start3A_41 : memref<10240x64xf32, #tpu.memory_space<hbm>>) target(%arg12 : memref<125x64xf32, #tpu.memory_space<vmem>>) offsets(%dma_start3A_38 : memref<125xi32, #tpu.memory_space<vmem>>) semaphore(%arg19 : memref<!tpu.dma_semaphore, #tpu.memory_space<semaphore_mem>>)
    %dma_start3A_42 = arith.constant 4 : i32
    %dma_start3A_43 = arith.constant 0 : i32
    %dma_start3A_44 = tpu.memref_slice %arg7[%dma_start3A_42, %dma_start3A_43] : memref<80x125xi32, #tpu.memory_space<vmem>> -> memref<1x125xi32, #tpu.memory_space<vmem>>
    %dma_start3A_45 = tpu.memref_squeeze %dma_start3A_44 : memref<1x125xi32, #tpu.memory_space<vmem>> -> memref<125xi32, #tpu.memory_space<vmem>>
    %dma_start3A_46 = arith.constant 0 : i32
    %dma_start3A_47 = arith.constant 0 : i32
    %dma_start3A_48 = tpu.memref_slice %arg2[%dma_start3A_46, %dma_start3A_47] : memref<10240x64xf32, #tpu.memory_space<hbm>> -> memref<10240x64xf32, #tpu.memory_space<hbm>>
    tpu.enqueue_indirect_dma source(%dma_start3A_48 : memref<10240x64xf32, #tpu.memory_space<hbm>>) target(%arg13 : memref<125x64xf32, #tpu.memory_space<vmem>>) offsets(%dma_start3A_45 : memref<125xi32, #tpu.memory_space<vmem>>) semaphore(%arg20 : memref<!tpu.dma_semaphore, #tpu.memory_space<semaphore_mem>>)
    %scan3A_49 = arith.constant 0 : i32
    %scan3A_50 = arith.constant 0 : i32
    %scan3A_51 = arith.constant 15 : i32
    %scan3A_52 = arith.addi %scan3A_50, %scan3A_51 : i32
    %scan3A_53 = arith.constant 1 : i32
    scf.for %scan3A_101 = %scan3A_50 to %scan3A_52 step %scan3A_53  : i32 {
      %mul3A_102 = arith.constant 5 : i32
      %mul3A_103 = arith.muli %mul3A_102, %scan3A_101 : i32
      %add3A_104 = arith.constant 0 : i32
      %add3A_105 = arith.addi %mul3A_103, %add3A_104 : i32
      %dma_wait3A_106 = arith.constant 0 : i32
      %dma_wait3A_107 = tpu.memref_slice %arg7[%add3A_105, %dma_wait3A_106] : memref<80x125xi32, #tpu.memory_space<vmem>> -> memref<1x125xi32, #tpu.memory_space<vmem>>
      %dma_wait3A_108 = tpu.memref_squeeze %dma_wait3A_107 : memref<1x125xi32, #tpu.memory_space<vmem>> -> memref<125xi32, #tpu.memory_space<vmem>>
      %dma_wait3A_109 = arith.constant 0 : i32
      %dma_wait3A_110 = arith.constant 0 : i32
      %dma_wait3A_111 = tpu.memref_slice %arg2[%dma_wait3A_109, %dma_wait3A_110] : memref<10240x64xf32, #tpu.memory_space<hbm>> -> memref<10240x64xf32, #tpu.memory_space<hbm>>
      tpu.wait_indirect_dma semaphore(%arg16 : memref<!tpu.dma_semaphore, #tpu.memory_space<semaphore_mem>>) src(%dma_wait3A_111 : memref<10240x64xf32, #tpu.memory_space<hbm>>) dst(%arg9 : memref<125x64xf32, #tpu.memory_space<vmem>>)
      "tpu.region"() ({
        %run_scoped3A_192 = tpu.sem_alloc : memref<!tpu.dma_semaphore, #tpu.memory_space<semaphore_mem>>
        %dma_start3A_193 = arith.constant 0 : i32
        %dma_start3A_194 = tpu.memref_slice %arg8[%add3A_105, %dma_start3A_193] : memref<80x125xi32, #tpu.memory_space<vmem>> -> memref<1x125xi32, #tpu.memory_space<vmem>>
        %dma_start3A_195 = tpu.memref_squeeze %dma_start3A_194 : memref<1x125xi32, #tpu.memory_space<vmem>> -> memref<125xi32, #tpu.memory_space<vmem>>
        %dma_start3A_196 = arith.constant 0 : i32
        %dma_start3A_197 = arith.constant 0 : i32
        %dma_start3A_198 = tpu.memref_slice %arg15[%dma_start3A_196, %dma_start3A_197] : memref<10240x64xf32, #tpu.memory_space<vmem_shared>> -> memref<10240x64xf32, #tpu.memory_space<vmem_shared>>
        tpu.enqueue_indirect_dma source(%arg9 : memref<125x64xf32, #tpu.memory_space<vmem>>) target(%dma_start3A_198 : memref<10240x64xf32, #tpu.memory_space<vmem_shared>>) offsets(%dma_start3A_195 : memref<125xi32, #tpu.memory_space<vmem>>) semaphore(%run_scoped3A_192 : memref<!tpu.dma_semaphore, #tpu.memory_space<semaphore_mem>>) {add = true}
        %dma_wait3A_199 = arith.constant 0 : i32
        %dma_wait3A_200 = tpu.memref_slice %arg8[%add3A_105, %dma_wait3A_199] : memref<80x125xi32, #tpu.memory_space<vmem>> -> memref<1x125xi32, #tpu.memory_space<vmem>>
        %dma_wait3A_201 = tpu.memref_squeeze %dma_wait3A_200 : memref<1x125xi32, #tpu.memory_space<vmem>> -> memref<125xi32, #tpu.memory_space<vmem>>
        %dma_wait3A_202 = arith.constant 0 : i32
        %dma_wait3A_203 = arith.constant 0 : i32
        %dma_wait3A_204 = tpu.memref_slice %arg15[%dma_wait3A_202, %dma_wait3A_203] : memref<10240x64xf32, #tpu.memory_space<vmem_shared>> -> memref<10240x64xf32, #tpu.memory_space<vmem_shared>>
        tpu.wait_indirect_dma semaphore(%run_scoped3A_192 : memref<!tpu.dma_semaphore, #tpu.memory_space<semaphore_mem>>) src(%arg9 : memref<125x64xf32, #tpu.memory_space<vmem>>) dst(%dma_wait3A_204 : memref<10240x64xf32, #tpu.memory_space<vmem_shared>>)
        tpu.yield
      }) : () -> ()
      %add3A_112 = arith.constant 5 : i32
      %add3A_113 = arith.addi %add3A_105, %add3A_112 : i32
      %dma_start3A_114 = arith.constant 0 : i32
      %dma_start3A_115 = tpu.memref_slice %arg7[%add3A_113, %dma_start3A_114] : memref<80x125xi32, #tpu.memory_space<vmem>> -> memref<1x125xi32, #tpu.memory_space<vmem>>
      %dma_start3A_116 = tpu.memref_squeeze %dma_start3A_115 : memref<1x125xi32, #tpu.memory_space<vmem>> -> memref<125xi32, #tpu.memory_space<vmem>>
      %dma_start3A_117 = arith.constant 0 : i32
      %dma_start3A_118 = arith.constant 0 : i32
      %dma_start3A_119 = tpu.memref_slice %arg2[%dma_start3A_117, %dma_start3A_118] : memref<10240x64xf32, #tpu.memory_space<hbm>> -> memref<10240x64xf32, #tpu.memory_space<hbm>>
      tpu.enqueue_indirect_dma source(%dma_start3A_119 : memref<10240x64xf32, #tpu.memory_space<hbm>>) target(%arg9 : memref<125x64xf32, #tpu.memory_space<vmem>>) offsets(%dma_start3A_116 : memref<125xi32, #tpu.memory_space<vmem>>) semaphore(%arg16 : memref<!tpu.dma_semaphore, #tpu.memory_space<semaphore_mem>>)
      %mul3A_120 = arith.constant 5 : i32
      %mul3A_121 = arith.muli %mul3A_120, %scan3A_101 : i32
      %add3A_122 = arith.constant 1 : i32
      %add3A_123 = arith.addi %mul3A_121, %add3A_122 : i32
      %dma_wait3A_124 = arith.constant 0 : i32
      %dma_wait3A_125 = tpu.memref_slice %arg7[%add3A_123, %dma_wait3A_124] : memref<80x125xi32, #tpu.memory_space<vmem>> -> memref<1x125xi32, #tpu.memory_space<vmem>>
      %dma_wait3A_126 = tpu.memref_squeeze %dma_wait3A_125 : memref<1x125xi32, #tpu.memory_space<vmem>> -> memref<125xi32, #tpu.memory_space<vmem>>
      %dma_wait3A_127 = arith.constant 0 : i32
      %dma_wait3A_128 = arith.constant 0 : i32
      %dma_wait3A_129 = tpu.memref_slice %arg2[%dma_wait3A_127, %dma_wait3A_128] : memref<10240x64xf32, #tpu.memory_space<hbm>> -> memref<10240x64xf32, #tpu.memory_space<hbm>>
      tpu.wait_indirect_dma semaphore(%arg17 : memref<!tpu.dma_semaphore, #tpu.memory_space<semaphore_mem>>) src(%dma_wait3A_129 : memref<10240x64xf32, #tpu.memory_space<hbm>>) dst(%arg10 : memref<125x64xf32, #tpu.memory_space<vmem>>)
      "tpu.region"() ({
        %run_scoped3A_192 = tpu.sem_alloc : memref<!tpu.dma_semaphore, #tpu.memory_space<semaphore_mem>>
        %dma_start3A_193 = arith.constant 0 : i32
        %dma_start3A_194 = tpu.memref_slice %arg8[%add3A_123, %dma_start3A_193] : memref<80x125xi32, #tpu.memory_space<vmem>> -> memref<1x125xi32, #tpu.memory_space<vmem>>
        %dma_start3A_195 = tpu.memref_squeeze %dma_start3A_194 : memref<1x125xi32, #tpu.memory_space<vmem>> -> memref<125xi32, #tpu.memory_space<vmem>>
        %dma_start3A_196 = arith.constant 0 : i32
        %dma_start3A_197 = arith.constant 0 : i32
        %dma_start3A_198 = tpu.memref_slice %arg15[%dma_start3A_196, %dma_start3A_197] : memref<10240x64xf32, #tpu.memory_space<vmem_shared>> -> memref<10240x64xf32, #tpu.memory_space<vmem_shared>>
        tpu.enqueue_indirect_dma source(%arg10 : memref<125x64xf32, #tpu.memory_space<vmem>>) target(%dma_start3A_198 : memref<10240x64xf32, #tpu.memory_space<vmem_shared>>) offsets(%dma_start3A_195 : memref<125xi32, #tpu.memory_space<vmem>>) semaphore(%run_scoped3A_192 : memref<!tpu.dma_semaphore, #tpu.memory_space<semaphore_mem>>) {add = true}
        %dma_wait3A_199 = arith.constant 0 : i32
        %dma_wait3A_200 = tpu.memref_slice %arg8[%add3A_123, %dma_wait3A_199] : memref<80x125xi32, #tpu.memory_space<vmem>> -> memref<1x125xi32, #tpu.memory_space<vmem>>
        %dma_wait3A_201 = tpu.memref_squeeze %dma_wait3A_200 : memref<1x125xi32, #tpu.memory_space<vmem>> -> memref<125xi32, #tpu.memory_space<vmem>>
        %dma_wait3A_202 = arith.constant 0 : i32
        %dma_wait3A_203 = arith.constant 0 : i32
        %dma_wait3A_204 = tpu.memref_slice %arg15[%dma_wait3A_202, %dma_wait3A_203] : memref<10240x64xf32, #tpu.memory_space<vmem_shared>> -> memref<10240x64xf32, #tpu.memory_space<vmem_shared>>
        tpu.wait_indirect_dma semaphore(%run_scoped3A_192 : memref<!tpu.dma_semaphore, #tpu.memory_space<semaphore_mem>>) src(%arg10 : memref<125x64xf32, #tpu.memory_space<vmem>>) dst(%dma_wait3A_204 : memref<10240x64xf32, #tpu.memory_space<vmem_shared>>)
        tpu.yield
      }) : () -> ()
      %add3A_130 = arith.constant 5 : i32
      %add3A_131 = arith.addi %add3A_123, %add3A_130 : i32
      %dma_start3A_132 = arith.constant 0 : i32
      %dma_start3A_133 = tpu.memref_slice %arg7[%add3A_131, %dma_start3A_132] : memref<80x125xi32, #tpu.memory_space<vmem>> -> memref<1x125xi32, #tpu.memory_space<vmem>>
      %dma_start3A_134 = tpu.memref_squeeze %dma_start3A_133 : memref<1x125xi32, #tpu.memory_space<vmem>> -> memref<125xi32, #tpu.memory_space<vmem>>
      %dma_start3A_135 = arith.constant 0 : i32
      %dma_start3A_136 = arith.constant 0 : i32
      %dma_start3A_137 = tpu.memref_slice %arg2[%dma_start3A_135, %dma_start3A_136] : memref<10240x64xf32, #tpu.memory_space<hbm>> -> memref<10240x64xf32, #tpu.memory_space<hbm>>
      tpu.enqueue_indirect_dma source(%dma_start3A_137 : memref<10240x64xf32, #tpu.memory_space<hbm>>) target(%arg10 : memref<125x64xf32, #tpu.memory_space<vmem>>) offsets(%dma_start3A_134 : memref<125xi32, #tpu.memory_space<vmem>>) semaphore(%arg17 : memref<!tpu.dma_semaphore, #tpu.memory_space<semaphore_mem>>)
      %mul3A_138 = arith.constant 5 : i32
      %mul3A_139 = arith.muli %mul3A_138, %scan3A_101 : i32
      %add3A_140 = arith.constant 2 : i32
      %add3A_141 = arith.addi %mul3A_139, %add3A_140 : i32
      %dma_wait3A_142 = arith.constant 0 : i32
      %dma_wait3A_143 = tpu.memref_slice %arg7[%add3A_141, %dma_wait3A_142] : memref<80x125xi32, #tpu.memory_space<vmem>> -> memref<1x125xi32, #tpu.memory_space<vmem>>
      %dma_wait3A_144 = tpu.memref_squeeze %dma_wait3A_143 : memref<1x125xi32, #tpu.memory_space<vmem>> -> memref<125xi32, #tpu.memory_space<vmem>>
      %dma_wait3A_145 = arith.constant 0 : i32
      %dma_wait3A_146 = arith.constant 0 : i32
      %dma_wait3A_147 = tpu.memref_slice %arg2[%dma_wait3A_145, %dma_wait3A_146] : memref<10240x64xf32, #tpu.memory_space<hbm>> -> memref<10240x64xf32, #tpu.memory_space<hbm>>
      tpu.wait_indirect_dma semaphore(%arg18 : memref<!tpu.dma_semaphore, #tpu.memory_space<semaphore_mem>>) src(%dma_wait3A_147 : memref<10240x64xf32, #tpu.memory_space<hbm>>) dst(%arg11 : memref<125x64xf32, #tpu.memory_space<vmem>>)
      "tpu.region"() ({
        %run_scoped3A_192 = tpu.sem_alloc : memref<!tpu.dma_semaphore, #tpu.memory_space<semaphore_mem>>
        %dma_start3A_193 = arith.constant 0 : i32
        %dma_start3A_194 = tpu.memref_slice %arg8[%add3A_141, %dma_start3A_193] : memref<80x125xi32, #tpu.memory_space<vmem>> -> memref<1x125xi32, #tpu.memory_space<vmem>>
        %dma_start3A_195 = tpu.memref_squeeze %dma_start3A_194 : memref<1x125xi32, #tpu.memory_space<vmem>> -> memref<125xi32, #tpu.memory_space<vmem>>
        %dma_start3A_196 = arith.constant 0 : i32
        %dma_start3A_197 = arith.constant 0 : i32
        %dma_start3A_198 = tpu.memref_slice %arg15[%dma_start3A_196, %dma_start3A_197] : memref<10240x64xf32, #tpu.memory_space<vmem_shared>> -> memref<10240x64xf32, #tpu.memory_space<vmem_shared>>
        tpu.enqueue_indirect_dma source(%arg11 : memref<125x64xf32, #tpu.memory_space<vmem>>) target(%dma_start3A_198 : memref<10240x64xf32, #tpu.memory_space<vmem_shared>>) offsets(%dma_start3A_195 : memref<125xi32, #tpu.memory_space<vmem>>) semaphore(%run_scoped3A_192 : memref<!tpu.dma_semaphore, #tpu.memory_space<semaphore_mem>>) {add = true}
        %dma_wait3A_199 = arith.constant 0 : i32
        %dma_wait3A_200 = tpu.memref_slice %arg8[%add3A_141, %dma_wait3A_199] : memref<80x125xi32, #tpu.memory_space<vmem>> -> memref<1x125xi32, #tpu.memory_space<vmem>>
        %dma_wait3A_201 = tpu.memref_squeeze %dma_wait3A_200 : memref<1x125xi32, #tpu.memory_space<vmem>> -> memref<125xi32, #tpu.memory_space<vmem>>
        %dma_wait3A_202 = arith.constant 0 : i32
        %dma_wait3A_203 = arith.constant 0 : i32
        %dma_wait3A_204 = tpu.memref_slice %arg15[%dma_wait3A_202, %dma_wait3A_203] : memref<10240x64xf32, #tpu.memory_space<vmem_shared>> -> memref<10240x64xf32, #tpu.memory_space<vmem_shared>>
        tpu.wait_indirect_dma semaphore(%run_scoped3A_192 : memref<!tpu.dma_semaphore, #tpu.memory_space<semaphore_mem>>) src(%arg11 : memref<125x64xf32, #tpu.memory_space<vmem>>) dst(%dma_wait3A_204 : memref<10240x64xf32, #tpu.memory_space<vmem_shared>>)
        tpu.yield
      }) : () -> ()
      %add3A_148 = arith.constant 5 : i32
      %add3A_149 = arith.addi %add3A_141, %add3A_148 : i32
      %dma_start3A_150 = arith.constant 0 : i32
      %dma_start3A_151 = tpu.memref_slice %arg7[%add3A_149, %dma_start3A_150] : memref<80x125xi32, #tpu.memory_space<vmem>> -> memref<1x125xi32, #tpu.memory_space<vmem>>
      %dma_start3A_152 = tpu.memref_squeeze %dma_start3A_151 : memref<1x125xi32, #tpu.memory_space<vmem>> -> memref<125xi32, #tpu.memory_space<vmem>>
      %dma_start3A_153 = arith.constant 0 : i32
      %dma_start3A_154 = arith.constant 0 : i32
      %dma_start3A_155 = tpu.memref_slice %arg2[%dma_start3A_153, %dma_start3A_154] : memref<10240x64xf32, #tpu.memory_space<hbm>> -> memref<10240x64xf32, #tpu.memory_space<hbm>>
      tpu.enqueue_indirect_dma source(%dma_start3A_155 : memref<10240x64xf32, #tpu.memory_space<hbm>>) target(%arg11 : memref<125x64xf32, #tpu.memory_space<vmem>>) offsets(%dma_start3A_152 : memref<125xi32, #tpu.memory_space<vmem>>) semaphore(%arg18 : memref<!tpu.dma_semaphore, #tpu.memory_space<semaphore_mem>>)
      %mul3A_156 = arith.constant 5 : i32
      %mul3A_157 = arith.muli %mul3A_156, %scan3A_101 : i32
      %add3A_158 = arith.constant 3 : i32
      %add3A_159 = arith.addi %mul3A_157, %add3A_158 : i32
      %dma_wait3A_160 = arith.constant 0 : i32
      %dma_wait3A_161 = tpu.memref_slice %arg7[%add3A_159, %dma_wait3A_160] : memref<80x125xi32, #tpu.memory_space<vmem>> -> memref<1x125xi32, #tpu.memory_space<vmem>>
      %dma_wait3A_162 = tpu.memref_squeeze %dma_wait3A_161 : memref<1x125xi32, #tpu.memory_space<vmem>> -> memref<125xi32, #tpu.memory_space<vmem>>
      %dma_wait3A_163 = arith.constant 0 : i32
      %dma_wait3A_164 = arith.constant 0 : i32
      %dma_wait3A_165 = tpu.memref_slice %arg2[%dma_wait3A_163, %dma_wait3A_164] : memref<10240x64xf32, #tpu.memory_space<hbm>> -> memref<10240x64xf32, #tpu.memory_space<hbm>>
      tpu.wait_indirect_dma semaphore(%arg19 : memref<!tpu.dma_semaphore, #tpu.memory_space<semaphore_mem>>) src(%dma_wait3A_165 : memref<10240x64xf32, #tpu.memory_space<hbm>>) dst(%arg12 : memref<125x64xf32, #tpu.memory_space<vmem>>)
      "tpu.region"() ({
        %run_scoped3A_192 = tpu.sem_alloc : memref<!tpu.dma_semaphore, #tpu.memory_space<semaphore_mem>>
        %dma_start3A_193 = arith.constant 0 : i32
        %dma_start3A_194 = tpu.memref_slice %arg8[%add3A_159, %dma_start3A_193] : memref<80x125xi32, #tpu.memory_space<vmem>> -> memref<1x125xi32, #tpu.memory_space<vmem>>
        %dma_start3A_195 = tpu.memref_squeeze %dma_start3A_194 : memref<1x125xi32, #tpu.memory_space<vmem>> -> memref<125xi32, #tpu.memory_space<vmem>>
        %dma_start3A_196 = arith.constant 0 : i32
        %dma_start3A_197 = arith.constant 0 : i32
        %dma_start3A_198 = tpu.memref_slice %arg15[%dma_start3A_196, %dma_start3A_197] : memref<10240x64xf32, #tpu.memory_space<vmem_shared>> -> memref<10240x64xf32, #tpu.memory_space<vmem_shared>>
        tpu.enqueue_indirect_dma source(%arg12 : memref<125x64xf32, #tpu.memory_space<vmem>>) target(%dma_start3A_198 : memref<10240x64xf32, #tpu.memory_space<vmem_shared>>) offsets(%dma_start3A_195 : memref<125xi32, #tpu.memory_space<vmem>>) semaphore(%run_scoped3A_192 : memref<!tpu.dma_semaphore, #tpu.memory_space<semaphore_mem>>) {add = true}
        %dma_wait3A_199 = arith.constant 0 : i32
        %dma_wait3A_200 = tpu.memref_slice %arg8[%add3A_159, %dma_wait3A_199] : memref<80x125xi32, #tpu.memory_space<vmem>> -> memref<1x125xi32, #tpu.memory_space<vmem>>
        %dma_wait3A_201 = tpu.memref_squeeze %dma_wait3A_200 : memref<1x125xi32, #tpu.memory_space<vmem>> -> memref<125xi32, #tpu.memory_space<vmem>>
        %dma_wait3A_202 = arith.constant 0 : i32
        %dma_wait3A_203 = arith.constant 0 : i32
        %dma_wait3A_204 = tpu.memref_slice %arg15[%dma_wait3A_202, %dma_wait3A_203] : memref<10240x64xf32, #tpu.memory_space<vmem_shared>> -> memref<10240x64xf32, #tpu.memory_space<vmem_shared>>
        tpu.wait_indirect_dma semaphore(%run_scoped3A_192 : memref<!tpu.dma_semaphore, #tpu.memory_space<semaphore_mem>>) src(%arg12 : memref<125x64xf32, #tpu.memory_space<vmem>>) dst(%dma_wait3A_204 : memref<10240x64xf32, #tpu.memory_space<vmem_shared>>)
        tpu.yield
      }) : () -> ()
      %add3A_166 = arith.constant 5 : i32
      %add3A_167 = arith.addi %add3A_159, %add3A_166 : i32
      %dma_start3A_168 = arith.constant 0 : i32
      %dma_start3A_169 = tpu.memref_slice %arg7[%add3A_167, %dma_start3A_168] : memref<80x125xi32, #tpu.memory_space<vmem>> -> memref<1x125xi32, #tpu.memory_space<vmem>>
      %dma_start3A_170 = tpu.memref_squeeze %dma_start3A_169 : memref<1x125xi32, #tpu.memory_space<vmem>> -> memref<125xi32, #tpu.memory_space<vmem>>
      %dma_start3A_171 = arith.constant 0 : i32
      %dma_start3A_172 = arith.constant 0 : i32
      %dma_start3A_173 = tpu.memref_slice %arg2[%dma_start3A_171, %dma_start3A_172] : memref<10240x64xf32, #tpu.memory_space<hbm>> -> memref<10240x64xf32, #tpu.memory_space<hbm>>
      tpu.enqueue_indirect_dma source(%dma_start3A_173 : memref<10240x64xf32, #tpu.memory_space<hbm>>) target(%arg12 : memref<125x64xf32, #tpu.memory_space<vmem>>) offsets(%dma_start3A_170 : memref<125xi32, #tpu.memory_space<vmem>>) semaphore(%arg19 : memref<!tpu.dma_semaphore, #tpu.memory_space<semaphore_mem>>)
      %mul3A_174 = arith.constant 5 : i32
      %mul3A_175 = arith.muli %mul3A_174, %scan3A_101 : i32
      %add3A_176 = arith.constant 4 : i32
      %add3A_177 = arith.addi %mul3A_175, %add3A_176 : i32
      %dma_wait3A_178 = arith.constant 0 : i32
      %dma_wait3A_179 = tpu.memref_slice %arg7[%add3A_177, %dma_wait3A_178] : memref<80x125xi32, #tpu.memory_space<vmem>> -> memref<1x125xi32, #tpu.memory_space<vmem>>
      %dma_wait3A_180 = tpu.memref_squeeze %dma_wait3A_179 : memref<1x125xi32, #tpu.memory_space<vmem>> -> memref<125xi32, #tpu.memory_space<vmem>>
      %dma_wait3A_181 = arith.constant 0 : i32
      %dma_wait3A_182 = arith.constant 0 : i32
      %dma_wait3A_183 = tpu.memref_slice %arg2[%dma_wait3A_181, %dma_wait3A_182] : memref<10240x64xf32, #tpu.memory_space<hbm>> -> memref<10240x64xf32, #tpu.memory_space<hbm>>
      tpu.wait_indirect_dma semaphore(%arg20 : memref<!tpu.dma_semaphore, #tpu.memory_space<semaphore_mem>>) src(%dma_wait3A_183 : memref<10240x64xf32, #tpu.memory_space<hbm>>) dst(%arg13 : memref<125x64xf32, #tpu.memory_space<vmem>>)
      "tpu.region"() ({
        %run_scoped3A_192 = tpu.sem_alloc : memref<!tpu.dma_semaphore, #tpu.memory_space<semaphore_mem>>
        %dma_start3A_193 = arith.constant 0 : i32
        %dma_start3A_194 = tpu.memref_slice %arg8[%add3A_177, %dma_start3A_193] : memref<80x125xi32, #tpu.memory_space<vmem>> -> memref<1x125xi32, #tpu.memory_space<vmem>>
        %dma_start3A_195 = tpu.memref_squeeze %dma_start3A_194 : memref<1x125xi32, #tpu.memory_space<vmem>> -> memref<125xi32, #tpu.memory_space<vmem>>
        %dma_start3A_196 = arith.constant 0 : i32
        %dma_start3A_197 = arith.constant 0 : i32
        %dma_start3A_198 = tpu.memref_slice %arg15[%dma_start3A_196, %dma_start3A_197] : memref<10240x64xf32, #tpu.memory_space<vmem_shared>> -> memref<10240x64xf32, #tpu.memory_space<vmem_shared>>
        tpu.enqueue_indirect_dma source(%arg13 : memref<125x64xf32, #tpu.memory_space<vmem>>) target(%dma_start3A_198 : memref<10240x64xf32, #tpu.memory_space<vmem_shared>>) offsets(%dma_start3A_195 : memref<125xi32, #tpu.memory_space<vmem>>) semaphore(%run_scoped3A_192 : memref<!tpu.dma_semaphore, #tpu.memory_space<semaphore_mem>>) {add = true}
        %dma_wait3A_199 = arith.constant 0 : i32
        %dma_wait3A_200 = tpu.memref_slice %arg8[%add3A_177, %dma_wait3A_199] : memref<80x125xi32, #tpu.memory_space<vmem>> -> memref<1x125xi32, #tpu.memory_space<vmem>>
        %dma_wait3A_201 = tpu.memref_squeeze %dma_wait3A_200 : memref<1x125xi32, #tpu.memory_space<vmem>> -> memref<125xi32, #tpu.memory_space<vmem>>
        %dma_wait3A_202 = arith.constant 0 : i32
        %dma_wait3A_203 = arith.constant 0 : i32
        %dma_wait3A_204 = tpu.memref_slice %arg15[%dma_wait3A_202, %dma_wait3A_203] : memref<10240x64xf32, #tpu.memory_space<vmem_shared>> -> memref<10240x64xf32, #tpu.memory_space<vmem_shared>>
        tpu.wait_indirect_dma semaphore(%run_scoped3A_192 : memref<!tpu.dma_semaphore, #tpu.memory_space<semaphore_mem>>) src(%arg13 : memref<125x64xf32, #tpu.memory_space<vmem>>) dst(%dma_wait3A_204 : memref<10240x64xf32, #tpu.memory_space<vmem_shared>>)
        tpu.yield
      }) : () -> ()
      %add3A_184 = arith.constant 5 : i32
      %add3A_185 = arith.addi %add3A_177, %add3A_184 : i32
      %dma_start3A_186 = arith.constant 0 : i32
      %dma_start3A_187 = tpu.memref_slice %arg7[%add3A_185, %dma_start3A_186] : memref<80x125xi32, #tpu.memory_space<vmem>> -> memref<1x125xi32, #tpu.memory_space<vmem>>
      %dma_start3A_188 = tpu.memref_squeeze %dma_start3A_187 : memref<1x125xi32, #tpu.memory_space<vmem>> -> memref<125xi32, #tpu.memory_space<vmem>>
      %dma_start3A_189 = arith.constant 0 : i32
      %dma_start3A_190 = arith.constant 0 : i32
      %dma_start3A_191 = tpu.memref_slice %arg2[%dma_start3A_189, %dma_start3A_190] : memref<10240x64xf32, #tpu.memory_space<hbm>> -> memref<10240x64xf32, #tpu.memory_space<hbm>>
      tpu.enqueue_indirect_dma source(%dma_start3A_191 : memref<10240x64xf32, #tpu.memory_space<hbm>>) target(%arg13 : memref<125x64xf32, #tpu.memory_space<vmem>>) offsets(%dma_start3A_188 : memref<125xi32, #tpu.memory_space<vmem>>) semaphore(%arg20 : memref<!tpu.dma_semaphore, #tpu.memory_space<semaphore_mem>>)
    }
    %scan3A_54 = arith.constant 15 : i32
    %dma_wait3A = arith.constant 75 : i32
    %dma_wait3A_55 = arith.constant 0 : i32
    %dma_wait3A_56 = tpu.memref_slice %arg7[%dma_wait3A, %dma_wait3A_55] : memref<80x125xi32, #tpu.memory_space<vmem>> -> memref<1x125xi32, #tpu.memory_space<vmem>>
    %dma_wait3A_57 = tpu.memref_squeeze %dma_wait3A_56 : memref<1x125xi32, #tpu.memory_space<vmem>> -> memref<125xi32, #tpu.memory_space<vmem>>
    %dma_wait3A_58 = arith.constant 0 : i32
    %dma_wait3A_59 = arith.constant 0 : i32
    %dma_wait3A_60 = tpu.memref_slice %arg2[%dma_wait3A_58, %dma_wait3A_59] : memref<10240x64xf32, #tpu.memory_space<hbm>> -> memref<10240x64xf32, #tpu.memory_space<hbm>>
    tpu.wait_indirect_dma semaphore(%arg16 : memref<!tpu.dma_semaphore, #tpu.memory_space<semaphore_mem>>) src(%dma_wait3A_60 : memref<10240x64xf32, #tpu.memory_space<hbm>>) dst(%arg9 : memref<125x64xf32, #tpu.memory_space<vmem>>)
    %run_scoped3A = arith.constant 75 : i32
    "tpu.region"() ({
      %run_scoped3A_101 = tpu.sem_alloc : memref<!tpu.dma_semaphore, #tpu.memory_space<semaphore_mem>>
      %dma_start3A_102 = arith.constant 0 : i32
      %dma_start3A_103 = tpu.memref_slice %arg8[%run_scoped3A, %dma_start3A_102] : memref<80x125xi32, #tpu.memory_space<vmem>> -> memref<1x125xi32, #tpu.memory_space<vmem>>
      %dma_start3A_104 = tpu.memref_squeeze %dma_start3A_103 : memref<1x125xi32, #tpu.memory_space<vmem>> -> memref<125xi32, #tpu.memory_space<vmem>>
      %dma_start3A_105 = arith.constant 0 : i32
      %dma_start3A_106 = arith.constant 0 : i32
      %dma_start3A_107 = tpu.memref_slice %arg15[%dma_start3A_105, %dma_start3A_106] : memref<10240x64xf32, #tpu.memory_space<vmem_shared>> -> memref<10240x64xf32, #tpu.memory_space<vmem_shared>>
      tpu.enqueue_indirect_dma source(%arg9 : memref<125x64xf32, #tpu.memory_space<vmem>>) target(%dma_start3A_107 : memref<10240x64xf32, #tpu.memory_space<vmem_shared>>) offsets(%dma_start3A_104 : memref<125xi32, #tpu.memory_space<vmem>>) semaphore(%run_scoped3A_101 : memref<!tpu.dma_semaphore, #tpu.memory_space<semaphore_mem>>) {add = true}
      %dma_wait3A_108 = arith.constant 0 : i32
      %dma_wait3A_109 = tpu.memref_slice %arg8[%run_scoped3A, %dma_wait3A_108] : memref<80x125xi32, #tpu.memory_space<vmem>> -> memref<1x125xi32, #tpu.memory_space<vmem>>
      %dma_wait3A_110 = tpu.memref_squeeze %dma_wait3A_109 : memref<1x125xi32, #tpu.memory_space<vmem>> -> memref<125xi32, #tpu.memory_space<vmem>>
      %dma_wait3A_111 = arith.constant 0 : i32
      %dma_wait3A_112 = arith.constant 0 : i32
      %dma_wait3A_113 = tpu.memref_slice %arg15[%dma_wait3A_111, %dma_wait3A_112] : memref<10240x64xf32, #tpu.memory_space<vmem_shared>> -> memref<10240x64xf32, #tpu.memory_space<vmem_shared>>
      tpu.wait_indirect_dma semaphore(%run_scoped3A_101 : memref<!tpu.dma_semaphore, #tpu.memory_space<semaphore_mem>>) src(%arg9 : memref<125x64xf32, #tpu.memory_space<vmem>>) dst(%dma_wait3A_113 : memref<10240x64xf32, #tpu.memory_space<vmem_shared>>)
      tpu.yield
    }) : () -> ()
    %dma_wait3A_61 = arith.constant 76 : i32
    %dma_wait3A_62 = arith.constant 0 : i32
    %dma_wait3A_63 = tpu.memref_slice %arg7[%dma_wait3A_61, %dma_wait3A_62] : memref<80x125xi32, #tpu.memory_space<vmem>> -> memref<1x125xi32, #tpu.memory_space<vmem>>
    %dma_wait3A_64 = tpu.memref_squeeze %dma_wait3A_63 : memref<1x125xi32, #tpu.memory_space<vmem>> -> memref<125xi32, #tpu.memory_space<vmem>>
    %dma_wait3A_65 = arith.constant 0 : i32
    %dma_wait3A_66 = arith.constant 0 : i32
    %dma_wait3A_67 = tpu.memref_slice %arg2[%dma_wait3A_65, %dma_wait3A_66] : memref<10240x64xf32, #tpu.memory_space<hbm>> -> memref<10240x64xf32, #tpu.memory_space<hbm>>
    tpu.wait_indirect_dma semaphore(%arg17 : memref<!tpu.dma_semaphore, #tpu.memory_space<semaphore_mem>>) src(%dma_wait3A_67 : memref<10240x64xf32, #tpu.memory_space<hbm>>) dst(%arg10 : memref<125x64xf32, #tpu.memory_space<vmem>>)
    %run_scoped3A_68 = arith.constant 76 : i32
    "tpu.region"() ({
      %run_scoped3A_101 = tpu.sem_alloc : memref<!tpu.dma_semaphore, #tpu.memory_space<semaphore_mem>>
      %dma_start3A_102 = arith.constant 0 : i32
      %dma_start3A_103 = tpu.memref_slice %arg8[%run_scoped3A_68, %dma_start3A_102] : memref<80x125xi32, #tpu.memory_space<vmem>> -> memref<1x125xi32, #tpu.memory_space<vmem>>
      %dma_start3A_104 = tpu.memref_squeeze %dma_start3A_103 : memref<1x125xi32, #tpu.memory_space<vmem>> -> memref<125xi32, #tpu.memory_space<vmem>>
      %dma_start3A_105 = arith.constant 0 : i32
      %dma_start3A_106 = arith.constant 0 : i32
      %dma_start3A_107 = tpu.memref_slice %arg15[%dma_start3A_105, %dma_start3A_106] : memref<10240x64xf32, #tpu.memory_space<vmem_shared>> -> memref<10240x64xf32, #tpu.memory_space<vmem_shared>>
      tpu.enqueue_indirect_dma source(%arg10 : memref<125x64xf32, #tpu.memory_space<vmem>>) target(%dma_start3A_107 : memref<10240x64xf32, #tpu.memory_space<vmem_shared>>) offsets(%dma_start3A_104 : memref<125xi32, #tpu.memory_space<vmem>>) semaphore(%run_scoped3A_101 : memref<!tpu.dma_semaphore, #tpu.memory_space<semaphore_mem>>) {add = true}
      %dma_wait3A_108 = arith.constant 0 : i32
      %dma_wait3A_109 = tpu.memref_slice %arg8[%run_scoped3A_68, %dma_wait3A_108] : memref<80x125xi32, #tpu.memory_space<vmem>> -> memref<1x125xi32, #tpu.memory_space<vmem>>
      %dma_wait3A_110 = tpu.memref_squeeze %dma_wait3A_109 : memref<1x125xi32, #tpu.memory_space<vmem>> -> memref<125xi32, #tpu.memory_space<vmem>>
      %dma_wait3A_111 = arith.constant 0 : i32
      %dma_wait3A_112 = arith.constant 0 : i32
      %dma_wait3A_113 = tpu.memref_slice %arg15[%dma_wait3A_111, %dma_wait3A_112] : memref<10240x64xf32, #tpu.memory_space<vmem_shared>> -> memref<10240x64xf32, #tpu.memory_space<vmem_shared>>
      tpu.wait_indirect_dma semaphore(%run_scoped3A_101 : memref<!tpu.dma_semaphore, #tpu.memory_space<semaphore_mem>>) src(%arg10 : memref<125x64xf32, #tpu.memory_space<vmem>>) dst(%dma_wait3A_113 : memref<10240x64xf32, #tpu.memory_space<vmem_shared>>)
      tpu.yield
    }) : () -> ()
    %dma_wait3A_69 = arith.constant 77 : i32
    %dma_wait3A_70 = arith.constant 0 : i32
    %dma_wait3A_71 = tpu.memref_slice %arg7[%dma_wait3A_69, %dma_wait3A_70] : memref<80x125xi32, #tpu.memory_space<vmem>> -> memref<1x125xi32, #tpu.memory_space<vmem>>
    %dma_wait3A_72 = tpu.memref_squeeze %dma_wait3A_71 : memref<1x125xi32, #tpu.memory_space<vmem>> -> memref<125xi32, #tpu.memory_space<vmem>>
    %dma_wait3A_73 = arith.constant 0 : i32
    %dma_wait3A_74 = arith.constant 0 : i32
    %dma_wait3A_75 = tpu.memref_slice %arg2[%dma_wait3A_73, %dma_wait3A_74] : memref<10240x64xf32, #tpu.memory_space<hbm>> -> memref<10240x64xf32, #tpu.memory_space<hbm>>
    tpu.wait_indirect_dma semaphore(%arg18 : memref<!tpu.dma_semaphore, #tpu.memory_space<semaphore_mem>>) src(%dma_wait3A_75 : memref<10240x64xf32, #tpu.memory_space<hbm>>) dst(%arg11 : memref<125x64xf32, #tpu.memory_space<vmem>>)
    %run_scoped3A_76 = arith.constant 77 : i32
    "tpu.region"() ({
      %run_scoped3A_101 = tpu.sem_alloc : memref<!tpu.dma_semaphore, #tpu.memory_space<semaphore_mem>>
      %dma_start3A_102 = arith.constant 0 : i32
      %dma_start3A_103 = tpu.memref_slice %arg8[%run_scoped3A_76, %dma_start3A_102] : memref<80x125xi32, #tpu.memory_space<vmem>> -> memref<1x125xi32, #tpu.memory_space<vmem>>
      %dma_start3A_104 = tpu.memref_squeeze %dma_start3A_103 : memref<1x125xi32, #tpu.memory_space<vmem>> -> memref<125xi32, #tpu.memory_space<vmem>>
      %dma_start3A_105 = arith.constant 0 : i32
      %dma_start3A_106 = arith.constant 0 : i32
      %dma_start3A_107 = tpu.memref_slice %arg15[%dma_start3A_105, %dma_start3A_106] : memref<10240x64xf32, #tpu.memory_space<vmem_shared>> -> memref<10240x64xf32, #tpu.memory_space<vmem_shared>>
      tpu.enqueue_indirect_dma source(%arg11 : memref<125x64xf32, #tpu.memory_space<vmem>>) target(%dma_start3A_107 : memref<10240x64xf32, #tpu.memory_space<vmem_shared>>) offsets(%dma_start3A_104 : memref<125xi32, #tpu.memory_space<vmem>>) semaphore(%run_scoped3A_101 : memref<!tpu.dma_semaphore, #tpu.memory_space<semaphore_mem>>) {add = true}
      %dma_wait3A_108 = arith.constant 0 : i32
      %dma_wait3A_109 = tpu.memref_slice %arg8[%run_scoped3A_76, %dma_wait3A_108] : memref<80x125xi32, #tpu.memory_space<vmem>> -> memref<1x125xi32, #tpu.memory_space<vmem>>
      %dma_wait3A_110 = tpu.memref_squeeze %dma_wait3A_109 : memref<1x125xi32, #tpu.memory_space<vmem>> -> memref<125xi32, #tpu.memory_space<vmem>>
      %dma_wait3A_111 = arith.constant 0 : i32
      %dma_wait3A_112 = arith.constant 0 : i32
      %dma_wait3A_113 = tpu.memref_slice %arg15[%dma_wait3A_111, %dma_wait3A_112] : memref<10240x64xf32, #tpu.memory_space<vmem_shared>> -> memref<10240x64xf32, #tpu.memory_space<vmem_shared>>
      tpu.wait_indirect_dma semaphore(%run_scoped3A_101 : memref<!tpu.dma_semaphore, #tpu.memory_space<semaphore_mem>>) src(%arg11 : memref<125x64xf32, #tpu.memory_space<vmem>>) dst(%dma_wait3A_113 : memref<10240x64xf32, #tpu.memory_space<vmem_shared>>)
      tpu.yield
    }) : () -> ()
    %dma_wait3A_77 = arith.constant 78 : i32
    %dma_wait3A_78 = arith.constant 0 : i32
    %dma_wait3A_79 = tpu.memref_slice %arg7[%dma_wait3A_77, %dma_wait3A_78] : memref<80x125xi32, #tpu.memory_space<vmem>> -> memref<1x125xi32, #tpu.memory_space<vmem>>
    %dma_wait3A_80 = tpu.memref_squeeze %dma_wait3A_79 : memref<1x125xi32, #tpu.memory_space<vmem>> -> memref<125xi32, #tpu.memory_space<vmem>>
    %dma_wait3A_81 = arith.constant 0 : i32
    %dma_wait3A_82 = arith.constant 0 : i32
    %dma_wait3A_83 = tpu.memref_slice %arg2[%dma_wait3A_81, %dma_wait3A_82] : memref<10240x64xf32, #tpu.memory_space<hbm>> -> memref<10240x64xf32, #tpu.memory_space<hbm>>
    tpu.wait_indirect_dma semaphore(%arg19 : memref<!tpu.dma_semaphore, #tpu.memory_space<semaphore_mem>>) src(%dma_wait3A_83 : memref<10240x64xf32, #tpu.memory_space<hbm>>) dst(%arg12 : memref<125x64xf32, #tpu.memory_space<vmem>>)
    %run_scoped3A_84 = arith.constant 78 : i32
    "tpu.region"() ({
      %run_scoped3A_101 = tpu.sem_alloc : memref<!tpu.dma_semaphore, #tpu.memory_space<semaphore_mem>>
      %dma_start3A_102 = arith.constant 0 : i32
      %dma_start3A_103 = tpu.memref_slice %arg8[%run_scoped3A_84, %dma_start3A_102] : memref<80x125xi32, #tpu.memory_space<vmem>> -> memref<1x125xi32, #tpu.memory_space<vmem>>
      %dma_start3A_104 = tpu.memref_squeeze %dma_start3A_103 : memref<1x125xi32, #tpu.memory_space<vmem>> -> memref<125xi32, #tpu.memory_space<vmem>>
      %dma_start3A_105 = arith.constant 0 : i32
      %dma_start3A_106 = arith.constant 0 : i32
      %dma_start3A_107 = tpu.memref_slice %arg15[%dma_start3A_105, %dma_start3A_106] : memref<10240x64xf32, #tpu.memory_space<vmem_shared>> -> memref<10240x64xf32, #tpu.memory_space<vmem_shared>>
      tpu.enqueue_indirect_dma source(%arg12 : memref<125x64xf32, #tpu.memory_space<vmem>>) target(%dma_start3A_107 : memref<10240x64xf32, #tpu.memory_space<vmem_shared>>) offsets(%dma_start3A_104 : memref<125xi32, #tpu.memory_space<vmem>>) semaphore(%run_scoped3A_101 : memref<!tpu.dma_semaphore, #tpu.memory_space<semaphore_mem>>) {add = true}
      %dma_wait3A_108 = arith.constant 0 : i32
      %dma_wait3A_109 = tpu.memref_slice %arg8[%run_scoped3A_84, %dma_wait3A_108] : memref<80x125xi32, #tpu.memory_space<vmem>> -> memref<1x125xi32, #tpu.memory_space<vmem>>
      %dma_wait3A_110 = tpu.memref_squeeze %dma_wait3A_109 : memref<1x125xi32, #tpu.memory_space<vmem>> -> memref<125xi32, #tpu.memory_space<vmem>>
      %dma_wait3A_111 = arith.constant 0 : i32
      %dma_wait3A_112 = arith.constant 0 : i32
      %dma_wait3A_113 = tpu.memref_slice %arg15[%dma_wait3A_111, %dma_wait3A_112] : memref<10240x64xf32, #tpu.memory_space<vmem_shared>> -> memref<10240x64xf32, #tpu.memory_space<vmem_shared>>
      tpu.wait_indirect_dma semaphore(%run_scoped3A_101 : memref<!tpu.dma_semaphore, #tpu.memory_space<semaphore_mem>>) src(%arg12 : memref<125x64xf32, #tpu.memory_space<vmem>>) dst(%dma_wait3A_113 : memref<10240x64xf32, #tpu.memory_space<vmem_shared>>)
      tpu.yield
    }) : () -> ()
    %dma_wait3A_85 = arith.constant 79 : i32
    %dma_wait3A_86 = arith.constant 0 : i32
    %dma_wait3A_87 = tpu.memref_slice %arg7[%dma_wait3A_85, %dma_wait3A_86] : memref<80x125xi32, #tpu.memory_space<vmem>> -> memref<1x125xi32, #tpu.memory_space<vmem>>
    %dma_wait3A_88 = tpu.memref_squeeze %dma_wait3A_87 : memref<1x125xi32, #tpu.memory_space<vmem>> -> memref<125xi32, #tpu.memory_space<vmem>>
    %dma_wait3A_89 = arith.constant 0 : i32
    %dma_wait3A_90 = arith.constant 0 : i32
    %dma_wait3A_91 = tpu.memref_slice %arg2[%dma_wait3A_89, %dma_wait3A_90] : memref<10240x64xf32, #tpu.memory_space<hbm>> -> memref<10240x64xf32, #tpu.memory_space<hbm>>
    tpu.wait_indirect_dma semaphore(%arg20 : memref<!tpu.dma_semaphore, #tpu.memory_space<semaphore_mem>>) src(%dma_wait3A_91 : memref<10240x64xf32, #tpu.memory_space<hbm>>) dst(%arg13 : memref<125x64xf32, #tpu.memory_space<vmem>>)
    %run_scoped3A_92 = arith.constant 79 : i32
    "tpu.region"() ({
      %run_scoped3A_101 = tpu.sem_alloc : memref<!tpu.dma_semaphore, #tpu.memory_space<semaphore_mem>>
      %dma_start3A_102 = arith.constant 0 : i32
      %dma_start3A_103 = tpu.memref_slice %arg8[%run_scoped3A_92, %dma_start3A_102] : memref<80x125xi32, #tpu.memory_space<vmem>> -> memref<1x125xi32, #tpu.memory_space<vmem>>
      %dma_start3A_104 = tpu.memref_squeeze %dma_start3A_103 : memref<1x125xi32, #tpu.memory_space<vmem>> -> memref<125xi32, #tpu.memory_space<vmem>>
      %dma_start3A_105 = arith.constant 0 : i32
      %dma_start3A_106 = arith.constant 0 : i32
      %dma_start3A_107 = tpu.memref_slice %arg15[%dma_start3A_105, %dma_start3A_106] : memref<10240x64xf32, #tpu.memory_space<vmem_shared>> -> memref<10240x64xf32, #tpu.memory_space<vmem_shared>>
      tpu.enqueue_indirect_dma source(%arg13 : memref<125x64xf32, #tpu.memory_space<vmem>>) target(%dma_start3A_107 : memref<10240x64xf32, #tpu.memory_space<vmem_shared>>) offsets(%dma_start3A_104 : memref<125xi32, #tpu.memory_space<vmem>>) semaphore(%run_scoped3A_101 : memref<!tpu.dma_semaphore, #tpu.memory_space<semaphore_mem>>) {add = true}
      %dma_wait3A_108 = arith.constant 0 : i32
      %dma_wait3A_109 = tpu.memref_slice %arg8[%run_scoped3A_92, %dma_wait3A_108] : memref<80x125xi32, #tpu.memory_space<vmem>> -> memref<1x125xi32, #tpu.memory_space<vmem>>
      %dma_wait3A_110 = tpu.memref_squeeze %dma_wait3A_109 : memref<1x125xi32, #tpu.memory_space<vmem>> -> memref<125xi32, #tpu.memory_space<vmem>>
      %dma_wait3A_111 = arith.constant 0 : i32
      %dma_wait3A_112 = arith.constant 0 : i32
      %dma_wait3A_113 = tpu.memref_slice %arg15[%dma_wait3A_111, %dma_wait3A_112] : memref<10240x64xf32, #tpu.memory_space<vmem_shared>> -> memref<10240x64xf32, #tpu.memory_space<vmem_shared>>
      tpu.wait_indirect_dma semaphore(%run_scoped3A_101 : memref<!tpu.dma_semaphore, #tpu.memory_space<semaphore_mem>>) src(%arg13 : memref<125x64xf32, #tpu.memory_space<vmem>>) dst(%dma_wait3A_113 : memref<10240x64xf32, #tpu.memory_space<vmem_shared>>)
      tpu.yield
    }) : () -> ()
    %barrier3A_93 = arith.constant 0 : index
    tpu.barrier barrier_id(%barrier3A_93)
    %eq3A = arith.constant 0 : i32
    %eq3A_94 = arith.cmpi eq, %arg0, %eq3A : i32
    %convert_element_type3A = arith.extui %eq3A_94 : i1 to i32
    %cond3A = arith.constant 0 : i32
    %cond3A_95 = arith.cmpi ne, %convert_element_type3A, %cond3A : i32
    scf.if %cond3A_95 {
      %scan3A_101 = arith.constant 0 : i32
      %scan3A_102 = arith.constant 0 : i32
      %scan3A_103 = arith.constant 5 : i32
      %scan3A_104 = arith.addi %scan3A_102, %scan3A_103 : i32
      %scan3A_105 = arith.constant 1 : i32
      scf.for %scan3A_107 = %scan3A_102 to %scan3A_104 step %scan3A_105  : i32 {
        %mul3A_108 = arith.constant 128 : i32
        %mul3A_109 = arith.muli %scan3A_107, %mul3A_108 : i32
        %add3A_110 = arith.addi %mul3A_2, %mul3A_109 : i32
        "tpu.region"() ({
          %run_scoped3A_111 = tpu.sem_alloc : memref<!tpu.dma_semaphore, #tpu.memory_space<semaphore_mem>>
          %dma_start3A_112 = arith.constant 0 : i32
          %dma_start3A_113 = tpu.memref_slice %arg15[%add3A_110, %dma_start3A_112] : memref<10240x64xf32, #tpu.memory_space<vmem_shared>> -> memref<128x64xf32, #tpu.memory_space<vmem_shared>>
          %dma_start3A_114 = arith.constant 0 : i32
          %dma_start3A_115 = tpu.memref_slice %arg15[%add3A_110, %dma_start3A_114] : memref<10240x64xf32, #tpu.memory_space<vmem_shared>> -> memref<128x64xf32, #tpu.memory_space<vmem_shared>>
          tpu.enqueue_dma source(%dma_start3A_115 : memref<128x64xf32, #tpu.memory_space<vmem_shared>>) target(%arg14 : memref<128x64xf32, #tpu.memory_space<vmem>>) target_semaphore(%run_scoped3A_111 : memref<!tpu.dma_semaphore, #tpu.memory_space<semaphore_mem>>)
          %dma_wait3A_116 = arith.constant 0 : i32
          %dma_wait3A_117 = tpu.memref_slice %arg15[%add3A_110, %dma_wait3A_116] : memref<10240x64xf32, #tpu.memory_space<vmem_shared>> -> memref<128x64xf32, #tpu.memory_space<vmem_shared>>
          %dma_wait3A_118 = arith.constant 0 : i32
          %dma_wait3A_119 = tpu.memref_slice %arg15[%add3A_110, %dma_wait3A_118] : memref<10240x64xf32, #tpu.memory_space<vmem_shared>> -> memref<128x64xf32, #tpu.memory_space<vmem_shared>>
          tpu.wait_dma2 semaphore(%run_scoped3A_111 : memref<!tpu.dma_semaphore, #tpu.memory_space<semaphore_mem>>) src(%dma_wait3A_119 : memref<128x64xf32, #tpu.memory_space<vmem_shared>>) dst(%arg14 : memref<128x64xf32, #tpu.memory_space<vmem>>)
          tpu.yield
        }) : () -> ()
        "tpu.region"() ({
          %run_scoped3A_111 = tpu.sem_alloc : memref<!tpu.dma_semaphore, #tpu.memory_space<semaphore_mem>>
          %dma_start3A_112 = arith.constant 0 : i32
          %dma_start3A_113 = tpu.memref_slice %arg5[%add3A_110, %dma_start3A_112] : memref<10240x64xf32, #tpu.memory_space<hbm>> -> memref<128x64xf32, #tpu.memory_space<hbm>>
          %dma_start3A_114 = arith.constant 0 : i32
          %dma_start3A_115 = tpu.memref_slice %arg5[%add3A_110, %dma_start3A_114] : memref<10240x64xf32, #tpu.memory_space<hbm>> -> memref<128x64xf32, #tpu.memory_space<hbm>>
          tpu.enqueue_dma source(%arg14 : memref<128x64xf32, #tpu.memory_space<vmem>>) target(%dma_start3A_115 : memref<128x64xf32, #tpu.memory_space<hbm>>) target_semaphore(%run_scoped3A_111 : memref<!tpu.dma_semaphore, #tpu.memory_space<semaphore_mem>>)
          %dma_wait3A_116 = arith.constant 0 : i32
          %dma_wait3A_117 = tpu.memref_slice %arg5[%add3A_110, %dma_wait3A_116] : memref<10240x64xf32, #tpu.memory_space<hbm>> -> memref<128x64xf32, #tpu.memory_space<hbm>>
          %dma_wait3A_118 = arith.constant 0 : i32
          %dma_wait3A_119 = tpu.memref_slice %arg5[%add3A_110, %dma_wait3A_118] : memref<10240x64xf32, #tpu.memory_space<hbm>> -> memref<128x64xf32, #tpu.memory_space<hbm>>
          tpu.wait_dma2 semaphore(%run_scoped3A_111 : memref<!tpu.dma_semaphore, #tpu.memory_space<semaphore_mem>>) src(%arg14 : memref<128x64xf32, #tpu.memory_space<vmem>>) dst(%dma_wait3A_119 : memref<128x64xf32, #tpu.memory_space<hbm>>)
          tpu.yield
        }) : () -> ()
      }
      %scan3A_106 = arith.constant 5 : i32
    } else {
    }
    %eq3A_96 = arith.constant 1 : i32
    %eq3A_97 = arith.cmpi eq, %arg0, %eq3A_96 : i32
    %convert_element_type3A_98 = arith.extui %eq3A_97 : i1 to i32
    %cond3A_99 = arith.constant 0 : i32
    %cond3A_100 = arith.cmpi ne, %convert_element_type3A_98, %cond3A_99 : i32
    scf.if %cond3A_100 {
      %scan3A_101 = arith.constant 0 : i32
      %scan3A_102 = arith.constant 0 : i32
      %scan3A_103 = arith.constant 5 : i32
      %scan3A_104 = arith.addi %scan3A_102, %scan3A_103 : i32
      %scan3A_105 = arith.constant 1 : i32
      scf.for %scan3A_107 = %scan3A_102 to %scan3A_104 step %scan3A_105  : i32 {
        %mul3A_108 = arith.constant 128 : i32
        %mul3A_109 = arith.muli %scan3A_107, %mul3A_108 : i32
        %add3A_110 = arith.addi %mul3A_2, %mul3A_109 : i32
        "tpu.region"() ({
          %run_scoped3A_111 = tpu.sem_alloc : memref<!tpu.dma_semaphore, #tpu.memory_space<semaphore_mem>>
          %dma_start3A_112 = arith.constant 0 : i32
          %dma_start3A_113 = tpu.memref_slice %arg15[%add3A_110, %dma_start3A_112] : memref<10240x64xf32, #tpu.memory_space<vmem_shared>> -> memref<128x64xf32, #tpu.memory_space<vmem_shared>>
          %dma_start3A_114 = arith.constant 0 : i32
          %dma_start3A_115 = tpu.memref_slice %arg15[%add3A_110, %dma_start3A_114] : memref<10240x64xf32, #tpu.memory_space<vmem_shared>> -> memref<128x64xf32, #tpu.memory_space<vmem_shared>>
          tpu.enqueue_dma source(%dma_start3A_115 : memref<128x64xf32, #tpu.memory_space<vmem_shared>>) target(%arg14 : memref<128x64xf32, #tpu.memory_space<vmem>>) target_semaphore(%run_scoped3A_111 : memref<!tpu.dma_semaphore, #tpu.memory_space<semaphore_mem>>)
          %dma_wait3A_116 = arith.constant 0 : i32
          %dma_wait3A_117 = tpu.memref_slice %arg15[%add3A_110, %dma_wait3A_116] : memref<10240x64xf32, #tpu.memory_space<vmem_shared>> -> memref<128x64xf32, #tpu.memory_space<vmem_shared>>
          %dma_wait3A_118 = arith.constant 0 : i32
          %dma_wait3A_119 = tpu.memref_slice %arg15[%add3A_110, %dma_wait3A_118] : memref<10240x64xf32, #tpu.memory_space<vmem_shared>> -> memref<128x64xf32, #tpu.memory_space<vmem_shared>>
          tpu.wait_dma2 semaphore(%run_scoped3A_111 : memref<!tpu.dma_semaphore, #tpu.memory_space<semaphore_mem>>) src(%dma_wait3A_119 : memref<128x64xf32, #tpu.memory_space<vmem_shared>>) dst(%arg14 : memref<128x64xf32, #tpu.memory_space<vmem>>)
          tpu.yield
        }) : () -> ()
        "tpu.region"() ({
          %run_scoped3A_111 = tpu.sem_alloc : memref<!tpu.dma_semaphore, #tpu.memory_space<semaphore_mem>>
          %dma_start3A_112 = arith.constant 0 : i32
          %dma_start3A_113 = tpu.memref_slice %arg6[%add3A_110, %dma_start3A_112] : memref<10240x64xf32, #tpu.memory_space<hbm>> -> memref<128x64xf32, #tpu.memory_space<hbm>>
          %dma_start3A_114 = arith.constant 0 : i32
          %dma_start3A_115 = tpu.memref_slice %arg6[%add3A_110, %dma_start3A_114] : memref<10240x64xf32, #tpu.memory_space<hbm>> -> memref<128x64xf32, #tpu.memory_space<hbm>>
          tpu.enqueue_dma source(%arg14 : memref<128x64xf32, #tpu.memory_space<vmem>>) target(%dma_start3A_115 : memref<128x64xf32, #tpu.memory_space<hbm>>) target_semaphore(%run_scoped3A_111 : memref<!tpu.dma_semaphore, #tpu.memory_space<semaphore_mem>>)
          %dma_wait3A_116 = arith.constant 0 : i32
          %dma_wait3A_117 = tpu.memref_slice %arg6[%add3A_110, %dma_wait3A_116] : memref<10240x64xf32, #tpu.memory_space<hbm>> -> memref<128x64xf32, #tpu.memory_space<hbm>>
          %dma_wait3A_118 = arith.constant 0 : i32
          %dma_wait3A_119 = tpu.memref_slice %arg6[%add3A_110, %dma_wait3A_118] : memref<10240x64xf32, #tpu.memory_space<hbm>> -> memref<128x64xf32, #tpu.memory_space<hbm>>
          tpu.wait_dma2 semaphore(%run_scoped3A_111 : memref<!tpu.dma_semaphore, #tpu.memory_space<semaphore_mem>>) src(%arg14 : memref<128x64xf32, #tpu.memory_space<vmem>>) dst(%dma_wait3A_119 : memref<128x64xf32, #tpu.memory_space<hbm>>)
          tpu.yield
        }) : () -> ()
      }
      %scan3A_106 = arith.constant 5 : i32
    } else {
    }
    return
  }
}

#map = affine_map<(d0, d1) -> (0, 0)>
module attributes {stable_mosaic.version = 14 : i64} {
  func.func @sc_gcn_degree(%arg0: i32, %arg1: i32, %arg2: memref<2x320000xi32, #tpu.memory_space<hbm>>, %arg3: memref<10240x16xf32, #tpu.memory_space<hbm>>, %arg4: memref<10240x16xf32, #tpu.memory_space<hbm>>, %arg5: memref<125x80xi32, #tpu.memory_space<vmem>>, %arg6: memref<80x16xf32, #tpu.memory_space<vmem>>, %arg7: memref<128x16xf32, #tpu.memory_space<vmem>>, %arg8: memref<10240x16xf32, #tpu.memory_space<vmem_shared>>, %arg9: memref<!tpu.dma_semaphore, #tpu.memory_space<semaphore_mem>>) attributes {dimension_semantics = [#tpu.dimension_semantics<core_parallel>, #tpu.dimension_semantics<subcore_parallel>], iteration_bounds = array<i64: 2, 16>, scalar_prefetch = 0 : i64, scratch_operands = 5 : i64, tpu.core_type = #tpu.core_type<sc_vector_subcore>, window_params = [{transform_indices = #map}, {transform_indices = #map}, {transform_indices = #map}]} {
    %mul3A = arith.constant 16 : i32
    %mul3A_0 = arith.muli %arg0, %mul3A : i32
    %add3A = arith.addi %mul3A_0, %arg1 : i32
    %mul3A_1 = arith.constant 10000 : i32
    %mul3A_2 = arith.muli %add3A, %mul3A_1 : i32
    %scan3A = arith.constant 0 : i32
    %scan3A_3 = arith.constant 0 : i32
    %scan3A_4 = arith.constant 125 : i32
    %scan3A_5 = arith.addi %scan3A_3, %scan3A_4 : i32
    %scan3A_6 = arith.constant 1 : i32
    scf.for %scan3A_57 = %scan3A_3 to %scan3A_5 step %scan3A_6  : i32 {
      %mul3A_58 = arith.constant 80 : i32
      %mul3A_59 = arith.muli %scan3A_57, %mul3A_58 : i32
      %add3A_60 = arith.addi %mul3A_2, %mul3A_59 : i32
      %dma_start3A = arith.constant 1 : i32
      %dma_start3A_61 = arith.constant 0 : i32
      %dma_start3A_62 = tpu.memref_slice %arg5[%scan3A_57, %dma_start3A_61] : memref<125x80xi32, #tpu.memory_space<vmem>> -> memref<1x80xi32, #tpu.memory_space<vmem>>
      %dma_start3A_63 = tpu.memref_squeeze %dma_start3A_62 : memref<1x80xi32, #tpu.memory_space<vmem>> -> memref<80xi32, #tpu.memory_space<vmem>>
      %dma_start3A_64 = tpu.memref_slice %arg2[%dma_start3A, %add3A_60] : memref<2x320000xi32, #tpu.memory_space<hbm>> -> memref<1x80xi32, #tpu.memory_space<hbm>>
      %dma_start3A_65 = tpu.memref_squeeze %dma_start3A_64 : memref<1x80xi32, #tpu.memory_space<hbm>> -> memref<80xi32, #tpu.memory_space<hbm>>
      %dma_start3A_66 = arith.constant 0 : i32
      %dma_start3A_67 = tpu.memref_slice %arg5[%scan3A_57, %dma_start3A_66] : memref<125x80xi32, #tpu.memory_space<vmem>> -> memref<1x80xi32, #tpu.memory_space<vmem>>
      %dma_start3A_68 = tpu.memref_squeeze %dma_start3A_67 : memref<1x80xi32, #tpu.memory_space<vmem>> -> memref<80xi32, #tpu.memory_space<vmem>>
      %dma_start3A_69 = tpu.memref_slice %arg2[%dma_start3A, %add3A_60] : memref<2x320000xi32, #tpu.memory_space<hbm>> -> memref<1x80xi32, #tpu.memory_space<hbm>>
      %dma_start3A_70 = tpu.memref_squeeze %dma_start3A_69 : memref<1x80xi32, #tpu.memory_space<hbm>> -> memref<80xi32, #tpu.memory_space<hbm>>
      tpu.enqueue_dma source(%dma_start3A_70 : memref<80xi32, #tpu.memory_space<hbm>>) target(%dma_start3A_68 : memref<80xi32, #tpu.memory_space<vmem>>) target_semaphore(%arg9 : memref<!tpu.dma_semaphore, #tpu.memory_space<semaphore_mem>>)
    }
    %scan3A_7 = arith.constant 125 : i32
    %scan3A_8 = arith.constant 0 : i32
    %scan3A_9 = arith.constant 0 : i32
    %scan3A_10 = arith.constant 125 : i32
    %scan3A_11 = arith.addi %scan3A_9, %scan3A_10 : i32
    %scan3A_12 = arith.constant 1 : i32
    scf.for %scan3A_57 = %scan3A_9 to %scan3A_11 step %scan3A_12  : i32 {
      %mul3A_58 = arith.constant 80 : i32
      %mul3A_59 = arith.muli %scan3A_57, %mul3A_58 : i32
      %add3A_60 = arith.addi %mul3A_2, %mul3A_59 : i32
      %dma_wait3A = arith.constant 1 : i32
      %dma_wait3A_61 = arith.constant 0 : i32
      %dma_wait3A_62 = tpu.memref_slice %arg5[%scan3A_57, %dma_wait3A_61] : memref<125x80xi32, #tpu.memory_space<vmem>> -> memref<1x80xi32, #tpu.memory_space<vmem>>
      %dma_wait3A_63 = tpu.memref_squeeze %dma_wait3A_62 : memref<1x80xi32, #tpu.memory_space<vmem>> -> memref<80xi32, #tpu.memory_space<vmem>>
      %dma_wait3A_64 = tpu.memref_slice %arg2[%dma_wait3A, %add3A_60] : memref<2x320000xi32, #tpu.memory_space<hbm>> -> memref<1x80xi32, #tpu.memory_space<hbm>>
      %dma_wait3A_65 = tpu.memref_squeeze %dma_wait3A_64 : memref<1x80xi32, #tpu.memory_space<hbm>> -> memref<80xi32, #tpu.memory_space<hbm>>
      %dma_wait3A_66 = arith.constant 0 : i32
      %dma_wait3A_67 = tpu.memref_slice %arg5[%scan3A_57, %dma_wait3A_66] : memref<125x80xi32, #tpu.memory_space<vmem>> -> memref<1x80xi32, #tpu.memory_space<vmem>>
      %dma_wait3A_68 = tpu.memref_squeeze %dma_wait3A_67 : memref<1x80xi32, #tpu.memory_space<vmem>> -> memref<80xi32, #tpu.memory_space<vmem>>
      %dma_wait3A_69 = tpu.memref_slice %arg2[%dma_wait3A, %add3A_60] : memref<2x320000xi32, #tpu.memory_space<hbm>> -> memref<1x80xi32, #tpu.memory_space<hbm>>
      %dma_wait3A_70 = tpu.memref_squeeze %dma_wait3A_69 : memref<1x80xi32, #tpu.memory_space<hbm>> -> memref<80xi32, #tpu.memory_space<hbm>>
      tpu.wait_dma2 semaphore(%arg9 : memref<!tpu.dma_semaphore, #tpu.memory_space<semaphore_mem>>) src(%dma_wait3A_70 : memref<80xi32, #tpu.memory_space<hbm>>) dst(%dma_wait3A_68 : memref<80xi32, #tpu.memory_space<vmem>>)
    }
    %scan3A_13 = arith.constant 125 : i32
    %broadcast_in_dim3A = arith.constant 1.000000e+00 : f32
    %broadcast_in_dim3A_14 = vector.broadcast %broadcast_in_dim3A : f32 to vector<16xf32>
    %scan3A_15 = arith.constant 0 : i32
    %scan3A_16 = arith.constant 0 : i32
    %scan3A_17 = arith.constant 80 : i32
    %scan3A_18 = arith.addi %scan3A_16, %scan3A_17 : i32
    %scan3A_19 = arith.constant 1 : i32
    scf.for %scan3A_57 = %scan3A_16 to %scan3A_18 step %scan3A_19  : i32 {
      %swap3A = arith.index_cast %scan3A_57 : i32 to index
      %swap3A_58 = arith.constant 0 : index
      %swap3A_59 = tpu.vector_load %arg6[%swap3A, %swap3A_58] {strides = array<i32>} : memref<80x16xf32, #tpu.memory_space<vmem>>, vector<1x16xf32>,
      %swap3A_60 = vector.shape_cast %swap3A_59 : vector<1x16xf32> to vector<16xf32>
      %swap3A_61 = vector.shape_cast %broadcast_in_dim3A_14 : vector<16xf32> to vector<1x16xf32>
      tpu.vector_store %arg6[%swap3A, %swap3A_58], %swap3A_61 {strides = array<i32>} : memref<80x16xf32, #tpu.memory_space<vmem>>, vector<1x16xf32>,
    }
    %scan3A_20 = arith.constant 80 : i32
    %broadcast_in_dim3A_21 = arith.constant 0.000000e+00 : f32
    %broadcast_in_dim3A_22 = vector.broadcast %broadcast_in_dim3A_21 : f32 to vector<16xf32>
    %scan3A_23 = arith.constant 0 : i32
    %scan3A_24 = arith.constant 0 : i32
    %scan3A_25 = arith.constant 128 : i32
    %scan3A_26 = arith.addi %scan3A_24, %scan3A_25 : i32
    %scan3A_27 = arith.constant 1 : i32
    scf.for %scan3A_57 = %scan3A_24 to %scan3A_26 step %scan3A_27  : i32 {
      %swap3A = arith.index_cast %scan3A_57 : i32 to index
      %swap3A_58 = arith.constant 0 : index
      %swap3A_59 = tpu.vector_load %arg7[%swap3A, %swap3A_58] {strides = array<i32>} : memref<128x16xf32, #tpu.memory_space<vmem>>, vector<1x16xf32>,
      %swap3A_60 = vector.shape_cast %swap3A_59 : vector<1x16xf32> to vector<16xf32>
      %swap3A_61 = vector.shape_cast %broadcast_in_dim3A_22 : vector<16xf32> to vector<1x16xf32>
      tpu.vector_store %arg7[%swap3A, %swap3A_58], %swap3A_61 {strides = array<i32>} : memref<128x16xf32, #tpu.memory_space<vmem>>, vector<1x16xf32>,
    }
    %scan3A_28 = arith.constant 128 : i32
    %mul3A_29 = arith.constant 640 : i32
    %mul3A_30 = arith.muli %arg1, %mul3A_29 : i32
    %scan3A_31 = arith.constant 0 : i32
    %scan3A_32 = arith.constant 0 : i32
    %scan3A_33 = arith.constant 5 : i32
    %scan3A_34 = arith.addi %scan3A_32, %scan3A_33 : i32
    %scan3A_35 = arith.constant 1 : i32
    scf.for %scan3A_57 = %scan3A_32 to %scan3A_34 step %scan3A_35  : i32 {
      %mul3A_58 = arith.constant 128 : i32
      %mul3A_59 = arith.muli %scan3A_57, %mul3A_58 : i32
      %add3A_60 = arith.addi %mul3A_30, %mul3A_59 : i32
      "tpu.region"() ({
        %run_scoped3A = tpu.sem_alloc : memref<!tpu.dma_semaphore, #tpu.memory_space<semaphore_mem>>
        %dma_start3A = arith.constant 0 : i32
        %dma_start3A_61 = tpu.memref_slice %arg8[%add3A_60, %dma_start3A] : memref<10240x16xf32, #tpu.memory_space<vmem_shared>> -> memref<128x16xf32, #tpu.memory_space<vmem_shared>>
        %dma_start3A_62 = arith.constant 0 : i32
        %dma_start3A_63 = tpu.memref_slice %arg8[%add3A_60, %dma_start3A_62] : memref<10240x16xf32, #tpu.memory_space<vmem_shared>> -> memref<128x16xf32, #tpu.memory_space<vmem_shared>>
        tpu.enqueue_dma source(%arg7 : memref<128x16xf32, #tpu.memory_space<vmem>>) target(%dma_start3A_63 : memref<128x16xf32, #tpu.memory_space<vmem_shared>>) target_semaphore(%run_scoped3A : memref<!tpu.dma_semaphore, #tpu.memory_space<semaphore_mem>>)
        %dma_wait3A = arith.constant 0 : i32
        %dma_wait3A_64 = tpu.memref_slice %arg8[%add3A_60, %dma_wait3A] : memref<10240x16xf32, #tpu.memory_space<vmem_shared>> -> memref<128x16xf32, #tpu.memory_space<vmem_shared>>
        %dma_wait3A_65 = arith.constant 0 : i32
        %dma_wait3A_66 = tpu.memref_slice %arg8[%add3A_60, %dma_wait3A_65] : memref<10240x16xf32, #tpu.memory_space<vmem_shared>> -> memref<128x16xf32, #tpu.memory_space<vmem_shared>>
        tpu.wait_dma2 semaphore(%run_scoped3A : memref<!tpu.dma_semaphore, #tpu.memory_space<semaphore_mem>>) src(%arg7 : memref<128x16xf32, #tpu.memory_space<vmem>>) dst(%dma_wait3A_66 : memref<128x16xf32, #tpu.memory_space<vmem_shared>>)
        tpu.yield
      }) : () -> ()
    }
    %scan3A_36 = arith.constant 5 : i32
    %barrier3A = arith.constant 0 : index
    tpu.barrier barrier_id(%barrier3A)
    %scan3A_37 = arith.constant 0 : i32
    %scan3A_38 = arith.constant 0 : i32
    %scan3A_39 = arith.constant 125 : i32
    %scan3A_40 = arith.addi %scan3A_38, %scan3A_39 : i32
    %scan3A_41 = arith.constant 1 : i32
    scf.for %scan3A_57 = %scan3A_38 to %scan3A_40 step %scan3A_41  : i32 {
      %dma_start3A = arith.constant 0 : i32
      %dma_start3A_58 = tpu.memref_slice %arg5[%scan3A_57, %dma_start3A] : memref<125x80xi32, #tpu.memory_space<vmem>> -> memref<1x80xi32, #tpu.memory_space<vmem>>
      %dma_start3A_59 = tpu.memref_squeeze %dma_start3A_58 : memref<1x80xi32, #tpu.memory_space<vmem>> -> memref<80xi32, #tpu.memory_space<vmem>>
      %dma_start3A_60 = arith.constant 0 : i32
      %dma_start3A_61 = arith.constant 0 : i32
      %dma_start3A_62 = tpu.memref_slice %arg8[%dma_start3A_60, %dma_start3A_61] : memref<10240x16xf32, #tpu.memory_space<vmem_shared>> -> memref<10240x16xf32, #tpu.memory_space<vmem_shared>>
      tpu.enqueue_indirect_dma source(%arg6 : memref<80x16xf32, #tpu.memory_space<vmem>>) target(%dma_start3A_62 : memref<10240x16xf32, #tpu.memory_space<vmem_shared>>) offsets(%dma_start3A_59 : memref<80xi32, #tpu.memory_space<vmem>>) semaphore(%arg9 : memref<!tpu.dma_semaphore, #tpu.memory_space<semaphore_mem>>) {add = true}
    }
    %scan3A_42 = arith.constant 125 : i32
    %scan3A_43 = arith.constant 0 : i32
    %scan3A_44 = arith.constant 0 : i32
    %scan3A_45 = arith.constant 125 : i32
    %scan3A_46 = arith.addi %scan3A_44, %scan3A_45 : i32
    %scan3A_47 = arith.constant 1 : i32
    scf.for %scan3A_57 = %scan3A_44 to %scan3A_46 step %scan3A_47  : i32 {
      %dma_wait3A = arith.constant 0 : i32
      %dma_wait3A_58 = tpu.memref_slice %arg5[%scan3A_57, %dma_wait3A] : memref<125x80xi32, #tpu.memory_space<vmem>> -> memref<1x80xi32, #tpu.memory_space<vmem>>
      %dma_wait3A_59 = tpu.memref_squeeze %dma_wait3A_58 : memref<1x80xi32, #tpu.memory_space<vmem>> -> memref<80xi32, #tpu.memory_space<vmem>>
      %dma_wait3A_60 = arith.constant 0 : i32
      %dma_wait3A_61 = arith.constant 0 : i32
      %dma_wait3A_62 = tpu.memref_slice %arg8[%dma_wait3A_60, %dma_wait3A_61] : memref<10240x16xf32, #tpu.memory_space<vmem_shared>> -> memref<10240x16xf32, #tpu.memory_space<vmem_shared>>
      tpu.wait_indirect_dma semaphore(%arg9 : memref<!tpu.dma_semaphore, #tpu.memory_space<semaphore_mem>>) src(%arg6 : memref<80x16xf32, #tpu.memory_space<vmem>>) dst(%dma_wait3A_62 : memref<10240x16xf32, #tpu.memory_space<vmem_shared>>)
    }
    %scan3A_48 = arith.constant 125 : i32
    %barrier3A_49 = arith.constant 0 : index
    tpu.barrier barrier_id(%barrier3A_49)
    %eq3A = arith.constant 0 : i32
    %eq3A_50 = arith.cmpi eq, %arg0, %eq3A : i32
    %convert_element_type3A = arith.extui %eq3A_50 : i1 to i32
    %cond3A = arith.constant 0 : i32
    %cond3A_51 = arith.cmpi ne, %convert_element_type3A, %cond3A : i32
    scf.if %cond3A_51 {
      %scan3A_57 = arith.constant 0 : i32
      %scan3A_58 = arith.constant 0 : i32
      %scan3A_59 = arith.constant 5 : i32
      %scan3A_60 = arith.addi %scan3A_58, %scan3A_59 : i32
      %scan3A_61 = arith.constant 1 : i32
      scf.for %scan3A_63 = %scan3A_58 to %scan3A_60 step %scan3A_61  : i32 {
        %mul3A_64 = arith.constant 128 : i32
        %mul3A_65 = arith.muli %scan3A_63, %mul3A_64 : i32
        %add3A_66 = arith.addi %mul3A_30, %mul3A_65 : i32
        "tpu.region"() ({
          %run_scoped3A = tpu.sem_alloc : memref<!tpu.dma_semaphore, #tpu.memory_space<semaphore_mem>>
          %dma_start3A = arith.constant 0 : i32
          %dma_start3A_67 = tpu.memref_slice %arg8[%add3A_66, %dma_start3A] : memref<10240x16xf32, #tpu.memory_space<vmem_shared>> -> memref<128x16xf32, #tpu.memory_space<vmem_shared>>
          %dma_start3A_68 = arith.constant 0 : i32
          %dma_start3A_69 = tpu.memref_slice %arg8[%add3A_66, %dma_start3A_68] : memref<10240x16xf32, #tpu.memory_space<vmem_shared>> -> memref<128x16xf32, #tpu.memory_space<vmem_shared>>
          tpu.enqueue_dma source(%dma_start3A_69 : memref<128x16xf32, #tpu.memory_space<vmem_shared>>) target(%arg7 : memref<128x16xf32, #tpu.memory_space<vmem>>) target_semaphore(%run_scoped3A : memref<!tpu.dma_semaphore, #tpu.memory_space<semaphore_mem>>)
          %dma_wait3A = arith.constant 0 : i32
          %dma_wait3A_70 = tpu.memref_slice %arg8[%add3A_66, %dma_wait3A] : memref<10240x16xf32, #tpu.memory_space<vmem_shared>> -> memref<128x16xf32, #tpu.memory_space<vmem_shared>>
          %dma_wait3A_71 = arith.constant 0 : i32
          %dma_wait3A_72 = tpu.memref_slice %arg8[%add3A_66, %dma_wait3A_71] : memref<10240x16xf32, #tpu.memory_space<vmem_shared>> -> memref<128x16xf32, #tpu.memory_space<vmem_shared>>
          tpu.wait_dma2 semaphore(%run_scoped3A : memref<!tpu.dma_semaphore, #tpu.memory_space<semaphore_mem>>) src(%dma_wait3A_72 : memref<128x16xf32, #tpu.memory_space<vmem_shared>>) dst(%arg7 : memref<128x16xf32, #tpu.memory_space<vmem>>)
          tpu.yield
        }) : () -> ()
        "tpu.region"() ({
          %run_scoped3A = tpu.sem_alloc : memref<!tpu.dma_semaphore, #tpu.memory_space<semaphore_mem>>
          %dma_start3A = arith.constant 0 : i32
          %dma_start3A_67 = tpu.memref_slice %arg3[%add3A_66, %dma_start3A] : memref<10240x16xf32, #tpu.memory_space<hbm>> -> memref<128x16xf32, #tpu.memory_space<hbm>>
          %dma_start3A_68 = arith.constant 0 : i32
          %dma_start3A_69 = tpu.memref_slice %arg3[%add3A_66, %dma_start3A_68] : memref<10240x16xf32, #tpu.memory_space<hbm>> -> memref<128x16xf32, #tpu.memory_space<hbm>>
          tpu.enqueue_dma source(%arg7 : memref<128x16xf32, #tpu.memory_space<vmem>>) target(%dma_start3A_69 : memref<128x16xf32, #tpu.memory_space<hbm>>) target_semaphore(%run_scoped3A : memref<!tpu.dma_semaphore, #tpu.memory_space<semaphore_mem>>)
          %dma_wait3A = arith.constant 0 : i32
          %dma_wait3A_70 = tpu.memref_slice %arg3[%add3A_66, %dma_wait3A] : memref<10240x16xf32, #tpu.memory_space<hbm>> -> memref<128x16xf32, #tpu.memory_space<hbm>>
          %dma_wait3A_71 = arith.constant 0 : i32
          %dma_wait3A_72 = tpu.memref_slice %arg3[%add3A_66, %dma_wait3A_71] : memref<10240x16xf32, #tpu.memory_space<hbm>> -> memref<128x16xf32, #tpu.memory_space<hbm>>
          tpu.wait_dma2 semaphore(%run_scoped3A : memref<!tpu.dma_semaphore, #tpu.memory_space<semaphore_mem>>) src(%arg7 : memref<128x16xf32, #tpu.memory_space<vmem>>) dst(%dma_wait3A_72 : memref<128x16xf32, #tpu.memory_space<hbm>>)
          tpu.yield
        }) : () -> ()
      }
      %scan3A_62 = arith.constant 5 : i32
    } else {
    }
    %eq3A_52 = arith.constant 1 : i32
    %eq3A_53 = arith.cmpi eq, %arg0, %eq3A_52 : i32
    %convert_element_type3A_54 = arith.extui %eq3A_53 : i1 to i32
    %cond3A_55 = arith.constant 0 : i32
    %cond3A_56 = arith.cmpi ne, %convert_element_type3A_54, %cond3A_55 : i32
    scf.if %cond3A_56 {
      %scan3A_57 = arith.constant 0 : i32
      %scan3A_58 = arith.constant 0 : i32
      %scan3A_59 = arith.constant 5 : i32
      %scan3A_60 = arith.addi %scan3A_58, %scan3A_59 : i32
      %scan3A_61 = arith.constant 1 : i32
      scf.for %scan3A_63 = %scan3A_58 to %scan3A_60 step %scan3A_61  : i32 {
        %mul3A_64 = arith.constant 128 : i32
        %mul3A_65 = arith.muli %scan3A_63, %mul3A_64 : i32
        %add3A_66 = arith.addi %mul3A_30, %mul3A_65 : i32
        "tpu.region"() ({
          %run_scoped3A = tpu.sem_alloc : memref<!tpu.dma_semaphore, #tpu.memory_space<semaphore_mem>>
          %dma_start3A = arith.constant 0 : i32
          %dma_start3A_67 = tpu.memref_slice %arg8[%add3A_66, %dma_start3A] : memref<10240x16xf32, #tpu.memory_space<vmem_shared>> -> memref<128x16xf32, #tpu.memory_space<vmem_shared>>
          %dma_start3A_68 = arith.constant 0 : i32
          %dma_start3A_69 = tpu.memref_slice %arg8[%add3A_66, %dma_start3A_68] : memref<10240x16xf32, #tpu.memory_space<vmem_shared>> -> memref<128x16xf32, #tpu.memory_space<vmem_shared>>
          tpu.enqueue_dma source(%dma_start3A_69 : memref<128x16xf32, #tpu.memory_space<vmem_shared>>) target(%arg7 : memref<128x16xf32, #tpu.memory_space<vmem>>) target_semaphore(%run_scoped3A : memref<!tpu.dma_semaphore, #tpu.memory_space<semaphore_mem>>)
          %dma_wait3A = arith.constant 0 : i32
          %dma_wait3A_70 = tpu.memref_slice %arg8[%add3A_66, %dma_wait3A] : memref<10240x16xf32, #tpu.memory_space<vmem_shared>> -> memref<128x16xf32, #tpu.memory_space<vmem_shared>>
          %dma_wait3A_71 = arith.constant 0 : i32
          %dma_wait3A_72 = tpu.memref_slice %arg8[%add3A_66, %dma_wait3A_71] : memref<10240x16xf32, #tpu.memory_space<vmem_shared>> -> memref<128x16xf32, #tpu.memory_space<vmem_shared>>
          tpu.wait_dma2 semaphore(%run_scoped3A : memref<!tpu.dma_semaphore, #tpu.memory_space<semaphore_mem>>) src(%dma_wait3A_72 : memref<128x16xf32, #tpu.memory_space<vmem_shared>>) dst(%arg7 : memref<128x16xf32, #tpu.memory_space<vmem>>)
          tpu.yield
        }) : () -> ()
        "tpu.region"() ({
          %run_scoped3A = tpu.sem_alloc : memref<!tpu.dma_semaphore, #tpu.memory_space<semaphore_mem>>
          %dma_start3A = arith.constant 0 : i32
          %dma_start3A_67 = tpu.memref_slice %arg4[%add3A_66, %dma_start3A] : memref<10240x16xf32, #tpu.memory_space<hbm>> -> memref<128x16xf32, #tpu.memory_space<hbm>>
          %dma_start3A_68 = arith.constant 0 : i32
          %dma_start3A_69 = tpu.memref_slice %arg4[%add3A_66, %dma_start3A_68] : memref<10240x16xf32, #tpu.memory_space<hbm>> -> memref<128x16xf32, #tpu.memory_space<hbm>>
          tpu.enqueue_dma source(%arg7 : memref<128x16xf32, #tpu.memory_space<vmem>>) target(%dma_start3A_69 : memref<128x16xf32, #tpu.memory_space<hbm>>) target_semaphore(%run_scoped3A : memref<!tpu.dma_semaphore, #tpu.memory_space<semaphore_mem>>)
          %dma_wait3A = arith.constant 0 : i32
          %dma_wait3A_70 = tpu.memref_slice %arg4[%add3A_66, %dma_wait3A] : memref<10240x16xf32, #tpu.memory_space<hbm>> -> memref<128x16xf32, #tpu.memory_space<hbm>>
          %dma_wait3A_71 = arith.constant 0 : i32
          %dma_wait3A_72 = tpu.memref_slice %arg4[%add3A_66, %dma_wait3A_71] : memref<10240x16xf32, #tpu.memory_space<hbm>> -> memref<128x16xf32, #tpu.memory_space<hbm>>
          tpu.wait_dma2 semaphore(%run_scoped3A : memref<!tpu.dma_semaphore, #tpu.memory_space<semaphore_mem>>) src(%arg7 : memref<128x16xf32, #tpu.memory_space<vmem>>) dst(%dma_wait3A_72 : memref<128x16xf32, #tpu.memory_space<hbm>>)
          tpu.yield
        }) : () -> ()
      }
      %scan3A_62 = arith.constant 5 : i32
    } else {
    }
    return
  }
}

#map = affine_map<(d0, d1) -> (0, 0)>
#map1 = affine_map<(d0, d1) -> (0, 0, 0)>
module attributes {stable_mosaic.version = 14 : i64} {
  func.func @sc_gcn_agg_16(%arg0: i32, %arg1: i32, %arg2: memref<10240x16xf32, #tpu.memory_space<hbm>>, %arg3: memref<32x80x125xi32, #tpu.memory_space<hbm>>, %arg4: memref<32x80x125xi32, #tpu.memory_space<hbm>>, %arg5: memref<10240x16xf32, #tpu.memory_space<hbm>>, %arg6: memref<10240x16xf32, #tpu.memory_space<hbm>>, %arg7: memref<80x125xi32, #tpu.memory_space<vmem>>, %arg8: memref<80x125xi32, #tpu.memory_space<vmem>>, %arg9: memref<125x16xf32, #tpu.memory_space<vmem>>, %arg10: memref<125x16xf32, #tpu.memory_space<vmem>>, %arg11: memref<125x16xf32, #tpu.memory_space<vmem>>, %arg12: memref<125x16xf32, #tpu.memory_space<vmem>>, %arg13: memref<125x16xf32, #tpu.memory_space<vmem>>, %arg14: memref<128x16xf32, #tpu.memory_space<vmem>>, %arg15: memref<10240x16xf32, #tpu.memory_space<vmem_shared>>, %arg16: memref<!tpu.dma_semaphore, #tpu.memory_space<semaphore_mem>>, %arg17: memref<!tpu.dma_semaphore, #tpu.memory_space<semaphore_mem>>, %arg18: memref<!tpu.dma_semaphore, #tpu.memory_space<semaphore_mem>>, %arg19: memref<!tpu.dma_semaphore, #tpu.memory_space<semaphore_mem>>, %arg20: memref<!tpu.dma_semaphore, #tpu.memory_space<semaphore_mem>>, %arg21: memref<10240x16xf32, #tpu.memory_space<vmem_shared>>) attributes {dimension_semantics = [#tpu.dimension_semantics<core_parallel>, #tpu.dimension_semantics<subcore_parallel>], iteration_bounds = array<i64: 2, 16>, scalar_prefetch = 0 : i64, scratch_operands = 15 : i64, tpu.core_type = #tpu.core_type<sc_vector_subcore>, window_params = [{transform_indices = #map}, {transform_indices = #map1}, {transform_indices = #map1}, {transform_indices = #map}, {transform_indices = #map}]} {
    %mul3A = arith.constant 16 : i32
    %mul3A_0 = arith.muli %arg0, %mul3A : i32
    %add3A = arith.addi %mul3A_0, %arg1 : i32
    "tpu.region"() ({
      %run_scoped3A_107 = tpu.sem_alloc : memref<!tpu.dma_semaphore, #tpu.memory_space<semaphore_mem>>
      %dma_start3A_108 = arith.constant 0 : i32
      %dma_start3A_109 = arith.constant 0 : i32
      %dma_start3A_110 = tpu.memref_slice %arg3[%add3A, %dma_start3A_108, %dma_start3A_109] : memref<32x80x125xi32, #tpu.memory_space<hbm>> -> memref<1x80x125xi32, #tpu.memory_space<hbm>>
      %dma_start3A_111 = tpu.memref_squeeze %dma_start3A_110 : memref<1x80x125xi32, #tpu.memory_space<hbm>> -> memref<80x125xi32, #tpu.memory_space<hbm>>
      %dma_start3A_112 = arith.constant 0 : i32
      %dma_start3A_113 = arith.constant 0 : i32
      %dma_start3A_114 = tpu.memref_slice %arg3[%add3A, %dma_start3A_112, %dma_start3A_113] : memref<32x80x125xi32, #tpu.memory_space<hbm>> -> memref<1x80x125xi32, #tpu.memory_space<hbm>>
      %dma_start3A_115 = tpu.memref_squeeze %dma_start3A_114 : memref<1x80x125xi32, #tpu.memory_space<hbm>> -> memref<80x125xi32, #tpu.memory_space<hbm>>
      tpu.enqueue_dma source(%dma_start3A_115 : memref<80x125xi32, #tpu.memory_space<hbm>>) target(%arg7 : memref<80x125xi32, #tpu.memory_space<vmem>>) target_semaphore(%run_scoped3A_107 : memref<!tpu.dma_semaphore, #tpu.memory_space<semaphore_mem>>)
      %dma_wait3A_116 = arith.constant 0 : i32
      %dma_wait3A_117 = arith.constant 0 : i32
      %dma_wait3A_118 = tpu.memref_slice %arg3[%add3A, %dma_wait3A_116, %dma_wait3A_117] : memref<32x80x125xi32, #tpu.memory_space<hbm>> -> memref<1x80x125xi32, #tpu.memory_space<hbm>>
      %dma_wait3A_119 = tpu.memref_squeeze %dma_wait3A_118 : memref<1x80x125xi32, #tpu.memory_space<hbm>> -> memref<80x125xi32, #tpu.memory_space<hbm>>
      %dma_wait3A_120 = arith.constant 0 : i32
      %dma_wait3A_121 = arith.constant 0 : i32
      %dma_wait3A_122 = tpu.memref_slice %arg3[%add3A, %dma_wait3A_120, %dma_wait3A_121] : memref<32x80x125xi32, #tpu.memory_space<hbm>> -> memref<1x80x125xi32, #tpu.memory_space<hbm>>
      %dma_wait3A_123 = tpu.memref_squeeze %dma_wait3A_122 : memref<1x80x125xi32, #tpu.memory_space<hbm>> -> memref<80x125xi32, #tpu.memory_space<hbm>>
      tpu.wait_dma2 semaphore(%run_scoped3A_107 : memref<!tpu.dma_semaphore, #tpu.memory_space<semaphore_mem>>) src(%dma_wait3A_123 : memref<80x125xi32, #tpu.memory_space<hbm>>) dst(%arg7 : memref<80x125xi32, #tpu.memory_space<vmem>>)
      tpu.yield
    }) : () -> ()
    "tpu.region"() ({
      %run_scoped3A_107 = tpu.sem_alloc : memref<!tpu.dma_semaphore, #tpu.memory_space<semaphore_mem>>
      %dma_start3A_108 = arith.constant 0 : i32
      %dma_start3A_109 = arith.constant 0 : i32
      %dma_start3A_110 = tpu.memref_slice %arg4[%add3A, %dma_start3A_108, %dma_start3A_109] : memref<32x80x125xi32, #tpu.memory_space<hbm>> -> memref<1x80x125xi32, #tpu.memory_space<hbm>>
      %dma_start3A_111 = tpu.memref_squeeze %dma_start3A_110 : memref<1x80x125xi32, #tpu.memory_space<hbm>> -> memref<80x125xi32, #tpu.memory_space<hbm>>
      %dma_start3A_112 = arith.constant 0 : i32
      %dma_start3A_113 = arith.constant 0 : i32
      %dma_start3A_114 = tpu.memref_slice %arg4[%add3A, %dma_start3A_112, %dma_start3A_113] : memref<32x80x125xi32, #tpu.memory_space<hbm>> -> memref<1x80x125xi32, #tpu.memory_space<hbm>>
      %dma_start3A_115 = tpu.memref_squeeze %dma_start3A_114 : memref<1x80x125xi32, #tpu.memory_space<hbm>> -> memref<80x125xi32, #tpu.memory_space<hbm>>
      tpu.enqueue_dma source(%dma_start3A_115 : memref<80x125xi32, #tpu.memory_space<hbm>>) target(%arg8 : memref<80x125xi32, #tpu.memory_space<vmem>>) target_semaphore(%run_scoped3A_107 : memref<!tpu.dma_semaphore, #tpu.memory_space<semaphore_mem>>)
      %dma_wait3A_116 = arith.constant 0 : i32
      %dma_wait3A_117 = arith.constant 0 : i32
      %dma_wait3A_118 = tpu.memref_slice %arg4[%add3A, %dma_wait3A_116, %dma_wait3A_117] : memref<32x80x125xi32, #tpu.memory_space<hbm>> -> memref<1x80x125xi32, #tpu.memory_space<hbm>>
      %dma_wait3A_119 = tpu.memref_squeeze %dma_wait3A_118 : memref<1x80x125xi32, #tpu.memory_space<hbm>> -> memref<80x125xi32, #tpu.memory_space<hbm>>
      %dma_wait3A_120 = arith.constant 0 : i32
      %dma_wait3A_121 = arith.constant 0 : i32
      %dma_wait3A_122 = tpu.memref_slice %arg4[%add3A, %dma_wait3A_120, %dma_wait3A_121] : memref<32x80x125xi32, #tpu.memory_space<hbm>> -> memref<1x80x125xi32, #tpu.memory_space<hbm>>
      %dma_wait3A_123 = tpu.memref_squeeze %dma_wait3A_122 : memref<1x80x125xi32, #tpu.memory_space<hbm>> -> memref<80x125xi32, #tpu.memory_space<hbm>>
      tpu.wait_dma2 semaphore(%run_scoped3A_107 : memref<!tpu.dma_semaphore, #tpu.memory_space<semaphore_mem>>) src(%dma_wait3A_123 : memref<80x125xi32, #tpu.memory_space<hbm>>) dst(%arg8 : memref<80x125xi32, #tpu.memory_space<vmem>>)
      tpu.yield
    }) : () -> ()
    %mul3A_1 = arith.constant 640 : i32
    %mul3A_2 = arith.muli %arg1, %mul3A_1 : i32
    %scan3A = arith.constant 0 : i32
    %scan3A_3 = arith.constant 0 : i32
    %scan3A_4 = arith.constant 5 : i32
    %scan3A_5 = arith.addi %scan3A_3, %scan3A_4 : i32
    %scan3A_6 = arith.constant 1 : i32
    scf.for %scan3A_107 = %scan3A_3 to %scan3A_5 step %scan3A_6  : i32 {
      %mul3A_108 = arith.constant 128 : i32
      %mul3A_109 = arith.muli %scan3A_107, %mul3A_108 : i32
      %add3A_110 = arith.addi %mul3A_2, %mul3A_109 : i32
      "tpu.region"() ({
        %run_scoped3A_111 = tpu.sem_alloc : memref<!tpu.dma_semaphore, #tpu.memory_space<semaphore_mem>>
        %dma_start3A_112 = arith.constant 0 : i32
        %dma_start3A_113 = tpu.memref_slice %arg2[%add3A_110, %dma_start3A_112] : memref<10240x16xf32, #tpu.memory_space<hbm>> -> memref<128x16xf32, #tpu.memory_space<hbm>>
        %dma_start3A_114 = arith.constant 0 : i32
        %dma_start3A_115 = tpu.memref_slice %arg2[%add3A_110, %dma_start3A_114] : memref<10240x16xf32, #tpu.memory_space<hbm>> -> memref<128x16xf32, #tpu.memory_space<hbm>>
        tpu.enqueue_dma source(%dma_start3A_115 : memref<128x16xf32, #tpu.memory_space<hbm>>) target(%arg14 : memref<128x16xf32, #tpu.memory_space<vmem>>) target_semaphore(%run_scoped3A_111 : memref<!tpu.dma_semaphore, #tpu.memory_space<semaphore_mem>>)
        %dma_wait3A_116 = arith.constant 0 : i32
        %dma_wait3A_117 = tpu.memref_slice %arg2[%add3A_110, %dma_wait3A_116] : memref<10240x16xf32, #tpu.memory_space<hbm>> -> memref<128x16xf32, #tpu.memory_space<hbm>>
        %dma_wait3A_118 = arith.constant 0 : i32
        %dma_wait3A_119 = tpu.memref_slice %arg2[%add3A_110, %dma_wait3A_118] : memref<10240x16xf32, #tpu.memory_space<hbm>> -> memref<128x16xf32, #tpu.memory_space<hbm>>
        tpu.wait_dma2 semaphore(%run_scoped3A_111 : memref<!tpu.dma_semaphore, #tpu.memory_space<semaphore_mem>>) src(%dma_wait3A_119 : memref<128x16xf32, #tpu.memory_space<hbm>>) dst(%arg14 : memref<128x16xf32, #tpu.memory_space<vmem>>)
        tpu.yield
      }) : () -> ()
      "tpu.region"() ({
        %run_scoped3A_111 = tpu.sem_alloc : memref<!tpu.dma_semaphore, #tpu.memory_space<semaphore_mem>>
        %dma_start3A_112 = arith.constant 0 : i32
        %dma_start3A_113 = tpu.memref_slice %arg21[%add3A_110, %dma_start3A_112] : memref<10240x16xf32, #tpu.memory_space<vmem_shared>> -> memref<128x16xf32, #tpu.memory_space<vmem_shared>>
        %dma_start3A_114 = arith.constant 0 : i32
        %dma_start3A_115 = tpu.memref_slice %arg21[%add3A_110, %dma_start3A_114] : memref<10240x16xf32, #tpu.memory_space<vmem_shared>> -> memref<128x16xf32, #tpu.memory_space<vmem_shared>>
        tpu.enqueue_dma source(%arg14 : memref<128x16xf32, #tpu.memory_space<vmem>>) target(%dma_start3A_115 : memref<128x16xf32, #tpu.memory_space<vmem_shared>>) target_semaphore(%run_scoped3A_111 : memref<!tpu.dma_semaphore, #tpu.memory_space<semaphore_mem>>)
        %dma_wait3A_116 = arith.constant 0 : i32
        %dma_wait3A_117 = tpu.memref_slice %arg21[%add3A_110, %dma_wait3A_116] : memref<10240x16xf32, #tpu.memory_space<vmem_shared>> -> memref<128x16xf32, #tpu.memory_space<vmem_shared>>
        %dma_wait3A_118 = arith.constant 0 : i32
        %dma_wait3A_119 = tpu.memref_slice %arg21[%add3A_110, %dma_wait3A_118] : memref<10240x16xf32, #tpu.memory_space<vmem_shared>> -> memref<128x16xf32, #tpu.memory_space<vmem_shared>>
        tpu.wait_dma2 semaphore(%run_scoped3A_111 : memref<!tpu.dma_semaphore, #tpu.memory_space<semaphore_mem>>) src(%arg14 : memref<128x16xf32, #tpu.memory_space<vmem>>) dst(%dma_wait3A_119 : memref<128x16xf32, #tpu.memory_space<vmem_shared>>)
        tpu.yield
      }) : () -> ()
    }
    %scan3A_7 = arith.constant 5 : i32
    %broadcast_in_dim3A = arith.constant 0.000000e+00 : f32
    %broadcast_in_dim3A_8 = vector.broadcast %broadcast_in_dim3A : f32 to vector<16xf32>
    %scan3A_9 = arith.constant 0 : i32
    %scan3A_10 = arith.constant 0 : i32
    %scan3A_11 = arith.constant 128 : i32
    %scan3A_12 = arith.addi %scan3A_10, %scan3A_11 : i32
    %scan3A_13 = arith.constant 1 : i32
    scf.for %scan3A_107 = %scan3A_10 to %scan3A_12 step %scan3A_13  : i32 {
      %swap3A = arith.index_cast %scan3A_107 : i32 to index
      %swap3A_108 = arith.constant 0 : index
      %swap3A_109 = tpu.vector_load %arg14[%swap3A, %swap3A_108] {strides = array<i32>} : memref<128x16xf32, #tpu.memory_space<vmem>>, vector<1x16xf32>,
      %swap3A_110 = vector.shape_cast %swap3A_109 : vector<1x16xf32> to vector<16xf32>
      %swap3A_111 = vector.shape_cast %broadcast_in_dim3A_8 : vector<16xf32> to vector<1x16xf32>
      tpu.vector_store %arg14[%swap3A, %swap3A_108], %swap3A_111 {strides = array<i32>} : memref<128x16xf32, #tpu.memory_space<vmem>>, vector<1x16xf32>,
    }
    %scan3A_14 = arith.constant 128 : i32
    %scan3A_15 = arith.constant 0 : i32
    %scan3A_16 = arith.constant 0 : i32
    %scan3A_17 = arith.constant 5 : i32
    %scan3A_18 = arith.addi %scan3A_16, %scan3A_17 : i32
    %scan3A_19 = arith.constant 1 : i32
    scf.for %scan3A_107 = %scan3A_16 to %scan3A_18 step %scan3A_19  : i32 {
      %mul3A_108 = arith.constant 128 : i32
      %mul3A_109 = arith.muli %scan3A_107, %mul3A_108 : i32
      %add3A_110 = arith.addi %mul3A_2, %mul3A_109 : i32
      "tpu.region"() ({
        %run_scoped3A_111 = tpu.sem_alloc : memref<!tpu.dma_semaphore, #tpu.memory_space<semaphore_mem>>
        %dma_start3A_112 = arith.constant 0 : i32
        %dma_start3A_113 = tpu.memref_slice %arg15[%add3A_110, %dma_start3A_112] : memref<10240x16xf32, #tpu.memory_space<vmem_shared>> -> memref<128x16xf32, #tpu.memory_space<vmem_shared>>
        %dma_start3A_114 = arith.constant 0 : i32
        %dma_start3A_115 = tpu.memref_slice %arg15[%add3A_110, %dma_start3A_114] : memref<10240x16xf32, #tpu.memory_space<vmem_shared>> -> memref<128x16xf32, #tpu.memory_space<vmem_shared>>
        tpu.enqueue_dma source(%arg14 : memref<128x16xf32, #tpu.memory_space<vmem>>) target(%dma_start3A_115 : memref<128x16xf32, #tpu.memory_space<vmem_shared>>) target_semaphore(%run_scoped3A_111 : memref<!tpu.dma_semaphore, #tpu.memory_space<semaphore_mem>>)
        %dma_wait3A_116 = arith.constant 0 : i32
        %dma_wait3A_117 = tpu.memref_slice %arg15[%add3A_110, %dma_wait3A_116] : memref<10240x16xf32, #tpu.memory_space<vmem_shared>> -> memref<128x16xf32, #tpu.memory_space<vmem_shared>>
        %dma_wait3A_118 = arith.constant 0 : i32
        %dma_wait3A_119 = tpu.memref_slice %arg15[%add3A_110, %dma_wait3A_118] : memref<10240x16xf32, #tpu.memory_space<vmem_shared>> -> memref<128x16xf32, #tpu.memory_space<vmem_shared>>
        tpu.wait_dma2 semaphore(%run_scoped3A_111 : memref<!tpu.dma_semaphore, #tpu.memory_space<semaphore_mem>>) src(%arg14 : memref<128x16xf32, #tpu.memory_space<vmem>>) dst(%dma_wait3A_119 : memref<128x16xf32, #tpu.memory_space<vmem_shared>>)
        tpu.yield
      }) : () -> ()
    }
    %scan3A_20 = arith.constant 5 : i32
    %barrier3A = arith.constant 0 : index
    tpu.barrier barrier_id(%barrier3A)
    %dma_start3A = arith.constant 0 : i32
    %dma_start3A_21 = arith.constant 0 : i32
    %dma_start3A_22 = tpu.memref_slice %arg7[%dma_start3A, %dma_start3A_21] : memref<80x125xi32, #tpu.memory_space<vmem>> -> memref<1x125xi32, #tpu.memory_space<vmem>>
    %dma_start3A_23 = tpu.memref_squeeze %dma_start3A_22 : memref<1x125xi32, #tpu.memory_space<vmem>> -> memref<125xi32, #tpu.memory_space<vmem>>
    %dma_start3A_24 = arith.constant 0 : i32
    %dma_start3A_25 = arith.constant 0 : i32
    %dma_start3A_26 = tpu.memref_slice %arg21[%dma_start3A_24, %dma_start3A_25] : memref<10240x16xf32, #tpu.memory_space<vmem_shared>> -> memref<10240x16xf32, #tpu.memory_space<vmem_shared>>
    tpu.enqueue_indirect_dma source(%dma_start3A_26 : memref<10240x16xf32, #tpu.memory_space<vmem_shared>>) target(%arg9 : memref<125x16xf32, #tpu.memory_space<vmem>>) offsets(%dma_start3A_23 : memref<125xi32, #tpu.memory_space<vmem>>) semaphore(%arg16 : memref<!tpu.dma_semaphore, #tpu.memory_space<semaphore_mem>>)
    %dma_start3A_27 = arith.constant 1 : i32
    %dma_start3A_28 = arith.constant 0 : i32
    %dma_start3A_29 = tpu.memref_slice %arg7[%dma_start3A_27, %dma_start3A_28] : memref<80x125xi32, #tpu.memory_space<vmem>> -> memref<1x125xi32, #tpu.memory_space<vmem>>
    %dma_start3A_30 = tpu.memref_squeeze %dma_start3A_29 : memref<1x125xi32, #tpu.memory_space<vmem>> -> memref<125xi32, #tpu.memory_space<vmem>>
    %dma_start3A_31 = arith.constant 0 : i32
    %dma_start3A_32 = arith.constant 0 : i32
    %dma_start3A_33 = tpu.memref_slice %arg21[%dma_start3A_31, %dma_start3A_32] : memref<10240x16xf32, #tpu.memory_space<vmem_shared>> -> memref<10240x16xf32, #tpu.memory_space<vmem_shared>>
    tpu.enqueue_indirect_dma source(%dma_start3A_33 : memref<10240x16xf32, #tpu.memory_space<vmem_shared>>) target(%arg10 : memref<125x16xf32, #tpu.memory_space<vmem>>) offsets(%dma_start3A_30 : memref<125xi32, #tpu.memory_space<vmem>>) semaphore(%arg17 : memref<!tpu.dma_semaphore, #tpu.memory_space<semaphore_mem>>)
    %dma_start3A_34 = arith.constant 2 : i32
    %dma_start3A_35 = arith.constant 0 : i32
    %dma_start3A_36 = tpu.memref_slice %arg7[%dma_start3A_34, %dma_start3A_35] : memref<80x125xi32, #tpu.memory_space<vmem>> -> memref<1x125xi32, #tpu.memory_space<vmem>>
    %dma_start3A_37 = tpu.memref_squeeze %dma_start3A_36 : memref<1x125xi32, #tpu.memory_space<vmem>> -> memref<125xi32, #tpu.memory_space<vmem>>
    %dma_start3A_38 = arith.constant 0 : i32
    %dma_start3A_39 = arith.constant 0 : i32
    %dma_start3A_40 = tpu.memref_slice %arg21[%dma_start3A_38, %dma_start3A_39] : memref<10240x16xf32, #tpu.memory_space<vmem_shared>> -> memref<10240x16xf32, #tpu.memory_space<vmem_shared>>
    tpu.enqueue_indirect_dma source(%dma_start3A_40 : memref<10240x16xf32, #tpu.memory_space<vmem_shared>>) target(%arg11 : memref<125x16xf32, #tpu.memory_space<vmem>>) offsets(%dma_start3A_37 : memref<125xi32, #tpu.memory_space<vmem>>) semaphore(%arg18 : memref<!tpu.dma_semaphore, #tpu.memory_space<semaphore_mem>>)
    %dma_start3A_41 = arith.constant 3 : i32
    %dma_start3A_42 = arith.constant 0 : i32
    %dma_start3A_43 = tpu.memref_slice %arg7[%dma_start3A_41, %dma_start3A_42] : memref<80x125xi32, #tpu.memory_space<vmem>> -> memref<1x125xi32, #tpu.memory_space<vmem>>
    %dma_start3A_44 = tpu.memref_squeeze %dma_start3A_43 : memref<1x125xi32, #tpu.memory_space<vmem>> -> memref<125xi32, #tpu.memory_space<vmem>>
    %dma_start3A_45 = arith.constant 0 : i32
    %dma_start3A_46 = arith.constant 0 : i32
    %dma_start3A_47 = tpu.memref_slice %arg21[%dma_start3A_45, %dma_start3A_46] : memref<10240x16xf32, #tpu.memory_space<vmem_shared>> -> memref<10240x16xf32, #tpu.memory_space<vmem_shared>>
    tpu.enqueue_indirect_dma source(%dma_start3A_47 : memref<10240x16xf32, #tpu.memory_space<vmem_shared>>) target(%arg12 : memref<125x16xf32, #tpu.memory_space<vmem>>) offsets(%dma_start3A_44 : memref<125xi32, #tpu.memory_space<vmem>>) semaphore(%arg19 : memref<!tpu.dma_semaphore, #tpu.memory_space<semaphore_mem>>)
    %dma_start3A_48 = arith.constant 4 : i32
    %dma_start3A_49 = arith.constant 0 : i32
    %dma_start3A_50 = tpu.memref_slice %arg7[%dma_start3A_48, %dma_start3A_49] : memref<80x125xi32, #tpu.memory_space<vmem>> -> memref<1x125xi32, #tpu.memory_space<vmem>>
    %dma_start3A_51 = tpu.memref_squeeze %dma_start3A_50 : memref<1x125xi32, #tpu.memory_space<vmem>> -> memref<125xi32, #tpu.memory_space<vmem>>
    %dma_start3A_52 = arith.constant 0 : i32
    %dma_start3A_53 = arith.constant 0 : i32
    %dma_start3A_54 = tpu.memref_slice %arg2[%dma_start3A_52, %dma_start3A_53] : memref<10240x16xf32, #tpu.memory_space<hbm>> -> memref<10240x16xf32, #tpu.memory_space<hbm>>
    tpu.enqueue_indirect_dma source(%dma_start3A_54 : memref<10240x16xf32, #tpu.memory_space<hbm>>) target(%arg13 : memref<125x16xf32, #tpu.memory_space<vmem>>) offsets(%dma_start3A_51 : memref<125xi32, #tpu.memory_space<vmem>>) semaphore(%arg20 : memref<!tpu.dma_semaphore, #tpu.memory_space<semaphore_mem>>)
    %scan3A_55 = arith.constant 0 : i32
    %scan3A_56 = arith.constant 0 : i32
    %scan3A_57 = arith.constant 15 : i32
    %scan3A_58 = arith.addi %scan3A_56, %scan3A_57 : i32
    %scan3A_59 = arith.constant 1 : i32
    scf.for %scan3A_107 = %scan3A_56 to %scan3A_58 step %scan3A_59  : i32 {
      %mul3A_108 = arith.constant 5 : i32
      %mul3A_109 = arith.muli %mul3A_108, %scan3A_107 : i32
      %add3A_110 = arith.constant 0 : i32
      %add3A_111 = arith.addi %mul3A_109, %add3A_110 : i32
      %dma_wait3A_112 = arith.constant 0 : i32
      %dma_wait3A_113 = tpu.memref_slice %arg7[%add3A_111, %dma_wait3A_112] : memref<80x125xi32, #tpu.memory_space<vmem>> -> memref<1x125xi32, #tpu.memory_space<vmem>>
      %dma_wait3A_114 = tpu.memref_squeeze %dma_wait3A_113 : memref<1x125xi32, #tpu.memory_space<vmem>> -> memref<125xi32, #tpu.memory_space<vmem>>
      %dma_wait3A_115 = arith.constant 0 : i32
      %dma_wait3A_116 = arith.constant 0 : i32
      %dma_wait3A_117 = tpu.memref_slice %arg21[%dma_wait3A_115, %dma_wait3A_116] : memref<10240x16xf32, #tpu.memory_space<vmem_shared>> -> memref<10240x16xf32, #tpu.memory_space<vmem_shared>>
      tpu.wait_indirect_dma semaphore(%arg16 : memref<!tpu.dma_semaphore, #tpu.memory_space<semaphore_mem>>) src(%dma_wait3A_117 : memref<10240x16xf32, #tpu.memory_space<vmem_shared>>) dst(%arg9 : memref<125x16xf32, #tpu.memory_space<vmem>>)
      "tpu.region"() ({
        %run_scoped3A_198 = tpu.sem_alloc : memref<!tpu.dma_semaphore, #tpu.memory_space<semaphore_mem>>
        %dma_start3A_199 = arith.constant 0 : i32
        %dma_start3A_200 = tpu.memref_slice %arg8[%add3A_111, %dma_start3A_199] : memref<80x125xi32, #tpu.memory_space<vmem>> -> memref<1x125xi32, #tpu.memory_space<vmem>>
        %dma_start3A_201 = tpu.memref_squeeze %dma_start3A_200 : memref<1x125xi32, #tpu.memory_space<vmem>> -> memref<125xi32, #tpu.memory_space<vmem>>
        %dma_start3A_202 = arith.constant 0 : i32
        %dma_start3A_203 = arith.constant 0 : i32
        %dma_start3A_204 = tpu.memref_slice %arg15[%dma_start3A_202, %dma_start3A_203] : memref<10240x16xf32, #tpu.memory_space<vmem_shared>> -> memref<10240x16xf32, #tpu.memory_space<vmem_shared>>
        tpu.enqueue_indirect_dma source(%arg9 : memref<125x16xf32, #tpu.memory_space<vmem>>) target(%dma_start3A_204 : memref<10240x16xf32, #tpu.memory_space<vmem_shared>>) offsets(%dma_start3A_201 : memref<125xi32, #tpu.memory_space<vmem>>) semaphore(%run_scoped3A_198 : memref<!tpu.dma_semaphore, #tpu.memory_space<semaphore_mem>>) {add = true}
        %dma_wait3A_205 = arith.constant 0 : i32
        %dma_wait3A_206 = tpu.memref_slice %arg8[%add3A_111, %dma_wait3A_205] : memref<80x125xi32, #tpu.memory_space<vmem>> -> memref<1x125xi32, #tpu.memory_space<vmem>>
        %dma_wait3A_207 = tpu.memref_squeeze %dma_wait3A_206 : memref<1x125xi32, #tpu.memory_space<vmem>> -> memref<125xi32, #tpu.memory_space<vmem>>
        %dma_wait3A_208 = arith.constant 0 : i32
        %dma_wait3A_209 = arith.constant 0 : i32
        %dma_wait3A_210 = tpu.memref_slice %arg15[%dma_wait3A_208, %dma_wait3A_209] : memref<10240x16xf32, #tpu.memory_space<vmem_shared>> -> memref<10240x16xf32, #tpu.memory_space<vmem_shared>>
        tpu.wait_indirect_dma semaphore(%run_scoped3A_198 : memref<!tpu.dma_semaphore, #tpu.memory_space<semaphore_mem>>) src(%arg9 : memref<125x16xf32, #tpu.memory_space<vmem>>) dst(%dma_wait3A_210 : memref<10240x16xf32, #tpu.memory_space<vmem_shared>>)
        tpu.yield
      }) : () -> ()
      %add3A_118 = arith.constant 5 : i32
      %add3A_119 = arith.addi %add3A_111, %add3A_118 : i32
      %dma_start3A_120 = arith.constant 0 : i32
      %dma_start3A_121 = tpu.memref_slice %arg7[%add3A_119, %dma_start3A_120] : memref<80x125xi32, #tpu.memory_space<vmem>> -> memref<1x125xi32, #tpu.memory_space<vmem>>
      %dma_start3A_122 = tpu.memref_squeeze %dma_start3A_121 : memref<1x125xi32, #tpu.memory_space<vmem>> -> memref<125xi32, #tpu.memory_space<vmem>>
      %dma_start3A_123 = arith.constant 0 : i32
      %dma_start3A_124 = arith.constant 0 : i32
      %dma_start3A_125 = tpu.memref_slice %arg21[%dma_start3A_123, %dma_start3A_124] : memref<10240x16xf32, #tpu.memory_space<vmem_shared>> -> memref<10240x16xf32, #tpu.memory_space<vmem_shared>>
      tpu.enqueue_indirect_dma source(%dma_start3A_125 : memref<10240x16xf32, #tpu.memory_space<vmem_shared>>) target(%arg9 : memref<125x16xf32, #tpu.memory_space<vmem>>) offsets(%dma_start3A_122 : memref<125xi32, #tpu.memory_space<vmem>>) semaphore(%arg16 : memref<!tpu.dma_semaphore, #tpu.memory_space<semaphore_mem>>)
      %mul3A_126 = arith.constant 5 : i32
      %mul3A_127 = arith.muli %mul3A_126, %scan3A_107 : i32
      %add3A_128 = arith.constant 1 : i32
      %add3A_129 = arith.addi %mul3A_127, %add3A_128 : i32
      %dma_wait3A_130 = arith.constant 0 : i32
      %dma_wait3A_131 = tpu.memref_slice %arg7[%add3A_129, %dma_wait3A_130] : memref<80x125xi32, #tpu.memory_space<vmem>> -> memref<1x125xi32, #tpu.memory_space<vmem>>
      %dma_wait3A_132 = tpu.memref_squeeze %dma_wait3A_131 : memref<1x125xi32, #tpu.memory_space<vmem>> -> memref<125xi32, #tpu.memory_space<vmem>>
      %dma_wait3A_133 = arith.constant 0 : i32
      %dma_wait3A_134 = arith.constant 0 : i32
      %dma_wait3A_135 = tpu.memref_slice %arg21[%dma_wait3A_133, %dma_wait3A_134] : memref<10240x16xf32, #tpu.memory_space<vmem_shared>> -> memref<10240x16xf32, #tpu.memory_space<vmem_shared>>
      tpu.wait_indirect_dma semaphore(%arg17 : memref<!tpu.dma_semaphore, #tpu.memory_space<semaphore_mem>>) src(%dma_wait3A_135 : memref<10240x16xf32, #tpu.memory_space<vmem_shared>>) dst(%arg10 : memref<125x16xf32, #tpu.memory_space<vmem>>)
      "tpu.region"() ({
        %run_scoped3A_198 = tpu.sem_alloc : memref<!tpu.dma_semaphore, #tpu.memory_space<semaphore_mem>>
        %dma_start3A_199 = arith.constant 0 : i32
        %dma_start3A_200 = tpu.memref_slice %arg8[%add3A_129, %dma_start3A_199] : memref<80x125xi32, #tpu.memory_space<vmem>> -> memref<1x125xi32, #tpu.memory_space<vmem>>
        %dma_start3A_201 = tpu.memref_squeeze %dma_start3A_200 : memref<1x125xi32, #tpu.memory_space<vmem>> -> memref<125xi32, #tpu.memory_space<vmem>>
        %dma_start3A_202 = arith.constant 0 : i32
        %dma_start3A_203 = arith.constant 0 : i32
        %dma_start3A_204 = tpu.memref_slice %arg15[%dma_start3A_202, %dma_start3A_203] : memref<10240x16xf32, #tpu.memory_space<vmem_shared>> -> memref<10240x16xf32, #tpu.memory_space<vmem_shared>>
        tpu.enqueue_indirect_dma source(%arg10 : memref<125x16xf32, #tpu.memory_space<vmem>>) target(%dma_start3A_204 : memref<10240x16xf32, #tpu.memory_space<vmem_shared>>) offsets(%dma_start3A_201 : memref<125xi32, #tpu.memory_space<vmem>>) semaphore(%run_scoped3A_198 : memref<!tpu.dma_semaphore, #tpu.memory_space<semaphore_mem>>) {add = true}
        %dma_wait3A_205 = arith.constant 0 : i32
        %dma_wait3A_206 = tpu.memref_slice %arg8[%add3A_129, %dma_wait3A_205] : memref<80x125xi32, #tpu.memory_space<vmem>> -> memref<1x125xi32, #tpu.memory_space<vmem>>
        %dma_wait3A_207 = tpu.memref_squeeze %dma_wait3A_206 : memref<1x125xi32, #tpu.memory_space<vmem>> -> memref<125xi32, #tpu.memory_space<vmem>>
        %dma_wait3A_208 = arith.constant 0 : i32
        %dma_wait3A_209 = arith.constant 0 : i32
        %dma_wait3A_210 = tpu.memref_slice %arg15[%dma_wait3A_208, %dma_wait3A_209] : memref<10240x16xf32, #tpu.memory_space<vmem_shared>> -> memref<10240x16xf32, #tpu.memory_space<vmem_shared>>
        tpu.wait_indirect_dma semaphore(%run_scoped3A_198 : memref<!tpu.dma_semaphore, #tpu.memory_space<semaphore_mem>>) src(%arg10 : memref<125x16xf32, #tpu.memory_space<vmem>>) dst(%dma_wait3A_210 : memref<10240x16xf32, #tpu.memory_space<vmem_shared>>)
        tpu.yield
      }) : () -> ()
      %add3A_136 = arith.constant 5 : i32
      %add3A_137 = arith.addi %add3A_129, %add3A_136 : i32
      %dma_start3A_138 = arith.constant 0 : i32
      %dma_start3A_139 = tpu.memref_slice %arg7[%add3A_137, %dma_start3A_138] : memref<80x125xi32, #tpu.memory_space<vmem>> -> memref<1x125xi32, #tpu.memory_space<vmem>>
      %dma_start3A_140 = tpu.memref_squeeze %dma_start3A_139 : memref<1x125xi32, #tpu.memory_space<vmem>> -> memref<125xi32, #tpu.memory_space<vmem>>
      %dma_start3A_141 = arith.constant 0 : i32
      %dma_start3A_142 = arith.constant 0 : i32
      %dma_start3A_143 = tpu.memref_slice %arg21[%dma_start3A_141, %dma_start3A_142] : memref<10240x16xf32, #tpu.memory_space<vmem_shared>> -> memref<10240x16xf32, #tpu.memory_space<vmem_shared>>
      tpu.enqueue_indirect_dma source(%dma_start3A_143 : memref<10240x16xf32, #tpu.memory_space<vmem_shared>>) target(%arg10 : memref<125x16xf32, #tpu.memory_space<vmem>>) offsets(%dma_start3A_140 : memref<125xi32, #tpu.memory_space<vmem>>) semaphore(%arg17 : memref<!tpu.dma_semaphore, #tpu.memory_space<semaphore_mem>>)
      %mul3A_144 = arith.constant 5 : i32
      %mul3A_145 = arith.muli %mul3A_144, %scan3A_107 : i32
      %add3A_146 = arith.constant 2 : i32
      %add3A_147 = arith.addi %mul3A_145, %add3A_146 : i32
      %dma_wait3A_148 = arith.constant 0 : i32
      %dma_wait3A_149 = tpu.memref_slice %arg7[%add3A_147, %dma_wait3A_148] : memref<80x125xi32, #tpu.memory_space<vmem>> -> memref<1x125xi32, #tpu.memory_space<vmem>>
      %dma_wait3A_150 = tpu.memref_squeeze %dma_wait3A_149 : memref<1x125xi32, #tpu.memory_space<vmem>> -> memref<125xi32, #tpu.memory_space<vmem>>
      %dma_wait3A_151 = arith.constant 0 : i32
      %dma_wait3A_152 = arith.constant 0 : i32
      %dma_wait3A_153 = tpu.memref_slice %arg21[%dma_wait3A_151, %dma_wait3A_152] : memref<10240x16xf32, #tpu.memory_space<vmem_shared>> -> memref<10240x16xf32, #tpu.memory_space<vmem_shared>>
      tpu.wait_indirect_dma semaphore(%arg18 : memref<!tpu.dma_semaphore, #tpu.memory_space<semaphore_mem>>) src(%dma_wait3A_153 : memref<10240x16xf32, #tpu.memory_space<vmem_shared>>) dst(%arg11 : memref<125x16xf32, #tpu.memory_space<vmem>>)
      "tpu.region"() ({
        %run_scoped3A_198 = tpu.sem_alloc : memref<!tpu.dma_semaphore, #tpu.memory_space<semaphore_mem>>
        %dma_start3A_199 = arith.constant 0 : i32
        %dma_start3A_200 = tpu.memref_slice %arg8[%add3A_147, %dma_start3A_199] : memref<80x125xi32, #tpu.memory_space<vmem>> -> memref<1x125xi32, #tpu.memory_space<vmem>>
        %dma_start3A_201 = tpu.memref_squeeze %dma_start3A_200 : memref<1x125xi32, #tpu.memory_space<vmem>> -> memref<125xi32, #tpu.memory_space<vmem>>
        %dma_start3A_202 = arith.constant 0 : i32
        %dma_start3A_203 = arith.constant 0 : i32
        %dma_start3A_204 = tpu.memref_slice %arg15[%dma_start3A_202, %dma_start3A_203] : memref<10240x16xf32, #tpu.memory_space<vmem_shared>> -> memref<10240x16xf32, #tpu.memory_space<vmem_shared>>
        tpu.enqueue_indirect_dma source(%arg11 : memref<125x16xf32, #tpu.memory_space<vmem>>) target(%dma_start3A_204 : memref<10240x16xf32, #tpu.memory_space<vmem_shared>>) offsets(%dma_start3A_201 : memref<125xi32, #tpu.memory_space<vmem>>) semaphore(%run_scoped3A_198 : memref<!tpu.dma_semaphore, #tpu.memory_space<semaphore_mem>>) {add = true}
        %dma_wait3A_205 = arith.constant 0 : i32
        %dma_wait3A_206 = tpu.memref_slice %arg8[%add3A_147, %dma_wait3A_205] : memref<80x125xi32, #tpu.memory_space<vmem>> -> memref<1x125xi32, #tpu.memory_space<vmem>>
        %dma_wait3A_207 = tpu.memref_squeeze %dma_wait3A_206 : memref<1x125xi32, #tpu.memory_space<vmem>> -> memref<125xi32, #tpu.memory_space<vmem>>
        %dma_wait3A_208 = arith.constant 0 : i32
        %dma_wait3A_209 = arith.constant 0 : i32
        %dma_wait3A_210 = tpu.memref_slice %arg15[%dma_wait3A_208, %dma_wait3A_209] : memref<10240x16xf32, #tpu.memory_space<vmem_shared>> -> memref<10240x16xf32, #tpu.memory_space<vmem_shared>>
        tpu.wait_indirect_dma semaphore(%run_scoped3A_198 : memref<!tpu.dma_semaphore, #tpu.memory_space<semaphore_mem>>) src(%arg11 : memref<125x16xf32, #tpu.memory_space<vmem>>) dst(%dma_wait3A_210 : memref<10240x16xf32, #tpu.memory_space<vmem_shared>>)
        tpu.yield
      }) : () -> ()
      %add3A_154 = arith.constant 5 : i32
      %add3A_155 = arith.addi %add3A_147, %add3A_154 : i32
      %dma_start3A_156 = arith.constant 0 : i32
      %dma_start3A_157 = tpu.memref_slice %arg7[%add3A_155, %dma_start3A_156] : memref<80x125xi32, #tpu.memory_space<vmem>> -> memref<1x125xi32, #tpu.memory_space<vmem>>
      %dma_start3A_158 = tpu.memref_squeeze %dma_start3A_157 : memref<1x125xi32, #tpu.memory_space<vmem>> -> memref<125xi32, #tpu.memory_space<vmem>>
      %dma_start3A_159 = arith.constant 0 : i32
      %dma_start3A_160 = arith.constant 0 : i32
      %dma_start3A_161 = tpu.memref_slice %arg21[%dma_start3A_159, %dma_start3A_160] : memref<10240x16xf32, #tpu.memory_space<vmem_shared>> -> memref<10240x16xf32, #tpu.memory_space<vmem_shared>>
      tpu.enqueue_indirect_dma source(%dma_start3A_161 : memref<10240x16xf32, #tpu.memory_space<vmem_shared>>) target(%arg11 : memref<125x16xf32, #tpu.memory_space<vmem>>) offsets(%dma_start3A_158 : memref<125xi32, #tpu.memory_space<vmem>>) semaphore(%arg18 : memref<!tpu.dma_semaphore, #tpu.memory_space<semaphore_mem>>)
      %mul3A_162 = arith.constant 5 : i32
      %mul3A_163 = arith.muli %mul3A_162, %scan3A_107 : i32
      %add3A_164 = arith.constant 3 : i32
      %add3A_165 = arith.addi %mul3A_163, %add3A_164 : i32
      %dma_wait3A_166 = arith.constant 0 : i32
      %dma_wait3A_167 = tpu.memref_slice %arg7[%add3A_165, %dma_wait3A_166] : memref<80x125xi32, #tpu.memory_space<vmem>> -> memref<1x125xi32, #tpu.memory_space<vmem>>
      %dma_wait3A_168 = tpu.memref_squeeze %dma_wait3A_167 : memref<1x125xi32, #tpu.memory_space<vmem>> -> memref<125xi32, #tpu.memory_space<vmem>>
      %dma_wait3A_169 = arith.constant 0 : i32
      %dma_wait3A_170 = arith.constant 0 : i32
      %dma_wait3A_171 = tpu.memref_slice %arg21[%dma_wait3A_169, %dma_wait3A_170] : memref<10240x16xf32, #tpu.memory_space<vmem_shared>> -> memref<10240x16xf32, #tpu.memory_space<vmem_shared>>
      tpu.wait_indirect_dma semaphore(%arg19 : memref<!tpu.dma_semaphore, #tpu.memory_space<semaphore_mem>>) src(%dma_wait3A_171 : memref<10240x16xf32, #tpu.memory_space<vmem_shared>>) dst(%arg12 : memref<125x16xf32, #tpu.memory_space<vmem>>)
      "tpu.region"() ({
        %run_scoped3A_198 = tpu.sem_alloc : memref<!tpu.dma_semaphore, #tpu.memory_space<semaphore_mem>>
        %dma_start3A_199 = arith.constant 0 : i32
        %dma_start3A_200 = tpu.memref_slice %arg8[%add3A_165, %dma_start3A_199] : memref<80x125xi32, #tpu.memory_space<vmem>> -> memref<1x125xi32, #tpu.memory_space<vmem>>
        %dma_start3A_201 = tpu.memref_squeeze %dma_start3A_200 : memref<1x125xi32, #tpu.memory_space<vmem>> -> memref<125xi32, #tpu.memory_space<vmem>>
        %dma_start3A_202 = arith.constant 0 : i32
        %dma_start3A_203 = arith.constant 0 : i32
        %dma_start3A_204 = tpu.memref_slice %arg15[%dma_start3A_202, %dma_start3A_203] : memref<10240x16xf32, #tpu.memory_space<vmem_shared>> -> memref<10240x16xf32, #tpu.memory_space<vmem_shared>>
        tpu.enqueue_indirect_dma source(%arg12 : memref<125x16xf32, #tpu.memory_space<vmem>>) target(%dma_start3A_204 : memref<10240x16xf32, #tpu.memory_space<vmem_shared>>) offsets(%dma_start3A_201 : memref<125xi32, #tpu.memory_space<vmem>>) semaphore(%run_scoped3A_198 : memref<!tpu.dma_semaphore, #tpu.memory_space<semaphore_mem>>) {add = true}
        %dma_wait3A_205 = arith.constant 0 : i32
        %dma_wait3A_206 = tpu.memref_slice %arg8[%add3A_165, %dma_wait3A_205] : memref<80x125xi32, #tpu.memory_space<vmem>> -> memref<1x125xi32, #tpu.memory_space<vmem>>
        %dma_wait3A_207 = tpu.memref_squeeze %dma_wait3A_206 : memref<1x125xi32, #tpu.memory_space<vmem>> -> memref<125xi32, #tpu.memory_space<vmem>>
        %dma_wait3A_208 = arith.constant 0 : i32
        %dma_wait3A_209 = arith.constant 0 : i32
        %dma_wait3A_210 = tpu.memref_slice %arg15[%dma_wait3A_208, %dma_wait3A_209] : memref<10240x16xf32, #tpu.memory_space<vmem_shared>> -> memref<10240x16xf32, #tpu.memory_space<vmem_shared>>
        tpu.wait_indirect_dma semaphore(%run_scoped3A_198 : memref<!tpu.dma_semaphore, #tpu.memory_space<semaphore_mem>>) src(%arg12 : memref<125x16xf32, #tpu.memory_space<vmem>>) dst(%dma_wait3A_210 : memref<10240x16xf32, #tpu.memory_space<vmem_shared>>)
        tpu.yield
      }) : () -> ()
      %add3A_172 = arith.constant 5 : i32
      %add3A_173 = arith.addi %add3A_165, %add3A_172 : i32
      %dma_start3A_174 = arith.constant 0 : i32
      %dma_start3A_175 = tpu.memref_slice %arg7[%add3A_173, %dma_start3A_174] : memref<80x125xi32, #tpu.memory_space<vmem>> -> memref<1x125xi32, #tpu.memory_space<vmem>>
      %dma_start3A_176 = tpu.memref_squeeze %dma_start3A_175 : memref<1x125xi32, #tpu.memory_space<vmem>> -> memref<125xi32, #tpu.memory_space<vmem>>
      %dma_start3A_177 = arith.constant 0 : i32
      %dma_start3A_178 = arith.constant 0 : i32
      %dma_start3A_179 = tpu.memref_slice %arg21[%dma_start3A_177, %dma_start3A_178] : memref<10240x16xf32, #tpu.memory_space<vmem_shared>> -> memref<10240x16xf32, #tpu.memory_space<vmem_shared>>
      tpu.enqueue_indirect_dma source(%dma_start3A_179 : memref<10240x16xf32, #tpu.memory_space<vmem_shared>>) target(%arg12 : memref<125x16xf32, #tpu.memory_space<vmem>>) offsets(%dma_start3A_176 : memref<125xi32, #tpu.memory_space<vmem>>) semaphore(%arg19 : memref<!tpu.dma_semaphore, #tpu.memory_space<semaphore_mem>>)
      %mul3A_180 = arith.constant 5 : i32
      %mul3A_181 = arith.muli %mul3A_180, %scan3A_107 : i32
      %add3A_182 = arith.constant 4 : i32
      %add3A_183 = arith.addi %mul3A_181, %add3A_182 : i32
      %dma_wait3A_184 = arith.constant 0 : i32
      %dma_wait3A_185 = tpu.memref_slice %arg7[%add3A_183, %dma_wait3A_184] : memref<80x125xi32, #tpu.memory_space<vmem>> -> memref<1x125xi32, #tpu.memory_space<vmem>>
      %dma_wait3A_186 = tpu.memref_squeeze %dma_wait3A_185 : memref<1x125xi32, #tpu.memory_space<vmem>> -> memref<125xi32, #tpu.memory_space<vmem>>
      %dma_wait3A_187 = arith.constant 0 : i32
      %dma_wait3A_188 = arith.constant 0 : i32
      %dma_wait3A_189 = tpu.memref_slice %arg2[%dma_wait3A_187, %dma_wait3A_188] : memref<10240x16xf32, #tpu.memory_space<hbm>> -> memref<10240x16xf32, #tpu.memory_space<hbm>>
      tpu.wait_indirect_dma semaphore(%arg20 : memref<!tpu.dma_semaphore, #tpu.memory_space<semaphore_mem>>) src(%dma_wait3A_189 : memref<10240x16xf32, #tpu.memory_space<hbm>>) dst(%arg13 : memref<125x16xf32, #tpu.memory_space<vmem>>)
      "tpu.region"() ({
        %run_scoped3A_198 = tpu.sem_alloc : memref<!tpu.dma_semaphore, #tpu.memory_space<semaphore_mem>>
        %dma_start3A_199 = arith.constant 0 : i32
        %dma_start3A_200 = tpu.memref_slice %arg8[%add3A_183, %dma_start3A_199] : memref<80x125xi32, #tpu.memory_space<vmem>> -> memref<1x125xi32, #tpu.memory_space<vmem>>
        %dma_start3A_201 = tpu.memref_squeeze %dma_start3A_200 : memref<1x125xi32, #tpu.memory_space<vmem>> -> memref<125xi32, #tpu.memory_space<vmem>>
        %dma_start3A_202 = arith.constant 0 : i32
        %dma_start3A_203 = arith.constant 0 : i32
        %dma_start3A_204 = tpu.memref_slice %arg15[%dma_start3A_202, %dma_start3A_203] : memref<10240x16xf32, #tpu.memory_space<vmem_shared>> -> memref<10240x16xf32, #tpu.memory_space<vmem_shared>>
        tpu.enqueue_indirect_dma source(%arg13 : memref<125x16xf32, #tpu.memory_space<vmem>>) target(%dma_start3A_204 : memref<10240x16xf32, #tpu.memory_space<vmem_shared>>) offsets(%dma_start3A_201 : memref<125xi32, #tpu.memory_space<vmem>>) semaphore(%run_scoped3A_198 : memref<!tpu.dma_semaphore, #tpu.memory_space<semaphore_mem>>) {add = true}
        %dma_wait3A_205 = arith.constant 0 : i32
        %dma_wait3A_206 = tpu.memref_slice %arg8[%add3A_183, %dma_wait3A_205] : memref<80x125xi32, #tpu.memory_space<vmem>> -> memref<1x125xi32, #tpu.memory_space<vmem>>
        %dma_wait3A_207 = tpu.memref_squeeze %dma_wait3A_206 : memref<1x125xi32, #tpu.memory_space<vmem>> -> memref<125xi32, #tpu.memory_space<vmem>>
        %dma_wait3A_208 = arith.constant 0 : i32
        %dma_wait3A_209 = arith.constant 0 : i32
        %dma_wait3A_210 = tpu.memref_slice %arg15[%dma_wait3A_208, %dma_wait3A_209] : memref<10240x16xf32, #tpu.memory_space<vmem_shared>> -> memref<10240x16xf32, #tpu.memory_space<vmem_shared>>
        tpu.wait_indirect_dma semaphore(%run_scoped3A_198 : memref<!tpu.dma_semaphore, #tpu.memory_space<semaphore_mem>>) src(%arg13 : memref<125x16xf32, #tpu.memory_space<vmem>>) dst(%dma_wait3A_210 : memref<10240x16xf32, #tpu.memory_space<vmem_shared>>)
        tpu.yield
      }) : () -> ()
      %add3A_190 = arith.constant 5 : i32
      %add3A_191 = arith.addi %add3A_183, %add3A_190 : i32
      %dma_start3A_192 = arith.constant 0 : i32
      %dma_start3A_193 = tpu.memref_slice %arg7[%add3A_191, %dma_start3A_192] : memref<80x125xi32, #tpu.memory_space<vmem>> -> memref<1x125xi32, #tpu.memory_space<vmem>>
      %dma_start3A_194 = tpu.memref_squeeze %dma_start3A_193 : memref<1x125xi32, #tpu.memory_space<vmem>> -> memref<125xi32, #tpu.memory_space<vmem>>
      %dma_start3A_195 = arith.constant 0 : i32
      %dma_start3A_196 = arith.constant 0 : i32
      %dma_start3A_197 = tpu.memref_slice %arg2[%dma_start3A_195, %dma_start3A_196] : memref<10240x16xf32, #tpu.memory_space<hbm>> -> memref<10240x16xf32, #tpu.memory_space<hbm>>
      tpu.enqueue_indirect_dma source(%dma_start3A_197 : memref<10240x16xf32, #tpu.memory_space<hbm>>) target(%arg13 : memref<125x16xf32, #tpu.memory_space<vmem>>) offsets(%dma_start3A_194 : memref<125xi32, #tpu.memory_space<vmem>>) semaphore(%arg20 : memref<!tpu.dma_semaphore, #tpu.memory_space<semaphore_mem>>)
    }
    %scan3A_60 = arith.constant 15 : i32
    %dma_wait3A = arith.constant 75 : i32
    %dma_wait3A_61 = arith.constant 0 : i32
    %dma_wait3A_62 = tpu.memref_slice %arg7[%dma_wait3A, %dma_wait3A_61] : memref<80x125xi32, #tpu.memory_space<vmem>> -> memref<1x125xi32, #tpu.memory_space<vmem>>
    %dma_wait3A_63 = tpu.memref_squeeze %dma_wait3A_62 : memref<1x125xi32, #tpu.memory_space<vmem>> -> memref<125xi32, #tpu.memory_space<vmem>>
    %dma_wait3A_64 = arith.constant 0 : i32
    %dma_wait3A_65 = arith.constant 0 : i32
    %dma_wait3A_66 = tpu.memref_slice %arg21[%dma_wait3A_64, %dma_wait3A_65] : memref<10240x16xf32, #tpu.memory_space<vmem_shared>> -> memref<10240x16xf32, #tpu.memory_space<vmem_shared>>
    tpu.wait_indirect_dma semaphore(%arg16 : memref<!tpu.dma_semaphore, #tpu.memory_space<semaphore_mem>>) src(%dma_wait3A_66 : memref<10240x16xf32, #tpu.memory_space<vmem_shared>>) dst(%arg9 : memref<125x16xf32, #tpu.memory_space<vmem>>)
    %run_scoped3A = arith.constant 75 : i32
    "tpu.region"() ({
      %run_scoped3A_107 = tpu.sem_alloc : memref<!tpu.dma_semaphore, #tpu.memory_space<semaphore_mem>>
      %dma_start3A_108 = arith.constant 0 : i32
      %dma_start3A_109 = tpu.memref_slice %arg8[%run_scoped3A, %dma_start3A_108] : memref<80x125xi32, #tpu.memory_space<vmem>> -> memref<1x125xi32, #tpu.memory_space<vmem>>
      %dma_start3A_110 = tpu.memref_squeeze %dma_start3A_109 : memref<1x125xi32, #tpu.memory_space<vmem>> -> memref<125xi32, #tpu.memory_space<vmem>>
      %dma_start3A_111 = arith.constant 0 : i32
      %dma_start3A_112 = arith.constant 0 : i32
      %dma_start3A_113 = tpu.memref_slice %arg15[%dma_start3A_111, %dma_start3A_112] : memref<10240x16xf32, #tpu.memory_space<vmem_shared>> -> memref<10240x16xf32, #tpu.memory_space<vmem_shared>>
      tpu.enqueue_indirect_dma source(%arg9 : memref<125x16xf32, #tpu.memory_space<vmem>>) target(%dma_start3A_113 : memref<10240x16xf32, #tpu.memory_space<vmem_shared>>) offsets(%dma_start3A_110 : memref<125xi32, #tpu.memory_space<vmem>>) semaphore(%run_scoped3A_107 : memref<!tpu.dma_semaphore, #tpu.memory_space<semaphore_mem>>) {add = true}
      %dma_wait3A_114 = arith.constant 0 : i32
      %dma_wait3A_115 = tpu.memref_slice %arg8[%run_scoped3A, %dma_wait3A_114] : memref<80x125xi32, #tpu.memory_space<vmem>> -> memref<1x125xi32, #tpu.memory_space<vmem>>
      %dma_wait3A_116 = tpu.memref_squeeze %dma_wait3A_115 : memref<1x125xi32, #tpu.memory_space<vmem>> -> memref<125xi32, #tpu.memory_space<vmem>>
      %dma_wait3A_117 = arith.constant 0 : i32
      %dma_wait3A_118 = arith.constant 0 : i32
      %dma_wait3A_119 = tpu.memref_slice %arg15[%dma_wait3A_117, %dma_wait3A_118] : memref<10240x16xf32, #tpu.memory_space<vmem_shared>> -> memref<10240x16xf32, #tpu.memory_space<vmem_shared>>
      tpu.wait_indirect_dma semaphore(%run_scoped3A_107 : memref<!tpu.dma_semaphore, #tpu.memory_space<semaphore_mem>>) src(%arg9 : memref<125x16xf32, #tpu.memory_space<vmem>>) dst(%dma_wait3A_119 : memref<10240x16xf32, #tpu.memory_space<vmem_shared>>)
      tpu.yield
    }) : () -> ()
    %dma_wait3A_67 = arith.constant 76 : i32
    %dma_wait3A_68 = arith.constant 0 : i32
    %dma_wait3A_69 = tpu.memref_slice %arg7[%dma_wait3A_67, %dma_wait3A_68] : memref<80x125xi32, #tpu.memory_space<vmem>> -> memref<1x125xi32, #tpu.memory_space<vmem>>
    %dma_wait3A_70 = tpu.memref_squeeze %dma_wait3A_69 : memref<1x125xi32, #tpu.memory_space<vmem>> -> memref<125xi32, #tpu.memory_space<vmem>>
    %dma_wait3A_71 = arith.constant 0 : i32
    %dma_wait3A_72 = arith.constant 0 : i32
    %dma_wait3A_73 = tpu.memref_slice %arg21[%dma_wait3A_71, %dma_wait3A_72] : memref<10240x16xf32, #tpu.memory_space<vmem_shared>> -> memref<10240x16xf32, #tpu.memory_space<vmem_shared>>
    tpu.wait_indirect_dma semaphore(%arg17 : memref<!tpu.dma_semaphore, #tpu.memory_space<semaphore_mem>>) src(%dma_wait3A_73 : memref<10240x16xf32, #tpu.memory_space<vmem_shared>>) dst(%arg10 : memref<125x16xf32, #tpu.memory_space<vmem>>)
    %run_scoped3A_74 = arith.constant 76 : i32
    "tpu.region"() ({
      %run_scoped3A_107 = tpu.sem_alloc : memref<!tpu.dma_semaphore, #tpu.memory_space<semaphore_mem>>
      %dma_start3A_108 = arith.constant 0 : i32
      %dma_start3A_109 = tpu.memref_slice %arg8[%run_scoped3A_74, %dma_start3A_108] : memref<80x125xi32, #tpu.memory_space<vmem>> -> memref<1x125xi32, #tpu.memory_space<vmem>>
      %dma_start3A_110 = tpu.memref_squeeze %dma_start3A_109 : memref<1x125xi32, #tpu.memory_space<vmem>> -> memref<125xi32, #tpu.memory_space<vmem>>
      %dma_start3A_111 = arith.constant 0 : i32
      %dma_start3A_112 = arith.constant 0 : i32
      %dma_start3A_113 = tpu.memref_slice %arg15[%dma_start3A_111, %dma_start3A_112] : memref<10240x16xf32, #tpu.memory_space<vmem_shared>> -> memref<10240x16xf32, #tpu.memory_space<vmem_shared>>
      tpu.enqueue_indirect_dma source(%arg10 : memref<125x16xf32, #tpu.memory_space<vmem>>) target(%dma_start3A_113 : memref<10240x16xf32, #tpu.memory_space<vmem_shared>>) offsets(%dma_start3A_110 : memref<125xi32, #tpu.memory_space<vmem>>) semaphore(%run_scoped3A_107 : memref<!tpu.dma_semaphore, #tpu.memory_space<semaphore_mem>>) {add = true}
      %dma_wait3A_114 = arith.constant 0 : i32
      %dma_wait3A_115 = tpu.memref_slice %arg8[%run_scoped3A_74, %dma_wait3A_114] : memref<80x125xi32, #tpu.memory_space<vmem>> -> memref<1x125xi32, #tpu.memory_space<vmem>>
      %dma_wait3A_116 = tpu.memref_squeeze %dma_wait3A_115 : memref<1x125xi32, #tpu.memory_space<vmem>> -> memref<125xi32, #tpu.memory_space<vmem>>
      %dma_wait3A_117 = arith.constant 0 : i32
      %dma_wait3A_118 = arith.constant 0 : i32
      %dma_wait3A_119 = tpu.memref_slice %arg15[%dma_wait3A_117, %dma_wait3A_118] : memref<10240x16xf32, #tpu.memory_space<vmem_shared>> -> memref<10240x16xf32, #tpu.memory_space<vmem_shared>>
      tpu.wait_indirect_dma semaphore(%run_scoped3A_107 : memref<!tpu.dma_semaphore, #tpu.memory_space<semaphore_mem>>) src(%arg10 : memref<125x16xf32, #tpu.memory_space<vmem>>) dst(%dma_wait3A_119 : memref<10240x16xf32, #tpu.memory_space<vmem_shared>>)
      tpu.yield
    }) : () -> ()
    %dma_wait3A_75 = arith.constant 77 : i32
    %dma_wait3A_76 = arith.constant 0 : i32
    %dma_wait3A_77 = tpu.memref_slice %arg7[%dma_wait3A_75, %dma_wait3A_76] : memref<80x125xi32, #tpu.memory_space<vmem>> -> memref<1x125xi32, #tpu.memory_space<vmem>>
    %dma_wait3A_78 = tpu.memref_squeeze %dma_wait3A_77 : memref<1x125xi32, #tpu.memory_space<vmem>> -> memref<125xi32, #tpu.memory_space<vmem>>
    %dma_wait3A_79 = arith.constant 0 : i32
    %dma_wait3A_80 = arith.constant 0 : i32
    %dma_wait3A_81 = tpu.memref_slice %arg21[%dma_wait3A_79, %dma_wait3A_80] : memref<10240x16xf32, #tpu.memory_space<vmem_shared>> -> memref<10240x16xf32, #tpu.memory_space<vmem_shared>>
    tpu.wait_indirect_dma semaphore(%arg18 : memref<!tpu.dma_semaphore, #tpu.memory_space<semaphore_mem>>) src(%dma_wait3A_81 : memref<10240x16xf32, #tpu.memory_space<vmem_shared>>) dst(%arg11 : memref<125x16xf32, #tpu.memory_space<vmem>>)
    %run_scoped3A_82 = arith.constant 77 : i32
    "tpu.region"() ({
      %run_scoped3A_107 = tpu.sem_alloc : memref<!tpu.dma_semaphore, #tpu.memory_space<semaphore_mem>>
      %dma_start3A_108 = arith.constant 0 : i32
      %dma_start3A_109 = tpu.memref_slice %arg8[%run_scoped3A_82, %dma_start3A_108] : memref<80x125xi32, #tpu.memory_space<vmem>> -> memref<1x125xi32, #tpu.memory_space<vmem>>
      %dma_start3A_110 = tpu.memref_squeeze %dma_start3A_109 : memref<1x125xi32, #tpu.memory_space<vmem>> -> memref<125xi32, #tpu.memory_space<vmem>>
      %dma_start3A_111 = arith.constant 0 : i32
      %dma_start3A_112 = arith.constant 0 : i32
      %dma_start3A_113 = tpu.memref_slice %arg15[%dma_start3A_111, %dma_start3A_112] : memref<10240x16xf32, #tpu.memory_space<vmem_shared>> -> memref<10240x16xf32, #tpu.memory_space<vmem_shared>>
      tpu.enqueue_indirect_dma source(%arg11 : memref<125x16xf32, #tpu.memory_space<vmem>>) target(%dma_start3A_113 : memref<10240x16xf32, #tpu.memory_space<vmem_shared>>) offsets(%dma_start3A_110 : memref<125xi32, #tpu.memory_space<vmem>>) semaphore(%run_scoped3A_107 : memref<!tpu.dma_semaphore, #tpu.memory_space<semaphore_mem>>) {add = true}
      %dma_wait3A_114 = arith.constant 0 : i32
      %dma_wait3A_115 = tpu.memref_slice %arg8[%run_scoped3A_82, %dma_wait3A_114] : memref<80x125xi32, #tpu.memory_space<vmem>> -> memref<1x125xi32, #tpu.memory_space<vmem>>
      %dma_wait3A_116 = tpu.memref_squeeze %dma_wait3A_115 : memref<1x125xi32, #tpu.memory_space<vmem>> -> memref<125xi32, #tpu.memory_space<vmem>>
      %dma_wait3A_117 = arith.constant 0 : i32
      %dma_wait3A_118 = arith.constant 0 : i32
      %dma_wait3A_119 = tpu.memref_slice %arg15[%dma_wait3A_117, %dma_wait3A_118] : memref<10240x16xf32, #tpu.memory_space<vmem_shared>> -> memref<10240x16xf32, #tpu.memory_space<vmem_shared>>
      tpu.wait_indirect_dma semaphore(%run_scoped3A_107 : memref<!tpu.dma_semaphore, #tpu.memory_space<semaphore_mem>>) src(%arg11 : memref<125x16xf32, #tpu.memory_space<vmem>>) dst(%dma_wait3A_119 : memref<10240x16xf32, #tpu.memory_space<vmem_shared>>)
      tpu.yield
    }) : () -> ()
    %dma_wait3A_83 = arith.constant 78 : i32
    %dma_wait3A_84 = arith.constant 0 : i32
    %dma_wait3A_85 = tpu.memref_slice %arg7[%dma_wait3A_83, %dma_wait3A_84] : memref<80x125xi32, #tpu.memory_space<vmem>> -> memref<1x125xi32, #tpu.memory_space<vmem>>
    %dma_wait3A_86 = tpu.memref_squeeze %dma_wait3A_85 : memref<1x125xi32, #tpu.memory_space<vmem>> -> memref<125xi32, #tpu.memory_space<vmem>>
    %dma_wait3A_87 = arith.constant 0 : i32
    %dma_wait3A_88 = arith.constant 0 : i32
    %dma_wait3A_89 = tpu.memref_slice %arg21[%dma_wait3A_87, %dma_wait3A_88] : memref<10240x16xf32, #tpu.memory_space<vmem_shared>> -> memref<10240x16xf32, #tpu.memory_space<vmem_shared>>
    tpu.wait_indirect_dma semaphore(%arg19 : memref<!tpu.dma_semaphore, #tpu.memory_space<semaphore_mem>>) src(%dma_wait3A_89 : memref<10240x16xf32, #tpu.memory_space<vmem_shared>>) dst(%arg12 : memref<125x16xf32, #tpu.memory_space<vmem>>)
    %run_scoped3A_90 = arith.constant 78 : i32
    "tpu.region"() ({
      %run_scoped3A_107 = tpu.sem_alloc : memref<!tpu.dma_semaphore, #tpu.memory_space<semaphore_mem>>
      %dma_start3A_108 = arith.constant 0 : i32
      %dma_start3A_109 = tpu.memref_slice %arg8[%run_scoped3A_90, %dma_start3A_108] : memref<80x125xi32, #tpu.memory_space<vmem>> -> memref<1x125xi32, #tpu.memory_space<vmem>>
      %dma_start3A_110 = tpu.memref_squeeze %dma_start3A_109 : memref<1x125xi32, #tpu.memory_space<vmem>> -> memref<125xi32, #tpu.memory_space<vmem>>
      %dma_start3A_111 = arith.constant 0 : i32
      %dma_start3A_112 = arith.constant 0 : i32
      %dma_start3A_113 = tpu.memref_slice %arg15[%dma_start3A_111, %dma_start3A_112] : memref<10240x16xf32, #tpu.memory_space<vmem_shared>> -> memref<10240x16xf32, #tpu.memory_space<vmem_shared>>
      tpu.enqueue_indirect_dma source(%arg12 : memref<125x16xf32, #tpu.memory_space<vmem>>) target(%dma_start3A_113 : memref<10240x16xf32, #tpu.memory_space<vmem_shared>>) offsets(%dma_start3A_110 : memref<125xi32, #tpu.memory_space<vmem>>) semaphore(%run_scoped3A_107 : memref<!tpu.dma_semaphore, #tpu.memory_space<semaphore_mem>>) {add = true}
      %dma_wait3A_114 = arith.constant 0 : i32
      %dma_wait3A_115 = tpu.memref_slice %arg8[%run_scoped3A_90, %dma_wait3A_114] : memref<80x125xi32, #tpu.memory_space<vmem>> -> memref<1x125xi32, #tpu.memory_space<vmem>>
      %dma_wait3A_116 = tpu.memref_squeeze %dma_wait3A_115 : memref<1x125xi32, #tpu.memory_space<vmem>> -> memref<125xi32, #tpu.memory_space<vmem>>
      %dma_wait3A_117 = arith.constant 0 : i32
      %dma_wait3A_118 = arith.constant 0 : i32
      %dma_wait3A_119 = tpu.memref_slice %arg15[%dma_wait3A_117, %dma_wait3A_118] : memref<10240x16xf32, #tpu.memory_space<vmem_shared>> -> memref<10240x16xf32, #tpu.memory_space<vmem_shared>>
      tpu.wait_indirect_dma semaphore(%run_scoped3A_107 : memref<!tpu.dma_semaphore, #tpu.memory_space<semaphore_mem>>) src(%arg12 : memref<125x16xf32, #tpu.memory_space<vmem>>) dst(%dma_wait3A_119 : memref<10240x16xf32, #tpu.memory_space<vmem_shared>>)
      tpu.yield
    }) : () -> ()
    %dma_wait3A_91 = arith.constant 79 : i32
    %dma_wait3A_92 = arith.constant 0 : i32
    %dma_wait3A_93 = tpu.memref_slice %arg7[%dma_wait3A_91, %dma_wait3A_92] : memref<80x125xi32, #tpu.memory_space<vmem>> -> memref<1x125xi32, #tpu.memory_space<vmem>>
    %dma_wait3A_94 = tpu.memref_squeeze %dma_wait3A_93 : memref<1x125xi32, #tpu.memory_space<vmem>> -> memref<125xi32, #tpu.memory_space<vmem>>
    %dma_wait3A_95 = arith.constant 0 : i32
    %dma_wait3A_96 = arith.constant 0 : i32
    %dma_wait3A_97 = tpu.memref_slice %arg2[%dma_wait3A_95, %dma_wait3A_96] : memref<10240x16xf32, #tpu.memory_space<hbm>> -> memref<10240x16xf32, #tpu.memory_space<hbm>>
    tpu.wait_indirect_dma semaphore(%arg20 : memref<!tpu.dma_semaphore, #tpu.memory_space<semaphore_mem>>) src(%dma_wait3A_97 : memref<10240x16xf32, #tpu.memory_space<hbm>>) dst(%arg13 : memref<125x16xf32, #tpu.memory_space<vmem>>)
    %run_scoped3A_98 = arith.constant 79 : i32
    "tpu.region"() ({
      %run_scoped3A_107 = tpu.sem_alloc : memref<!tpu.dma_semaphore, #tpu.memory_space<semaphore_mem>>
      %dma_start3A_108 = arith.constant 0 : i32
      %dma_start3A_109 = tpu.memref_slice %arg8[%run_scoped3A_98, %dma_start3A_108] : memref<80x125xi32, #tpu.memory_space<vmem>> -> memref<1x125xi32, #tpu.memory_space<vmem>>
      %dma_start3A_110 = tpu.memref_squeeze %dma_start3A_109 : memref<1x125xi32, #tpu.memory_space<vmem>> -> memref<125xi32, #tpu.memory_space<vmem>>
      %dma_start3A_111 = arith.constant 0 : i32
      %dma_start3A_112 = arith.constant 0 : i32
      %dma_start3A_113 = tpu.memref_slice %arg15[%dma_start3A_111, %dma_start3A_112] : memref<10240x16xf32, #tpu.memory_space<vmem_shared>> -> memref<10240x16xf32, #tpu.memory_space<vmem_shared>>
      tpu.enqueue_indirect_dma source(%arg13 : memref<125x16xf32, #tpu.memory_space<vmem>>) target(%dma_start3A_113 : memref<10240x16xf32, #tpu.memory_space<vmem_shared>>) offsets(%dma_start3A_110 : memref<125xi32, #tpu.memory_space<vmem>>) semaphore(%run_scoped3A_107 : memref<!tpu.dma_semaphore, #tpu.memory_space<semaphore_mem>>) {add = true}
      %dma_wait3A_114 = arith.constant 0 : i32
      %dma_wait3A_115 = tpu.memref_slice %arg8[%run_scoped3A_98, %dma_wait3A_114] : memref<80x125xi32, #tpu.memory_space<vmem>> -> memref<1x125xi32, #tpu.memory_space<vmem>>
      %dma_wait3A_116 = tpu.memref_squeeze %dma_wait3A_115 : memref<1x125xi32, #tpu.memory_space<vmem>> -> memref<125xi32, #tpu.memory_space<vmem>>
      %dma_wait3A_117 = arith.constant 0 : i32
      %dma_wait3A_118 = arith.constant 0 : i32
      %dma_wait3A_119 = tpu.memref_slice %arg15[%dma_wait3A_117, %dma_wait3A_118] : memref<10240x16xf32, #tpu.memory_space<vmem_shared>> -> memref<10240x16xf32, #tpu.memory_space<vmem_shared>>
      tpu.wait_indirect_dma semaphore(%run_scoped3A_107 : memref<!tpu.dma_semaphore, #tpu.memory_space<semaphore_mem>>) src(%arg13 : memref<125x16xf32, #tpu.memory_space<vmem>>) dst(%dma_wait3A_119 : memref<10240x16xf32, #tpu.memory_space<vmem_shared>>)
      tpu.yield
    }) : () -> ()
    %barrier3A_99 = arith.constant 0 : index
    tpu.barrier barrier_id(%barrier3A_99)
    %eq3A = arith.constant 0 : i32
    %eq3A_100 = arith.cmpi eq, %arg0, %eq3A : i32
    %convert_element_type3A = arith.extui %eq3A_100 : i1 to i32
    %cond3A = arith.constant 0 : i32
    %cond3A_101 = arith.cmpi ne, %convert_element_type3A, %cond3A : i32
    scf.if %cond3A_101 {
      %scan3A_107 = arith.constant 0 : i32
      %scan3A_108 = arith.constant 0 : i32
      %scan3A_109 = arith.constant 5 : i32
      %scan3A_110 = arith.addi %scan3A_108, %scan3A_109 : i32
      %scan3A_111 = arith.constant 1 : i32
      scf.for %scan3A_113 = %scan3A_108 to %scan3A_110 step %scan3A_111  : i32 {
        %mul3A_114 = arith.constant 128 : i32
        %mul3A_115 = arith.muli %scan3A_113, %mul3A_114 : i32
        %add3A_116 = arith.addi %mul3A_2, %mul3A_115 : i32
        "tpu.region"() ({
          %run_scoped3A_117 = tpu.sem_alloc : memref<!tpu.dma_semaphore, #tpu.memory_space<semaphore_mem>>
          %dma_start3A_118 = arith.constant 0 : i32
          %dma_start3A_119 = tpu.memref_slice %arg15[%add3A_116, %dma_start3A_118] : memref<10240x16xf32, #tpu.memory_space<vmem_shared>> -> memref<128x16xf32, #tpu.memory_space<vmem_shared>>
          %dma_start3A_120 = arith.constant 0 : i32
          %dma_start3A_121 = tpu.memref_slice %arg15[%add3A_116, %dma_start3A_120] : memref<10240x16xf32, #tpu.memory_space<vmem_shared>> -> memref<128x16xf32, #tpu.memory_space<vmem_shared>>
          tpu.enqueue_dma source(%dma_start3A_121 : memref<128x16xf32, #tpu.memory_space<vmem_shared>>) target(%arg14 : memref<128x16xf32, #tpu.memory_space<vmem>>) target_semaphore(%run_scoped3A_117 : memref<!tpu.dma_semaphore, #tpu.memory_space<semaphore_mem>>)
          %dma_wait3A_122 = arith.constant 0 : i32
          %dma_wait3A_123 = tpu.memref_slice %arg15[%add3A_116, %dma_wait3A_122] : memref<10240x16xf32, #tpu.memory_space<vmem_shared>> -> memref<128x16xf32, #tpu.memory_space<vmem_shared>>
          %dma_wait3A_124 = arith.constant 0 : i32
          %dma_wait3A_125 = tpu.memref_slice %arg15[%add3A_116, %dma_wait3A_124] : memref<10240x16xf32, #tpu.memory_space<vmem_shared>> -> memref<128x16xf32, #tpu.memory_space<vmem_shared>>
          tpu.wait_dma2 semaphore(%run_scoped3A_117 : memref<!tpu.dma_semaphore, #tpu.memory_space<semaphore_mem>>) src(%dma_wait3A_125 : memref<128x16xf32, #tpu.memory_space<vmem_shared>>) dst(%arg14 : memref<128x16xf32, #tpu.memory_space<vmem>>)
          tpu.yield
        }) : () -> ()
        "tpu.region"() ({
          %run_scoped3A_117 = tpu.sem_alloc : memref<!tpu.dma_semaphore, #tpu.memory_space<semaphore_mem>>
          %dma_start3A_118 = arith.constant 0 : i32
          %dma_start3A_119 = tpu.memref_slice %arg5[%add3A_116, %dma_start3A_118] : memref<10240x16xf32, #tpu.memory_space<hbm>> -> memref<128x16xf32, #tpu.memory_space<hbm>>
          %dma_start3A_120 = arith.constant 0 : i32
          %dma_start3A_121 = tpu.memref_slice %arg5[%add3A_116, %dma_start3A_120] : memref<10240x16xf32, #tpu.memory_space<hbm>> -> memref<128x16xf32, #tpu.memory_space<hbm>>
          tpu.enqueue_dma source(%arg14 : memref<128x16xf32, #tpu.memory_space<vmem>>) target(%dma_start3A_121 : memref<128x16xf32, #tpu.memory_space<hbm>>) target_semaphore(%run_scoped3A_117 : memref<!tpu.dma_semaphore, #tpu.memory_space<semaphore_mem>>)
          %dma_wait3A_122 = arith.constant 0 : i32
          %dma_wait3A_123 = tpu.memref_slice %arg5[%add3A_116, %dma_wait3A_122] : memref<10240x16xf32, #tpu.memory_space<hbm>> -> memref<128x16xf32, #tpu.memory_space<hbm>>
          %dma_wait3A_124 = arith.constant 0 : i32
          %dma_wait3A_125 = tpu.memref_slice %arg5[%add3A_116, %dma_wait3A_124] : memref<10240x16xf32, #tpu.memory_space<hbm>> -> memref<128x16xf32, #tpu.memory_space<hbm>>
          tpu.wait_dma2 semaphore(%run_scoped3A_117 : memref<!tpu.dma_semaphore, #tpu.memory_space<semaphore_mem>>) src(%arg14 : memref<128x16xf32, #tpu.memory_space<vmem>>) dst(%dma_wait3A_125 : memref<128x16xf32, #tpu.memory_space<hbm>>)
          tpu.yield
        }) : () -> ()
      }
      %scan3A_112 = arith.constant 5 : i32
    } else {
    }
    %eq3A_102 = arith.constant 1 : i32
    %eq3A_103 = arith.cmpi eq, %arg0, %eq3A_102 : i32
    %convert_element_type3A_104 = arith.extui %eq3A_103 : i1 to i32
    %cond3A_105 = arith.constant 0 : i32
    %cond3A_106 = arith.cmpi ne, %convert_element_type3A_104, %cond3A_105 : i32
    scf.if %cond3A_106 {
      %scan3A_107 = arith.constant 0 : i32
      %scan3A_108 = arith.constant 0 : i32
      %scan3A_109 = arith.constant 5 : i32
      %scan3A_110 = arith.addi %scan3A_108, %scan3A_109 : i32
      %scan3A_111 = arith.constant 1 : i32
      scf.for %scan3A_113 = %scan3A_108 to %scan3A_110 step %scan3A_111  : i32 {
        %mul3A_114 = arith.constant 128 : i32
        %mul3A_115 = arith.muli %scan3A_113, %mul3A_114 : i32
        %add3A_116 = arith.addi %mul3A_2, %mul3A_115 : i32
        "tpu.region"() ({
          %run_scoped3A_117 = tpu.sem_alloc : memref<!tpu.dma_semaphore, #tpu.memory_space<semaphore_mem>>
          %dma_start3A_118 = arith.constant 0 : i32
          %dma_start3A_119 = tpu.memref_slice %arg15[%add3A_116, %dma_start3A_118] : memref<10240x16xf32, #tpu.memory_space<vmem_shared>> -> memref<128x16xf32, #tpu.memory_space<vmem_shared>>
          %dma_start3A_120 = arith.constant 0 : i32
          %dma_start3A_121 = tpu.memref_slice %arg15[%add3A_116, %dma_start3A_120] : memref<10240x16xf32, #tpu.memory_space<vmem_shared>> -> memref<128x16xf32, #tpu.memory_space<vmem_shared>>
          tpu.enqueue_dma source(%dma_start3A_121 : memref<128x16xf32, #tpu.memory_space<vmem_shared>>) target(%arg14 : memref<128x16xf32, #tpu.memory_space<vmem>>) target_semaphore(%run_scoped3A_117 : memref<!tpu.dma_semaphore, #tpu.memory_space<semaphore_mem>>)
          %dma_wait3A_122 = arith.constant 0 : i32
          %dma_wait3A_123 = tpu.memref_slice %arg15[%add3A_116, %dma_wait3A_122] : memref<10240x16xf32, #tpu.memory_space<vmem_shared>> -> memref<128x16xf32, #tpu.memory_space<vmem_shared>>
          %dma_wait3A_124 = arith.constant 0 : i32
          %dma_wait3A_125 = tpu.memref_slice %arg15[%add3A_116, %dma_wait3A_124] : memref<10240x16xf32, #tpu.memory_space<vmem_shared>> -> memref<128x16xf32, #tpu.memory_space<vmem_shared>>
          tpu.wait_dma2 semaphore(%run_scoped3A_117 : memref<!tpu.dma_semaphore, #tpu.memory_space<semaphore_mem>>) src(%dma_wait3A_125 : memref<128x16xf32, #tpu.memory_space<vmem_shared>>) dst(%arg14 : memref<128x16xf32, #tpu.memory_space<vmem>>)
          tpu.yield
        }) : () -> ()
        "tpu.region"() ({
          %run_scoped3A_117 = tpu.sem_alloc : memref<!tpu.dma_semaphore, #tpu.memory_space<semaphore_mem>>
          %dma_start3A_118 = arith.constant 0 : i32
          %dma_start3A_119 = tpu.memref_slice %arg6[%add3A_116, %dma_start3A_118] : memref<10240x16xf32, #tpu.memory_space<hbm>> -> memref<128x16xf32, #tpu.memory_space<hbm>>
          %dma_start3A_120 = arith.constant 0 : i32
          %dma_start3A_121 = tpu.memref_slice %arg6[%add3A_116, %dma_start3A_120] : memref<10240x16xf32, #tpu.memory_space<hbm>> -> memref<128x16xf32, #tpu.memory_space<hbm>>
          tpu.enqueue_dma source(%arg14 : memref<128x16xf32, #tpu.memory_space<vmem>>) target(%dma_start3A_121 : memref<128x16xf32, #tpu.memory_space<hbm>>) target_semaphore(%run_scoped3A_117 : memref<!tpu.dma_semaphore, #tpu.memory_space<semaphore_mem>>)
          %dma_wait3A_122 = arith.constant 0 : i32
          %dma_wait3A_123 = tpu.memref_slice %arg6[%add3A_116, %dma_wait3A_122] : memref<10240x16xf32, #tpu.memory_space<hbm>> -> memref<128x16xf32, #tpu.memory_space<hbm>>
          %dma_wait3A_124 = arith.constant 0 : i32
          %dma_wait3A_125 = tpu.memref_slice %arg6[%add3A_116, %dma_wait3A_124] : memref<10240x16xf32, #tpu.memory_space<hbm>> -> memref<128x16xf32, #tpu.memory_space<hbm>>
          tpu.wait_dma2 semaphore(%run_scoped3A_117 : memref<!tpu.dma_semaphore, #tpu.memory_space<semaphore_mem>>) src(%arg14 : memref<128x16xf32, #tpu.memory_space<vmem>>) dst(%dma_wait3A_125 : memref<128x16xf32, #tpu.memory_space<hbm>>)
          tpu.yield
        }) : () -> ()
      }
      %scan3A_112 = arith.constant 5 : i32
    } else {
    }
    return
  }
}

module attributes {stable_mosaic.version = 14 : i64} {
  func.func @_tc1_body(%arg0: i32, %arg1: memref<5120x128xf32, #tpu.memory_space<vmem>>, %arg2: memref<128x64xf32, #tpu.memory_space<vmem>>, %arg3: memref<5120x16xf32, #tpu.memory_space<vmem>>, %arg4: memref<5120x16xf32, #tpu.memory_space<vmem>>, %arg5: memref<5120x64xf32, #tpu.memory_space<vmem>>) attributes {dimension_semantics = [#tpu.dimension_semantics<arbitrary>], iteration_bounds = array<i64: 2>, scalar_prefetch = 0 : i64, scratch_operands = 0 : i64, tpu.core_type = #tpu.core_type<tc>, window_params = [{transform_indices = @transform_0, window_bounds = array<i64: 5120, 128>}, {pipeline_mode = #tpu.pipeline_mode<synchronous>, transform_indices = @transform_1, window_bounds = array<i64: 128, 64>}, {transform_indices = @transform_2, window_bounds = array<i64: 5120, 16>}, {transform_indices = @transform_3, window_bounds = array<i64: 5120, 16>}, {transform_indices = @transform_4, window_bounds = array<i64: 5120, 64>}]} {
    %get3A = arith.constant 0 : index
    %get3A_0 = arith.constant 0 : index
    %get3A_1 = vector.load %arg3[%get3A, %get3A_0] : memref<5120x16xf32, #tpu.memory_space<vmem>>, vector<5120x16xf32>
    %get3A_2 = arith.constant 0 : index
    %get3A_3 = arith.constant 0 : index
    %get3A_4 = vector.load %arg4[%get3A_2, %get3A_3] : memref<5120x16xf32, #tpu.memory_space<vmem>>, vector<5120x16xf32>
    %slice3A = vector.extract_strided_slice %get3A_1 {offsets = [0, 0], sizes = [5120, 1], strides = [1, 1]} : vector<5120x16xf32> to vector<5120x1xf32>
    %slice3A_5 = vector.extract_strided_slice %get3A_4 {offsets = [0, 0], sizes = [5120, 1], strides = [1, 1]} : vector<5120x16xf32> to vector<5120x1xf32>
    %add3A = arith.addf %slice3A, %slice3A_5 : vector<5120x1xf32>
    %add3A_6 = arith.constant 1.000000e+00 : f32
    %add3A_7 = vector.broadcast %add3A_6 : f32 to vector<5120x1xf32>
    %add3A_8 = arith.addf %add3A, %add3A_7 : vector<5120x1xf32>
    %rsqrt3A = math.rsqrt %add3A_8 : vector<5120x1xf32>
    %get3A_9 = arith.constant 0 : index
    %get3A_10 = arith.constant 0 : index
    %get3A_11 = vector.load %arg1[%get3A_9, %get3A_10] : memref<5120x128xf32, #tpu.memory_space<vmem>>, vector<5120x128xf32>
    %get3A_12 = arith.constant 0 : index
    %get3A_13 = arith.constant 0 : index
    %get3A_14 = vector.load %arg2[%get3A_12, %get3A_13] : memref<128x64xf32, #tpu.memory_space<vmem>>, vector<128x64xf32>
    %dot_general3A = arith.constant dense<0.000000e+00> : vector<5120x64xf32>
    %dot_general3A_15 = tpu.matmul %get3A_11, %get3A_14, %dot_general3A {dimension_numbers = #tpu.dot_dimension_numbers<[1], [0], [0], [1], [0, 0, 1, 1], [], []>, transpose_lhs_hint = false} : vector<5120x128xf32>, vector<128x64xf32>, vector<5120x64xf32> -> vector<5120x64xf32>
    %mul3A = vector.broadcast %rsqrt3A : vector<5120x1xf32> to vector<5120x64xf32>
    %mul3A_16 = arith.mulf %dot_general3A_15, %mul3A : vector<5120x64xf32>
    %swap3A = arith.constant 0 : index
    %swap3A_17 = arith.constant 0 : index
    %swap3A_18 = vector.load %arg5[%swap3A, %swap3A_17] : memref<5120x64xf32, #tpu.memory_space<vmem>>, vector<5120x64xf32>
    tpu.vector_store %arg5[%swap3A, %swap3A_17], %mul3A_16 {strides = array<i32>} : memref<5120x64xf32, #tpu.memory_space<vmem>>, vector<5120x64xf32>,
    return
  }
  func.func @transform_0(%arg0: i32) -> (i32, i32) {
    %c0_i32 = arith.constant 0 : i32
    %c0_i32_0 = arith.constant 0 : i32
    return %arg0, %c0_i32 : i32, i32
  }
  func.func @transform_1(%arg0: i32) -> (i32, i32) {
    %c0_i32 = arith.constant 0 : i32
    %c0_i32_0 = arith.constant 0 : i32
    %c0_i32_1 = arith.constant 0 : i32
    return %c0_i32, %c0_i32_0 : i32, i32
  }
  func.func @transform_2(%arg0: i32) -> (i32, i32) {
    %c0_i32 = arith.constant 0 : i32
    %c0_i32_0 = arith.constant 0 : i32
    return %arg0, %c0_i32 : i32, i32
  }
  func.func @transform_3(%arg0: i32) -> (i32, i32) {
    %c0_i32 = arith.constant 0 : i32
    %c0_i32_0 = arith.constant 0 : i32
    return %arg0, %c0_i32 : i32, i32
  }
  func.func @transform_4(%arg0: i32) -> (i32, i32) {
    %c0_i32 = arith.constant 0 : i32
    %c0_i32_0 = arith.constant 0 : i32
    return %arg0, %c0_i32 : i32, i32
  }
}

module attributes {stable_mosaic.version = 14 : i64} {
  func.func @_tc2_body(%arg0: i32, %arg1: memref<5120x64xf32, #tpu.memory_space<vmem>>, %arg2: memref<5120x64xf32, #tpu.memory_space<vmem>>, %arg3: memref<5120x64xf32, #tpu.memory_space<vmem>>, %arg4: memref<5120x16xf32, #tpu.memory_space<vmem>>, %arg5: memref<5120x16xf32, #tpu.memory_space<vmem>>, %arg6: memref<1x64xf32, #tpu.memory_space<vmem>>, %arg7: memref<64x16xf32, #tpu.memory_space<vmem>>, %arg8: memref<5120x16xf32, #tpu.memory_space<vmem>>) attributes {dimension_semantics = [#tpu.dimension_semantics<arbitrary>], iteration_bounds = array<i64: 2>, scalar_prefetch = 0 : i64, scratch_operands = 0 : i64, tpu.core_type = #tpu.core_type<tc>, window_params = [{transform_indices = @transform_0, window_bounds = array<i64: 5120, 64>}, {transform_indices = @transform_1, window_bounds = array<i64: 5120, 64>}, {transform_indices = @transform_2, window_bounds = array<i64: 5120, 64>}, {transform_indices = @transform_3, window_bounds = array<i64: 5120, 16>}, {transform_indices = @transform_4, window_bounds = array<i64: 5120, 16>}, {pipeline_mode = #tpu.pipeline_mode<synchronous>, transform_indices = @transform_5, window_bounds = array<i64: 1, 64>}, {pipeline_mode = #tpu.pipeline_mode<synchronous>, transform_indices = @transform_6, window_bounds = array<i64: 64, 16>}, {transform_indices = @transform_7, window_bounds = array<i64: 5120, 16>}]} {
    %get3A = arith.constant 0 : index
    %get3A_0 = arith.constant 0 : index
    %get3A_1 = vector.load %arg4[%get3A, %get3A_0] : memref<5120x16xf32, #tpu.memory_space<vmem>>, vector<5120x16xf32>
    %get3A_2 = arith.constant 0 : index
    %get3A_3 = arith.constant 0 : index
    %get3A_4 = vector.load %arg5[%get3A_2, %get3A_3] : memref<5120x16xf32, #tpu.memory_space<vmem>>, vector<5120x16xf32>
    %slice3A = vector.extract_strided_slice %get3A_1 {offsets = [0, 0], sizes = [5120, 1], strides = [1, 1]} : vector<5120x16xf32> to vector<5120x1xf32>
    %slice3A_5 = vector.extract_strided_slice %get3A_4 {offsets = [0, 0], sizes = [5120, 1], strides = [1, 1]} : vector<5120x16xf32> to vector<5120x1xf32>
    %add3A = arith.addf %slice3A, %slice3A_5 : vector<5120x1xf32>
    %add3A_6 = arith.constant 1.000000e+00 : f32
    %add3A_7 = vector.broadcast %add3A_6 : f32 to vector<5120x1xf32>
    %add3A_8 = arith.addf %add3A, %add3A_7 : vector<5120x1xf32>
    %rsqrt3A = math.rsqrt %add3A_8 : vector<5120x1xf32>
    %get3A_9 = arith.constant 0 : index
    %get3A_10 = arith.constant 0 : index
    %get3A_11 = vector.load %arg1[%get3A_9, %get3A_10] : memref<5120x64xf32, #tpu.memory_space<vmem>>, vector<5120x64xf32>
    %get3A_12 = arith.constant 0 : index
    %get3A_13 = arith.constant 0 : index
    %get3A_14 = vector.load %arg2[%get3A_12, %get3A_13] : memref<5120x64xf32, #tpu.memory_space<vmem>>, vector<5120x64xf32>
    %add3A_15 = arith.addf %get3A_11, %get3A_14 : vector<5120x64xf32>
    %get3A_16 = arith.constant 0 : index
    %get3A_17 = arith.constant 0 : index
    %get3A_18 = vector.load %arg3[%get3A_16, %get3A_17] : memref<5120x64xf32, #tpu.memory_space<vmem>>, vector<5120x64xf32>
    %add3A_19 = arith.addf %add3A_15, %get3A_18 : vector<5120x64xf32>
    %mul3A = vector.broadcast %rsqrt3A : vector<5120x1xf32> to vector<5120x64xf32>
    %mul3A_20 = arith.mulf %mul3A, %add3A_19 : vector<5120x64xf32>
    %get3A_21 = arith.constant 0 : index
    %get3A_22 = arith.constant 0 : index
    %get3A_23 = vector.load %arg6[%get3A_21, %get3A_22] : memref<1x64xf32, #tpu.memory_space<vmem>>, vector<1x64xf32>
    %add3A_24 = vector.broadcast %get3A_23 : vector<1x64xf32> to vector<5120x64xf32>
    %add3A_25 = arith.addf %mul3A_20, %add3A_24 : vector<5120x64xf32>
    %max3A = arith.constant 0.000000e+00 : f32
    %max3A_26 = vector.broadcast %max3A : f32 to vector<5120x64xf32>
    %max3A_27 = arith.maximumf %add3A_25, %max3A_26 : vector<5120x64xf32>
    %get3A_28 = arith.constant 0 : index
    %get3A_29 = arith.constant 0 : index
    %get3A_30 = vector.load %arg7[%get3A_28, %get3A_29] : memref<64x16xf32, #tpu.memory_space<vmem>>, vector<64x16xf32>
    %dot_general3A = arith.constant dense<0.000000e+00> : vector<5120x16xf32>
    %dot_general3A_31 = tpu.matmul %max3A_27, %get3A_30, %dot_general3A {dimension_numbers = #tpu.dot_dimension_numbers<[1], [0], [0], [1], [0, 0, 1, 1], [], []>, transpose_lhs_hint = false} : vector<5120x64xf32>, vector<64x16xf32>, vector<5120x16xf32> -> vector<5120x16xf32>
    %mul3A_32 = vector.broadcast %rsqrt3A : vector<5120x1xf32> to vector<5120x16xf32>
    %mul3A_33 = arith.mulf %dot_general3A_31, %mul3A_32 : vector<5120x16xf32>
    %swap3A = arith.constant 0 : index
    %swap3A_34 = arith.constant 0 : index
    %swap3A_35 = vector.load %arg8[%swap3A, %swap3A_34] : memref<5120x16xf32, #tpu.memory_space<vmem>>, vector<5120x16xf32>
    tpu.vector_store %arg8[%swap3A, %swap3A_34], %mul3A_33 {strides = array<i32>} : memref<5120x16xf32, #tpu.memory_space<vmem>>, vector<5120x16xf32>,
    return
  }
  func.func @transform_0(%arg0: i32) -> (i32, i32) {
    %c0_i32 = arith.constant 0 : i32
    %c0_i32_0 = arith.constant 0 : i32
    return %arg0, %c0_i32 : i32, i32
  }
  func.func @transform_1(%arg0: i32) -> (i32, i32) {
    %c0_i32 = arith.constant 0 : i32
    %c0_i32_0 = arith.constant 0 : i32
    return %arg0, %c0_i32 : i32, i32
  }
  func.func @transform_2(%arg0: i32) -> (i32, i32) {
    %c0_i32 = arith.constant 0 : i32
    %c0_i32_0 = arith.constant 0 : i32
    return %arg0, %c0_i32 : i32, i32
  }
  func.func @transform_3(%arg0: i32) -> (i32, i32) {
    %c0_i32 = arith.constant 0 : i32
    %c0_i32_0 = arith.constant 0 : i32
    return %arg0, %c0_i32 : i32, i32
  }
  func.func @transform_4(%arg0: i32) -> (i32, i32) {
    %c0_i32 = arith.constant 0 : i32
    %c0_i32_0 = arith.constant 0 : i32
    return %arg0, %c0_i32 : i32, i32
  }
  func.func @transform_5(%arg0: i32) -> (i32, i32) {
    %c0_i32 = arith.constant 0 : i32
    %c0_i32_0 = arith.constant 0 : i32
    %c0_i32_1 = arith.constant 0 : i32
    return %c0_i32, %c0_i32_0 : i32, i32
  }
  func.func @transform_6(%arg0: i32) -> (i32, i32) {
    %c0_i32 = arith.constant 0 : i32
    %c0_i32_0 = arith.constant 0 : i32
    %c0_i32_1 = arith.constant 0 : i32
    return %c0_i32, %c0_i32_0 : i32, i32
  }
  func.func @transform_7(%arg0: i32) -> (i32, i32) {
    %c0_i32 = arith.constant 0 : i32
    %c0_i32_0 = arith.constant 0 : i32
    return %arg0, %c0_i32 : i32, i32
  }
}

module attributes {stable_mosaic.version = 14 : i64} {
  func.func @_tc3_body(%arg0: i32, %arg1: memref<5120x16xf32, #tpu.memory_space<vmem>>, %arg2: memref<5120x16xf32, #tpu.memory_space<vmem>>, %arg3: memref<5120x16xf32, #tpu.memory_space<vmem>>, %arg4: memref<5120x16xf32, #tpu.memory_space<vmem>>, %arg5: memref<5120x16xf32, #tpu.memory_space<vmem>>, %arg6: memref<1x16xf32, #tpu.memory_space<vmem>>, %arg7: memref<5120x16xf32, #tpu.memory_space<vmem>>) attributes {dimension_semantics = [#tpu.dimension_semantics<arbitrary>], iteration_bounds = array<i64: 2>, scalar_prefetch = 0 : i64, scratch_operands = 0 : i64, tpu.core_type = #tpu.core_type<tc>, window_params = [{transform_indices = @transform_0, window_bounds = array<i64: 5120, 16>}, {transform_indices = @transform_1, window_bounds = array<i64: 5120, 16>}, {transform_indices = @transform_2, window_bounds = array<i64: 5120, 16>}, {transform_indices = @transform_3, window_bounds = array<i64: 5120, 16>}, {transform_indices = @transform_4, window_bounds = array<i64: 5120, 16>}, {pipeline_mode = #tpu.pipeline_mode<synchronous>, transform_indices = @transform_5, window_bounds = array<i64: 1, 16>}, {transform_indices = @transform_6, window_bounds = array<i64: 5120, 16>}]} {
    %get3A = arith.constant 0 : index
    %get3A_0 = arith.constant 0 : index
    %get3A_1 = vector.load %arg4[%get3A, %get3A_0] : memref<5120x16xf32, #tpu.memory_space<vmem>>, vector<5120x16xf32>
    %get3A_2 = arith.constant 0 : index
    %get3A_3 = arith.constant 0 : index
    %get3A_4 = vector.load %arg5[%get3A_2, %get3A_3] : memref<5120x16xf32, #tpu.memory_space<vmem>>, vector<5120x16xf32>
    %slice3A = vector.extract_strided_slice %get3A_1 {offsets = [0, 0], sizes = [5120, 1], strides = [1, 1]} : vector<5120x16xf32> to vector<5120x1xf32>
    %slice3A_5 = vector.extract_strided_slice %get3A_4 {offsets = [0, 0], sizes = [5120, 1], strides = [1, 1]} : vector<5120x16xf32> to vector<5120x1xf32>
    %add3A = arith.addf %slice3A, %slice3A_5 : vector<5120x1xf32>
    %add3A_6 = arith.constant 1.000000e+00 : f32
    %add3A_7 = vector.broadcast %add3A_6 : f32 to vector<5120x1xf32>
    %add3A_8 = arith.addf %add3A, %add3A_7 : vector<5120x1xf32>
    %rsqrt3A = math.rsqrt %add3A_8 : vector<5120x1xf32>
    %get3A_9 = arith.constant 0 : index
    %get3A_10 = arith.constant 0 : index
    %get3A_11 = vector.load %arg1[%get3A_9, %get3A_10] : memref<5120x16xf32, #tpu.memory_space<vmem>>, vector<5120x16xf32>
    %get3A_12 = arith.constant 0 : index
    %get3A_13 = arith.constant 0 : index
    %get3A_14 = vector.load %arg2[%get3A_12, %get3A_13] : memref<5120x16xf32, #tpu.memory_space<vmem>>, vector<5120x16xf32>
    %add3A_15 = arith.addf %get3A_11, %get3A_14 : vector<5120x16xf32>
    %get3A_16 = arith.constant 0 : index
    %get3A_17 = arith.constant 0 : index
    %get3A_18 = vector.load %arg3[%get3A_16, %get3A_17] : memref<5120x16xf32, #tpu.memory_space<vmem>>, vector<5120x16xf32>
    %add3A_19 = arith.addf %add3A_15, %get3A_18 : vector<5120x16xf32>
    %mul3A = vector.broadcast %rsqrt3A : vector<5120x1xf32> to vector<5120x16xf32>
    %mul3A_20 = arith.mulf %mul3A, %add3A_19 : vector<5120x16xf32>
    %get3A_21 = arith.constant 0 : index
    %get3A_22 = arith.constant 0 : index
    %get3A_23 = vector.load %arg6[%get3A_21, %get3A_22] : memref<1x16xf32, #tpu.memory_space<vmem>>, vector<1x16xf32>
    %add3A_24 = vector.broadcast %get3A_23 : vector<1x16xf32> to vector<5120x16xf32>
    %add3A_25 = arith.addf %mul3A_20, %add3A_24 : vector<5120x16xf32>
    %reduce_max3A = arith.constant dense<0xFF800000> : vector<5120xf32>
    %reduce_max3A_26 = vector.multi_reduction <maximumf>, %add3A_25, %reduce_max3A [1] : vector<5120x16xf32> to vector<5120xf32>
    %broadcast_in_dim3A = vector.shape_cast %reduce_max3A_26 : vector<5120xf32> to vector<5120x1xf32>
    %sub3A = vector.broadcast %broadcast_in_dim3A : vector<5120x1xf32> to vector<5120x16xf32>
    %sub3A_27 = arith.subf %add3A_25, %sub3A : vector<5120x16xf32>
    %exp3A = math.exp %sub3A_27 : vector<5120x16xf32>
    %reduce_sum3A = arith.constant dense<0.000000e+00> : vector<5120xf32>
    %reduce_sum3A_28 = vector.multi_reduction <add>, %exp3A, %reduce_sum3A [1] : vector<5120x16xf32> to vector<5120xf32>
    %broadcast_in_dim3A_29 = vector.shape_cast %reduce_sum3A_28 : vector<5120xf32> to vector<5120x1xf32>
    %sub3A_30 = vector.broadcast %broadcast_in_dim3A : vector<5120x1xf32> to vector<5120x16xf32>
    %sub3A_31 = arith.subf %add3A_25, %sub3A_30 : vector<5120x16xf32>
    %log3A = math.log %broadcast_in_dim3A_29 : vector<5120x1xf32>
    %sub3A_32 = vector.broadcast %log3A : vector<5120x1xf32> to vector<5120x16xf32>
    %sub3A_33 = arith.subf %sub3A_31, %sub3A_32 : vector<5120x16xf32>
    %swap3A = arith.constant 0 : index
    %swap3A_34 = arith.constant 0 : index
    %swap3A_35 = vector.load %arg7[%swap3A, %swap3A_34] : memref<5120x16xf32, #tpu.memory_space<vmem>>, vector<5120x16xf32>
    tpu.vector_store %arg7[%swap3A, %swap3A_34], %sub3A_33 {strides = array<i32>} : memref<5120x16xf32, #tpu.memory_space<vmem>>, vector<5120x16xf32>,
    return
  }
  func.func @transform_0(%arg0: i32) -> (i32, i32) {
    %c0_i32 = arith.constant 0 : i32
    %c0_i32_0 = arith.constant 0 : i32
    return %arg0, %c0_i32 : i32, i32
  }
  func.func @transform_1(%arg0: i32) -> (i32, i32) {
    %c0_i32 = arith.constant 0 : i32
    %c0_i32_0 = arith.constant 0 : i32
    return %arg0, %c0_i32 : i32, i32
  }
  func.func @transform_2(%arg0: i32) -> (i32, i32) {
    %c0_i32 = arith.constant 0 : i32
    %c0_i32_0 = arith.constant 0 : i32
    return %arg0, %c0_i32 : i32, i32
  }
  func.func @transform_3(%arg0: i32) -> (i32, i32) {
    %c0_i32 = arith.constant 0 : i32
    %c0_i32_0 = arith.constant 0 : i32
    return %arg0, %c0_i32 : i32, i32
  }
  func.func @transform_4(%arg0: i32) -> (i32, i32) {
    %c0_i32 = arith.constant 0 : i32
    %c0_i32_0 = arith.constant 0 : i32
    return %arg0, %c0_i32 : i32, i32
  }
  func.func @transform_5(%arg0: i32) -> (i32, i32) {
    %c0_i32 = arith.constant 0 : i32
    %c0_i32_0 = arith.constant 0 : i32
    %c0_i32_1 = arith.constant 0 : i32
    return %c0_i32, %c0_i32_0 : i32, i32
  }
  func.func @transform_6(%arg0: i32) -> (i32, i32) {
    %c0_i32 = arith.constant 0 : i32
    %c0_i32_0 = arith.constant 0 : i32
    return %arg0, %c0_i32 : i32, i32
  }
}

</mosaic_0001>

<sc_bundles>
// kernel: sc_gcn_agg_16.3.cloned.1.call-start
scs
__scs_entry_jumppad:
0x0: {  	(pc) =	sbr.rel $0x88, $3  }
0x1: {  	(tag) =	ssettag $0x0;
	lr =	simm.s32 $0x1  }
0x2: {  	[smem:$0x3F9B] =	sst lr;
	_ =	strace $0xD0000000  }
0x3: {  	_ = 	snop  }
0x4: {  	_ = 	snop  }
0x5: {  	_ = 	snop  }
0x6: {  	_ = 	snop  }
0x7: {  	_ = 	snop  }
__scs_overlays_trampoline_lowered:
0x8: {  	[smem:$0x3FAA] =	sst s0  }
0x9: {  	[smem:$0x3FAB] =	sst s1  }
0xa: {  	[smem:$0x3FAC] =	sst s2  }
0xb: {  	[smem:$0x3FAD] =	sst s3  }
0xc: {  	[smem:$0x3FAE] =	sst s4  }
0xd: {  	[smem:$0x3FAF] =	sst s5  }
0xe: {  	[smem:$0x3FB0] =	sst s6  }
0xf: {  	[smem:$0x3FB1] =	sst s7  }
0x10: {  	[smem:$0x3FB2] =	sst s8  }
0x11: {  	[smem:$0x3FB3] =	sst s9;
	s0 =	simm.s32 @!p0 $0x0  }
0x12: {  	s1 =	sld [smem:$0x3F99];
	s0 =	simm.s32 @p0 $0x1  }
0x13: {  	[smem:$0x3FB4] =	sst s0;
	s0 =	simm.s32 @!p1 $0x0  }
0x14: {  	s2 =	sld [smem:$0x3F98];
	s0 =	simm.s32 @p1 $0x1  }
0x15: {  	[smem:$0x3FB5] =	sst s0;
	s0 =	simm.s32 @!p2 $0x0  }
0x16: {  	s3 =	sld [smem:$0x3FDB];
	s0 =	simm.s32 @p2 $0x1  }
0x17: {  	s4 =	simm.s32 $0x1BF5;
	[smem:$0x3FB7] =	sst s0  }
0x18: {  	s0 =	sld [smem:$0x3F9A];
	_ =	swait.ge [sflag:s4], $0x0  }
0x19: {  	s7 =	sld [smem:$0x3F9B]  }
0x1a: {  	s8 =	sadd.s32 $0xFFFFE003, lr  }
0x1b: {  	s9 =	sadd.s32 $0xFFFFFEF7, lr;
	s5 =	simm.s32 $0xFFFFFFFF;
	p2 =	slt.u32 s8, $0xFFFFF086  }
0x1c: {  	p1 =	slt.u32 s9, $0xF7A;
	s5 =	simm.s32 @!p2 $0x0  }
0x1d: {  	s5 =	simm.s32 @p1 $0x1;
	p0 =	seq.s32 s7, s2  }
0x1e: {  	s7 =	smul.u32 @!p0 $0xF7A, s2;
	p2 =	seq.s32 @!p0 s5, $0x0  }
0x1f: {  	s9 =	smul.u32 $0xF7A, s1;
	s8 =	simm.s32 @!p0 $0x1BF5;
	p2 =	por !p2, p0  }
0x20: {  	[sflag:s8] =	ssyncset.s32 @!p0 $0xFFFFF086;
	s6 =	sadd.s32 @!p0 s3, s7;
	s7 =	simm.s32 @!p0 $0x108  }
0x21: {  	s3 =	sadd.s32 s3, s9;
	s6 =	sadd.s32 @!p0 $0x88, s6;
	s7 =	simm.s32 @p2 $0x1082  }
0x22: {  	[simem:s7], [sflag:s8] =	dma.local @!p0 [hbm:s6], $0xF7A  }
0x23: {  	s9 =	sor.u32 $0xD0000000, s2;
	s6 =	simm.s32 $0x108;
	_ =	swait.ge @!p0 [sflag:s8], $0x0  }
0x24: {  	s3 =	sadd.s32 $0x88, s3;
	s6 =	simm.s32 @!p1 $0x1082;
	[sflag:s4] =	ssyncset.s32 $0xFFFFF086  }
0x25: {  	[simem:s6], [sflag:s4] =	dma.local [hbm:s3], $0xF7A  }
0x26: {  	[smem:$0x3F9B] =	sst s1;
	(tag) =	ssettag s2;
	_ =	strace s9  }
0x27: {  	s1 =	sld [smem:$0x3FAB]  }
0x28: {  	s2 =	sld [smem:$0x3FAC]  }
0x29: {  	s4 =	sld [smem:$0x3FAE]  }
0x2a: {  	p0 =	seq.s32 s5, $0x0;
	s5 =	sld [smem:$0x3FAF]  }
0x2b: {  	s6 =	sld [smem:$0x3FB0]  }
0x2c: {  	s7 =	sld [smem:$0x3FB1]  }
0x2d: {  	s3 =	simm.s32 $0x108;
	s8 =	sld [smem:$0x3FB2]  }
0x2e: {  	s3 =	simm.s32 @!p0 $0x1082;
	s9 =	sld [smem:$0x3FB3]  }
0x2f: {  	lr =	sadd.s32 s0, s3;
	s0 =	sld [smem:$0x3FAA]  }
0x30: {  	s3 =	sld [smem:$0x3FAD]  }
0x31: {  	[smem:$0x3FB6] =	sst s10  }
0x32: {  	s10 =	sld [smem:$0x3FB4];
	_ =	sdelay $0x3  }
0x33: {  	p0 =	seq.s32 s10, $0x1;
	s10 =	sld [smem:$0x3FB6];
	_ =	sdelay $0x3  }
0x34: {  	[smem:$0x3FB6] =	sst s10  }
0x35: {  	s10 =	sld [smem:$0x3FB5];
	_ =	sdelay $0x3  }
0x36: {  	p1 =	seq.s32 s10, $0x1;
	s10 =	sld [smem:$0x3FB6];
	_ =	sdelay $0x3  }
0x37: {  	[smem:$0x3FB6] =	sst s10  }
0x38: {  	s10 =	sld [smem:$0x3FB7]  }
0x39: {  	_ = 	snop;
	(pc) =	sbr.ind lr, $3  }
0x3a: {  	_ = 	snop  }
0x3b: {  	_ = 	snop  }
0x3c: {  	p2 =	seq.s32 s10, $0x1;
	s10 =	sld [smem:$0x3FB6]  }
0x3d: {  	_ =	shalt  }
0x3e: {  	_ =	shalt  }
0x3f: {  	_ =	shalt  }
0x40: {  	_ =	shalt  }
0x41: {  	_ =	shalt  }
0x42: {  	_ =	shalt  }
0x43: {  	_ =	shalt  }
0x44: {  	_ =	shalt  }
0x45: {  	_ =	shalt  }
0x46: {  	_ =	shalt  }
0x47: {  	_ =	shalt  }
0x48: {  	_ =	shalt  }
0x49: {  	_ =	shalt  }
0x4a: {  	_ =	shalt  }
0x4b: {  	_ =	shalt  }
0x4c: {  	_ =	shalt  }
0x4d: {  	_ =	shalt  }
0x4e: {  	_ =	shalt  }
0x4f: {  	_ =	shalt  }
0x50: {  	_ =	shalt  }
0x51: {  	_ =	shalt  }
0x52: {  	_ =	shalt  }
0x53: {  	_ =	shalt  }
0x54: {  	_ =	shalt  }
0x55: {  	_ =	shalt  }
0x56: {  	_ =	shalt  }
0x57: {  	_ =	shalt  }
0x58: {  	_ =	shalt  }
0x59: {  	_ =	shalt  }
0x5a: {  	_ =	shalt  }
0x5b: {  	_ =	shalt  }
0x5c: {  	_ =	shalt  }
0x5d: {  	_ =	shalt  }
0x5e: {  	_ =	shalt  }
0x5f: {  	_ =	shalt  }
0x60: {  	_ =	shalt  }
0x61: {  	_ =	shalt  }
0x62: {  	_ =	shalt  }
0x63: {  	_ =	shalt  }
0x64: {  	_ =	shalt  }
0x65: {  	_ =	shalt  }
0x66: {  	_ =	shalt  }
0x67: {  	_ =	shalt  }
0x68: {  	_ =	shalt  }
0x69: {  	_ =	shalt  }
0x6a: {  	_ =	shalt  }
0x6b: {  	_ =	shalt  }
0x6c: {  	_ =	shalt  }
0x6d: {  	_ =	shalt  }
0x6e: {  	_ =	shalt  }
0x6f: {  	_ =	shalt  }
0x70: {  	_ =	shalt  }
0x71: {  	_ =	shalt  }
0x72: {  	_ =	shalt  }
0x73: {  	_ =	shalt  }
0x74: {  	_ =	shalt  }
0x75: {  	_ =	shalt  }
0x76: {  	_ =	shalt  }
0x77: {  	_ =	shalt  }
0x78: {  	_ =	shalt  }
0x79: {  	_ =	shalt  }
0x7a: {  	_ =	shalt  }
0x7b: {  	_ =	shalt  }
0x7c: {  	_ =	shalt  }
0x7d: {  	_ =	shalt  }
0x7e: {  	_ =	shalt  }
0x7f: {  	_ =	shalt  }
0x80: {  	_ =	shalt  }
0x81: {  	_ =	shalt  }
0x82: {  	_ =	shalt  }
0x83: {  	_ =	shalt  }
0x84: {  	_ =	shalt  }
0x85: {  	_ =	shalt  }
0x86: {  	_ =	shalt  }
0x87: {  	_ =	shalt  }
.Lfunc_end0:
.L_simem_size_0:
called_computation.2_lowered:
.L_overlay_start_0:
0x88: {  	s2 =	sld [smem:$0x3FD9]  }
0x89: {  	s3 =	sld [smem:$0x3FFE];
	_ =	sdelay $0x1  }
0x8a: {  	s1 =	srdreg.scid  }
0x8b: {  	s0 =	sand.u32 $0x1, s1  }
0x8c: {  	s16 =	sshll.u32 s0, $0xA;
	s2 =	sadd.s32 s3, s2  }
0x8d: {  	s2 =	sadd.s32 s2, s16  }
0x8e: {  	[smem:$0x3FC2] =	sst s2  }
0x8f: {  	_ = 	snop  }
0x90: {  	(tm) =	ssettm $0x1  }
0x91: {  	s17 =	sld [smem:$0x3FFB];
	_ =	sdelay $0x3  }
0x92: {  	_ =	strace s17  }
0x93: {  	s2 =	sld [smem:$0x3FFC];
	_ =	sdelay $0x3  }
0x94: {  	_ =	strace s2  }
0x95: {  	s2 =	sld [smem:$0x3FFD];
	_ =	sdelay $0x3  }
0x96: {  	_ =	strace s2  }
0x97: {  	_ =	strace $0x8FFFFFFF  }
0x98: {  	s18 =	sld [smem:$0x3FDB];
	_ =	sdelay $0x1  }
0x99: {  	s19 =	simm.s32 $_scs_section_size  }
0x9a: {  	s4 =	simm.s32 $_size__tile_overlayer_lowered;
	s5 =	simm.s32 $_tile_overlayer_lowered  }
0x9b: {  	s22 =	simm.s32 $0x1BFF;
	s21 =	sshll.u32 s5, $0x1;
	s2 =	sadd.s32 s19, s18  }
0x9c: {  	s6 =	simm.s32 $0x0;
	s20 =	sshll.u32 s4, $0x1;
	s4 =	sadd.s32 s21, s2  }
0x9d: {  	[timem:s6], [sflag:s22] =	dma.local [hbm:s4], s20  }
0x9e: {  	_ =	swait.ge [sflag:s22], s20  }
0x9f: {  	s3 =	ssub.s32 $0x0, s20;
	[sflag:s22] =	ssyncset.done $0x0  }
0xa0: {  	[sflag:s22] =	ssyncadd.s32 s3;
	_ =	sdelay $0x1  }
0xa1: {  	s23 =	simm.s32 $0x1B8B  }
0xa2: {  	_ =	swait.ge [sflag:s23], $0x1  }
0xa3: {  	[sflag:s23] =	ssyncset.done $0x0  }
0xa4: {  	s25 =	simm.s32 $0x1B8E;
	s24 =	sld [smem:$0x3FFE];
	[sflag:s23] =	ssyncadd.s32 $0xFFFFFFFF  }
0xa5: {  	s26 =	simm.s32 $execute0_lowered;
	[smem:$0x3FD2] =	sst s25  }
0xa6: {  	s4 =	sshll.u32 s26, $0x1;
	_ =	strace $0x8000004C;
	[dreg:$0x1] =	wrdreg $0xFFFFFFFF  }
0xa7: {  	s28 =	simm.s32 $_size_execute0_lowered;
	s2 =	sadd.s32 s2, s4;
	[dreg:$0x0] =	wrdreg $0x0  }
0xa8: {  	s4 =	sshll.u32 s28, $0x1;
	[dreg:$0x2] =	wrdreg s2  }
0xa9: {  	[dreg:$0x3] =	wrdreg s4  }
0xaa: {  	[dreg:$0x4] =	wrdreg $0xC0  }
0xab: {  	_ =	task [dreg:s6], $0x5FFFF  }
0xac: {  	[dreg:$0x1] =	wrdreg $0xFFFFFFFF  }
0xad: {  	[dreg:$0x0] =	wrdreg $0x60  }
0xae: {  	[dreg:$0x2] =	wrdreg s24  }
0xaf: {  	[dreg:$0x3] =	wrdreg $0xA7100  }
0xb0: {  	[dreg:$0x4] =	wrdreg $0x7F100  }
0xb1: {  	[dreg:$0x5] =	wrdreg $0x9  }
0xb2: {  	_ =	task.clear_ibuf [dreg:s6], $0x6FFFF;
	_ =	strace $0x9000004C  }
0xb3: {  	s29 =	simm.s32 $0x9;
	_ =	strace $0x8000004E  }
0xb4: {  	_ =	swait.ge [sflag:s29], $0x1  }
0xb5: {  	[sflag:s29] =	ssyncadd.s32 $0xFFFFFFFF  }
0xb6: {  	_ =	strace $0x9000004E  }
0xb7: {  	_ =	sfence  }
0xb8: {  	s30 =	sld [smem:$0x0];
	_ =	sdelay $0x2  }
0xb9: {  	s31 =	sshll.u32 s1, $0xD;
	s1 =	sshrl.u32 s1, $0x2  }
0xba: {  	s3 =	sand.u32 $0x4000, s31;
	s1 =	sadd.s32 s1, s30  }
0xbb: {  	s0 =	sor.u32 s3, s0;
	s1 =	sshll.u32 s1, $0x11  }
0xbc: {  	s0 =	sor.u32 s1, s0  }
0xbd: {  	s0 =	sadd.s32 $0x8F2B, s0  }
0xbe: {  	[sflag:s0] =	ssyncadd.remote.s32 $0x1  }
0xbf: {  	_ =	sfence.sel $0xFFFF  }
0xc0: {  	[dreg:$0x0] =	wrdreg $0xFFFFFFFF;
	(pc) =	sbr.abs _section_cstart, $3  }
0xc1: {  	[dreg:$0x1] =	wrdreg $0xFFFFFFFF  }
0xc2: {  	_ =	task.clear_ibuf [dreg:s6], $0x2FFFF;
	_ =	strace $0x9FFFFFFF  }
0xc3: {  	(tm) =	ssettm $0x7FFFFFFF  }
tec
execute0_lowered:
.L_overlay_start_1:
0x0: {  	(tag) =	ssettag $0x1  }
0x1: {  	s0 =	rddreg [dreg:$0x0]  }
0x2: {  	s1 =	rddreg [dreg:$0x1]  }
0x3: {  	s2 =	rddreg [dreg:$0x2]  }
0x4: {  	s3 =	srdreg.scid;
	s4 =	simm.s32 $0x0;
	s10 =	stileid.u32  }
0x5: {  	s12 =	simm.s32 $0x8600;
	s3 =	sand.u32 $0x1, s3;
	[smem:$0x7FF] =	sst s4  }
0x6: {  	s9 =	smul.u32 $0xA000, s10;
	s5 =	sshll.u32 s3, $0x4;
	_ =	strace $0x8000004D  }
0x7: {  	s7 =	ssub.s32 $0x2, s3;
	p0 =	seq.s32 s3, $0x1;
	s5 =	sor.u32 s10, s5  }
0x8: {  	s8 =	sshrl.u32 s7, $0x1;
	s10 =	smul.u32 $0x2800, s10;
	s20 =	sshrl.u32 s9, $0x2  }
0x9: {  	s12 =	simm.s32 @!p0 $0xD600;
	s6 =	smul.u32 $0x500, s5;
	s5 =	sadd.s32 $0x3600, s0  }
0xa: {  	s7 =	ssub.s32 s7, s8;
	s8 =	sadd.s32 s20, s2;
	s21 =	sshrl.u32 s10, $0x3  }
0xb: {  	s22 =	smax.u32 s7, $0x1;
	s24 =	sadd.s32 s10, s1;
	s9 =	sadd.s32 $0x1000, s10  }
0xc: {  	s16 =	sadd.s32 $0x1800, s10;
	s15 =	sadd.s32 $0x2000, s10;
	s31 =	sadd.s32 $0x800, s8  }
0xd: {  	s7 =	simm.s32 $0x6;
	s6 =	sadd.s32 s6, s0;
	[dreg:$0x6] =	wrdreg s22  }
0xe: {  	s23 =	sadd.s32 s5, s21;
	[dreg:$0x8] =	wrdreg s24;
	s26 =	sshrl.u32 s9, $0x3  }
0xf: {  	s14 =	sshrl.u32 s16, $0x3;
	s19 =	sadd.s32 $0x2B000, s6;
	[dreg:$0x7] =	wrdreg s23  }
0x10: {  	s0 =	sadd.s32 s12, s0;
	s6 =	sadd.s32 $0x21000, s6;
	[dreg:$0x4] =	wrdreg s19  }
0x11: {  	s18 =	sshrl.u32 s15, $0x3;
	s13 =	sadd.s32 s5, s26;
	[dreg:$0x5] =	wrdreg s6  }
0x12: {  	s28 =	sadd.s32 s16, s2;
	s17 =	sadd.s32 s5, s14;
	[dreg:$0xa] =	wrdreg s13  }
0x13: {  	s29 =	sadd.s32 s15, s1;
	s3 =	sadd.s32 s0, s21;
	[dreg:$0xb] =	wrdreg s17  }
0x14: {  	s30 =	sadd.s32 s15, s2;
	s20 =	sadd.s32 s0, s26;
	[dreg:$0xc] =	wrdreg s3  }
0x15: {  	s12 =	simm.s32 $0x57D0;
	s21 =	sadd.s32 s0, s14;
	[dreg:$0xe] =	wrdreg s20  }
0x16: {  	s15 =	simm.s32 $0x6F40;
	s22 =	sadd.s32 s5, s18;
	[dreg:$0xf] =	wrdreg s21  }
0x17: {  	s23 =	sadd.s32 s10, s2;
	s26 =	sadd.s32 s9, s1;
	[dreg:$0x11] =	wrdreg s22  }
0x18: {  	s14 =	simm.s32 $0x6770;
	s6 =	sadd.s32 $0x800, s10;
	[dreg:$0x12] =	wrdreg s23  }
0x19: {  	[dreg:$0x15] =	wrdreg s26;
	s26 =	sadd.s32 s16, s1;
	s3 =	sadd.s32 $0x1800, s8  }
0x1a: {  	s10 =	simm.s32 $0x7D;
	s13 =	simm.s32 $0x5FA0;
	s16 =	simm.s32 $0x1  }
0x1b: {  	s17 =	simm.s32 $0x2;
	s25 =	sshrl.u32 s6, $0x3;
	s24 =	sadd.s32 s6, s1  }
0x1c: {  	s20 =	simm.s32 $0x5;
	s11 =	sadd.s32 s5, s25;
	[dreg:$0x13] =	wrdreg s24  }
0x1d: {  	s21 =	simm.s32 $0x0;
	s19 =	sadd.s32 s0, s25;
	[dreg:$0x9] =	wrdreg s11  }
0x1e: {  	s0 =	sadd.s32 s0, s18;
	s25 =	sadd.s32 s6, s2;
	[dreg:$0xd] =	wrdreg s19  }
0x1f: {  	s6 =	sadd.s32 $0x2000, s8;
	s18 =	simm.s32 $0x3;
	[dreg:$0x10] =	wrdreg s0  }
0x20: {  	[dreg:$0x14] =	wrdreg s25;
	s25 =	sadd.s32 s9, s2;
	s0 =	sadd.s32 $0x1000, s8  }
0x21: {  	v0 =	vimm.f32 $0.0e+00;
	s9 =	simm.s32 $0x7710;
	s11 =	simm.s32 $0x5000;
	s19 =	simm.s32 $0x4  }
.LBB2_1:
0x22: {  	s22 =	rddreg [dreg:$0x4]  }
0x23: {  	[tilespmem:s4], [sflag:$0x6] =	stream.linear.gather [hbm4b:s22+s4], $0x2800, $0x38;
	[tilespmem:$0xCF10] =	vst v63  }
0x24: {  	_ =	swait.ge [sflag:s7], $0x2800  }
0x25: {  	[sflag:s7] =	ssyncset.done $0x0  }
0x26: {  	s23 =	simm.s32 $0x2800;
	s24 =	rddreg [dreg:$0x5];
	[sflag:s7] =	ssyncadd.s32 $0xFFFFD800  }
0x27: {  	[tilespmem:s23], [sflag:$0x6] =	stream.linear.gather [hbm4b:s24+s4], $0x2800, $0x38;
	[tilespmem:$0xCF10] =	vst v63  }
0x28: {  	_ =	swait.ge [sflag:s7], $0x2800  }
0x29: {  	[sflag:s7] =	ssyncset.done $0x0  }
0x2a: {  	s23 =	rddreg [dreg:$0x7];
	[sflag:s7] =	ssyncadd.s32 $0xFFFFD800  }
0x2b: {  	[tilespmem:s9], [sflag:$0x6] =	stream.linear.gather [hbm4b:s23+s4], $0x800, $0x38;
	[tilespmem:$0xCF10] =	vst v63  }
0x2c: {  	_ =	swait.ge [sflag:s7], $0x800  }
0x2d: {  	[sflag:s7] =	ssyncset.done $0x0  }
0x2e: {  	s24 =	rddreg [dreg:$0x8];
	[sflag:s7] =	ssyncadd.s32 $0xFFFFF800  }
0x2f: {  	[spmem:s24] =	stream.linear.scatter [tilespmem:s9], [sflag:$0x6], $0x800, $0x38;
	[tilespmem:$0xCF10] =	vst v63  }
0x30: {  	_ =	swait.ge [sflag:s7], $0x800  }
0x31: {  	[sflag:s7] =	ssyncset.done $0x0  }
0x32: {  	s23 =	rddreg [dreg:$0x9];
	[sflag:s7] =	ssyncadd.s32 $0xFFFFF800  }
0x33: {  	[tilespmem:s9], [sflag:$0x6] =	stream.linear.gather [hbm4b:s23+s4], $0x800, $0x38;
	[tilespmem:$0xCF10] =	vst v63  }
0x34: {  	_ =	swait.ge [sflag:s7], $0x800  }
0x35: {  	[sflag:s7] =	ssyncset.done $0x0  }
0x36: {  	s24 =	rddreg [dreg:$0x13];
	[sflag:s7] =	ssyncadd.s32 $0xFFFFF800  }
0x37: {  	[spmem:s24] =	stream.linear.scatter [tilespmem:s9], [sflag:$0x6], $0x800, $0x38;
	[tilespmem:$0xCF10] =	vst v63  }
0x38: {  	_ =	swait.ge [sflag:s7], $0x800  }
0x39: {  	[sflag:s7] =	ssyncset.done $0x0  }
0x3a: {  	s23 =	rddreg [dreg:$0xa];
	[sflag:s7] =	ssyncadd.s32 $0xFFFFF800  }
0x3b: {  	[tilespmem:s9], [sflag:$0x6] =	stream.linear.gather [hbm4b:s23+s4], $0x800, $0x38;
	[tilespmem:$0xCF10] =	vst v63  }
0x3c: {  	_ =	swait.ge [sflag:s7], $0x800  }
0x3d: {  	[sflag:s7] =	ssyncset.done $0x0  }
0x3e: {  	s24 =	rddreg [dreg:$0x15];
	[sflag:s7] =	ssyncadd.s32 $0xFFFFF800  }
0x3f: {  	[spmem:s24] =	stream.linear.scatter [tilespmem:s9], [sflag:$0x6], $0x800, $0x38;
	[tilespmem:$0xCF10] =	vst v63  }
0x40: {  	_ =	swait.ge [sflag:s7], $0x800  }
0x41: {  	[sflag:s7] =	ssyncset.done $0x0  }
0x42: {  	s23 =	rddreg [dreg:$0xb];
	[sflag:s7] =	ssyncadd.s32 $0xFFFFF800  }
0x43: {  	[tilespmem:s9], [sflag:$0x6] =	stream.linear.gather [hbm4b:s23+s4], $0x800, $0x38;
	[tilespmem:$0xCF10] =	vst v63  }
0x44: {  	_ =	swait.ge [sflag:s7], $0x800  }
0x45: {  	[sflag:s7] =	ssyncset.done $0x0  }
0x46: {  	[sflag:s7] =	ssyncadd.s32 $0xFFFFF800  }
0x47: {  	[spmem:s26] =	stream.linear.scatter [tilespmem:s9], [sflag:$0x6], $0x800, $0x38;
	[tilespmem:$0xCF10] =	vst v63  }
0x48: {  	_ =	swait.ge [sflag:s7], $0x800  }
0x49: {  	[sflag:s7] =	ssyncset.done $0x0  }
0x4a: {  	s24 =	rddreg [dreg:$0x11];
	[sflag:s7] =	ssyncadd.s32 $0xFFFFF800  }
0x4b: {  	[tilespmem:s9], [sflag:$0x6] =	stream.linear.gather [hbm4b:s24+s4], $0x800, $0x38;
	[tilespmem:$0xCF10] =	vst v63  }
0x4c: {  	_ =	swait.ge [sflag:s7], $0x800  }
0x4d: {  	[sflag:s7] =	ssyncset.done $0x0  }
0x4e: {  	[sflag:s7] =	ssyncadd.s32 $0xFFFFF800  }
0x4f: {  	[spmem:s29] =	stream.linear.scatter [tilespmem:s9], [sflag:$0x6], $0x800, $0x38;
	[tilespmem:$0xCF10] =	vst v63  }
0x50: {  	_ =	swait.ge [sflag:s7], $0x800  }
0x51: {  	[sflag:s7] =	ssyncset.done $0x0  }
0x52: {  	s22 =	simm.s32 $0x40;
	s23 =	simm.s32 $0x0;
	[sflag:s7] =	ssyncadd.s32 $0xFFFFF800  }
.LBB2_2:
0x53: {  	p0 =	sne.s32 s22, $0x1FC0;
	[tilespmem:s23+$0x7710] =	vst v0;
	s23 =	smov.u32 s22;
	s22 =	sadd.s32 $0x40, s22  }
.Ltmp0:
0x54: {  	(pc) =	sbr.rel @p0 .LBB2_2-.Ltmp0, $2  }
0x55: {  	_ =	sdelay $0x2  }
0x56: {  	s23 =	sshra.s32 s23, $0x2  }
0x57: {  	[tilespmem:s23+$0x7710] =	vst v0  }
0x58: {  	[spmem:s8] =	stream.linear.scatter [tilespmem:s9], [sflag:$0x6], $0x800, $0x38;
	[tilespmem:$0xCF10] =	vst v63  }
0x59: {  	_ =	swait.ge [sflag:s7], $0x800  }
0x5a: {  	[sflag:s7] =	ssyncset.done $0x0  }
0x5b: {  	[sflag:s7] =	ssyncadd.s32 $0xFFFFF800  }
0x5c: {  	[spmem:s31] =	stream.linear.scatter [tilespmem:s9], [sflag:$0x6], $0x800, $0x38;
	[tilespmem:$0xCF10] =	vst v63  }
0x5d: {  	_ =	swait.ge [sflag:s7], $0x800  }
0x5e: {  	[sflag:s7] =	ssyncset.done $0x0  }
0x5f: {  	[sflag:s7] =	ssyncadd.s32 $0xFFFFF800  }
0x60: {  	[spmem:s0] =	stream.linear.scatter [tilespmem:s9], [sflag:$0x6], $0x800, $0x38;
	[tilespmem:$0xCF10] =	vst v63  }
0x61: {  	_ =	swait.ge [sflag:s7], $0x800  }
0x62: {  	[sflag:s7] =	ssyncset.done $0x0  }
0x63: {  	[sflag:s7] =	ssyncadd.s32 $0xFFFFF800  }
0x64: {  	[spmem:s3] =	stream.linear.scatter [tilespmem:s9], [sflag:$0x6], $0x800, $0x38;
	[tilespmem:$0xCF10] =	vst v63  }
0x65: {  	_ =	swait.ge [sflag:s7], $0x800  }
0x66: {  	[sflag:s7] =	ssyncset.done $0x0  }
0x67: {  	[sflag:s7] =	ssyncadd.s32 $0xFFFFF800  }
0x68: {  	[spmem:s6] =	stream.linear.scatter [tilespmem:s9], [sflag:$0x6], $0x800, $0x38;
	[tilespmem:$0xCF10] =	vst v63  }
0x69: {  	_ =	swait.ge [sflag:s7], $0x800  }
0x6a: {  	[sflag:s7] =	ssyncset.done $0x0  }
0x6b: {  	[sflag:s7] =	ssyncadd.s32 $0xFFFFF800  }
0x6c: {  	s22 =	simm.s32 $0x0;
	[bflag:$0x0] =	sbarrier.arrive $0xFFFF  }
0x6d: {  	[tilespmem:s11], [sflag:$0x1] =	stream.indirect.gather [spmem:s1], $0x10, s22, s10, $0xb8;
	[tilespmem:$0xCF10] =	vst v63  }
0x6e: {  	s24 =	simm.s32 $0x80  }
0x6f: {  	[tilespmem:s12], [sflag:$0x2] =	stream.indirect.gather [spmem:s1], $0x10, s24, s10, $0xb8;
	[tilespmem:$0xCF10] =	vst v63  }
0x70: {  	s23 =	simm.s32 $0x100  }
0x71: {  	[tilespmem:s13], [sflag:$0x3] =	stream.indirect.gather [spmem:s1], $0x10, s23, s10, $0xb8;
	[tilespmem:$0xCF10] =	vst v63  }
0x72: {  	s24 =	simm.s32 $0x180  }
0x73: {  	[tilespmem:s14], [sflag:$0x4] =	stream.indirect.gather [spmem:s1], $0x10, s24, s10, $0xb8;
	[tilespmem:$0xCF10] =	vst v63  }
0x74: {  	s23 =	simm.s32 $0x200  }
0x75: {  	[tilespmem:s15], [sflag:$0x5] =	stream.indirect.gather [hbm4b:s5+s10], $0x10, s23, s10, $0xb8;
	[tilespmem:$0xCF10] =	vst v63  }
0x76: {  	_ =	swait.ge [sflag:s16], $0x7D0  }
0x77: {  	[sflag:s16] =	ssyncset.done $0x0  }
0x78: {  	s24 =	simm.s32 $0x2800;
	[sflag:s16] =	ssyncadd.s32 $0xFFFFF830  }
0x79: {  	[spmem:s2] =	stream.indirect.scatter.add.f32 [tilespmem:s11], [sflag:$0x6], $0x10, s24, s10, $0xb8;
	[tilespmem:$0xCF10] =	vst v63  }
0x7a: {  	_ =	swait.ge [sflag:s7], $0x7D0  }
0x7b: {  	[sflag:s7] =	ssyncset.done $0x0  }
0x7c: {  	s23 =	simm.s32 $0x280;
	[sflag:s7] =	ssyncadd.s32 $0xFFFFF830  }
0x7d: {  	[tilespmem:s11], [sflag:$0x1] =	stream.indirect.gather [spmem:s1], $0x10, s23, s10, $0xb8;
	[tilespmem:$0xCF10] =	vst v63  }
0x7e: {  	_ =	swait.ge [sflag:s17], $0x7D0  }
0x7f: {  	[sflag:s17] =	ssyncset.done $0x0  }
0x80: {  	s24 =	simm.s32 $0x2880;
	[sflag:s17] =	ssyncadd.s32 $0xFFFFF830  }
0x81: {  	[spmem:s2] =	stream.indirect.scatter.add.f32 [tilespmem:s12], [sflag:$0x6], $0x10, s24, s10, $0xb8;
	[tilespmem:$0xCF10] =	vst v63  }
0x82: {  	_ =	swait.ge [sflag:s7], $0x7D0  }
0x83: {  	[sflag:s7] =	ssyncset.done $0x0  }
0x84: {  	s23 =	simm.s32 $0x300;
	[sflag:s7] =	ssyncadd.s32 $0xFFFFF830  }
0x85: {  	[tilespmem:s12], [sflag:$0x2] =	stream.indirect.gather [spmem:s1], $0x10, s23, s10, $0xb8;
	[tilespmem:$0xCF10] =	vst v63  }
0x86: {  	_ =	swait.ge [sflag:s18], $0x7D0  }
0x87: {  	[sflag:s18] =	ssyncset.done $0x0  }
0x88: {  	s24 =	simm.s32 $0x2900;
	[sflag:s18] =	ssyncadd.s32 $0xFFFFF830  }
0x89: {  	[spmem:s2] =	stream.indirect.scatter.add.f32 [tilespmem:s13], [sflag:$0x6], $0x10, s24, s10, $0xb8;
	[tilespmem:$0xCF10] =	vst v63  }
0x8a: {  	_ =	swait.ge [sflag:s7], $0x7D0  }
0x8b: {  	[sflag:s7] =	ssyncset.done $0x0  }
0x8c: {  	s23 =	simm.s32 $0x380;
	[sflag:s7] =	ssyncadd.s32 $0xFFFFF830  }
0x8d: {  	[tilespmem:s13], [sflag:$0x3] =	stream.indirect.gather [spmem:s1], $0x10, s23, s10, $0xb8;
	[tilespmem:$0xCF10] =	vst v63  }
0x8e: {  	_ =	swait.ge [sflag:s19], $0x7D0  }
0x8f: {  	[sflag:s19] =	ssyncset.done $0x0  }
0x90: {  	s24 =	simm.s32 $0x2980;
	[sflag:s19] =	ssyncadd.s32 $0xFFFFF830  }
0x91: {  	[spmem:s2] =	stream.indirect.scatter.add.f32 [tilespmem:s14], [sflag:$0x6], $0x10, s24, s10, $0xb8;
	[tilespmem:$0xCF10] =	vst v63  }
0x92: {  	_ =	swait.ge [sflag:s7], $0x7D0  }
0x93: {  	[sflag:s7] =	ssyncset.done $0x0  }
0x94: {  	s23 =	simm.s32 $0x400;
	[sflag:s7] =	ssyncadd.s32 $0xFFFFF830  }
0x95: {  	[tilespmem:s14], [sflag:$0x4] =	stream.indirect.gather [spmem:s1], $0x10, s23, s10, $0xb8;
	[tilespmem:$0xCF10] =	vst v63  }
0x96: {  	_ =	swait.ge [sflag:s20], $0x7D0  }
0x97: {  	[sflag:s20] =	ssyncset.done $0x0  }
0x98: {  	s24 =	simm.s32 $0x2A00;
	[sflag:s20] =	ssyncadd.s32 $0xFFFFF830  }
0x99: {  	[spmem:s2] =	stream.indirect.scatter.add.f32 [tilespmem:s15], [sflag:$0x6], $0x10, s24, s10, $0xb8;
	[tilespmem:$0xCF10] =	vst v63  }
0x9a: {  	_ =	swait.ge [sflag:s7], $0x7D0  }
0x9b: {  	[sflag:s7] =	ssyncset.done $0x0  }
0x9c: {  	s22 =	simm.s32 $0xA00;
	s23 =	simm.s32 $0x480;
	[sflag:s7] =	ssyncadd.s32 $0xFFFFF830  }
.LBB2_4:
0x9d: {  	[tilespmem:s15], [sflag:$0x5] =	stream.indirect.gather [hbm4b:s5+s10], $0x10, s23, s10, $0xb8;
	[tilespmem:$0xCF10] =	vst v63  }
0x9e: {  	s23 =	smov.u32 s22  }
0x9f: {  	p0 =	sne.s32 s22, $0x8C00;
	s22 =	sadd.s32 $0xA00, s22;
	_ =	swait.ge [sflag:s16], $0x7D0  }
0xa0: {  	s23 =	sshra.s32 s23, $0x2;
	[sflag:s16] =	ssyncset.done $0x0  }
0xa1: {  	s24 =	sadd.s32 $0x2800, s23;
	[sflag:s16] =	ssyncadd.s32 $0xFFFFF830  }
0xa2: {  	[spmem:s2] =	stream.indirect.scatter.add.f32 [tilespmem:s11], [sflag:$0x6], $0x10, s24, s10, $0xb8;
	[tilespmem:$0xCF10] =	vst v63  }
0xa3: {  	_ =	swait.ge [sflag:s7], $0x7D0  }
0xa4: {  	[sflag:s7] =	ssyncset.done $0x0  }
0xa5: {  	s24 =	sadd.s32 $0x280, s23;
	[sflag:s7] =	ssyncadd.s32 $0xFFFFF830  }
0xa6: {  	[tilespmem:s11], [sflag:$0x1] =	stream.indirect.gather [spmem:s1], $0x10, s24, s10, $0xb8;
	[tilespmem:$0xCF10] =	vst v63  }
0xa7: {  	_ =	swait.ge [sflag:s17], $0x7D0  }
0xa8: {  	[sflag:s17] =	ssyncset.done $0x0  }
0xa9: {  	s24 =	sadd.s32 $0x2880, s23;
	[sflag:s17] =	ssyncadd.s32 $0xFFFFF830  }
0xaa: {  	[spmem:s2] =	stream.indirect.scatter.add.f32 [tilespmem:s12], [sflag:$0x6], $0x10, s24, s10, $0xb8;
	[tilespmem:$0xCF10] =	vst v63  }
0xab: {  	_ =	swait.ge [sflag:s7], $0x7D0  }
0xac: {  	[sflag:s7] =	ssyncset.done $0x0  }
0xad: {  	s24 =	sadd.s32 $0x300, s23;
	[sflag:s7] =	ssyncadd.s32 $0xFFFFF830  }
0xae: {  	[tilespmem:s12], [sflag:$0x2] =	stream.indirect.gather [spmem:s1], $0x10, s24, s10, $0xb8;
	[tilespmem:$0xCF10] =	vst v63  }
0xaf: {  	_ =	swait.ge [sflag:s18], $0x7D0  }
0xb0: {  	[sflag:s18] =	ssyncset.done $0x0  }
0xb1: {  	s24 =	sadd.s32 $0x2900, s23;
	[sflag:s18] =	ssyncadd.s32 $0xFFFFF830  }
0xb2: {  	[spmem:s2] =	stream.indirect.scatter.add.f32 [tilespmem:s13], [sflag:$0x6], $0x10, s24, s10, $0xb8;
	[tilespmem:$0xCF10] =	vst v63  }
0xb3: {  	_ =	swait.ge [sflag:s7], $0x7D0  }
0xb4: {  	[sflag:s7] =	ssyncset.done $0x0  }
0xb5: {  	s24 =	sadd.s32 $0x380, s23;
	[sflag:s7] =	ssyncadd.s32 $0xFFFFF830  }
0xb6: {  	[tilespmem:s13], [sflag:$0x3] =	stream.indirect.gather [spmem:s1], $0x10, s24, s10, $0xb8;
	[tilespmem:$0xCF10] =	vst v63  }
0xb7: {  	_ =	swait.ge [sflag:s19], $0x7D0  }
0xb8: {  	[sflag:s19] =	ssyncset.done $0x0  }
0xb9: {  	s24 =	sadd.s32 $0x2980, s23;
	[sflag:s19] =	ssyncadd.s32 $0xFFFFF830  }
0xba: {  	[spmem:s2] =	stream.indirect.scatter.add.f32 [tilespmem:s14], [sflag:$0x6], $0x10, s24, s10, $0xb8;
	[tilespmem:$0xCF10] =	vst v63  }
0xbb: {  	_ =	swait.ge [sflag:s7], $0x7D0  }
0xbc: {  	[sflag:s7] =	ssyncset.done $0x0  }
0xbd: {  	s24 =	sadd.s32 $0x400, s23;
	[sflag:s7] =	ssyncadd.s32 $0xFFFFF830  }
0xbe: {  	[tilespmem:s14], [sflag:$0x4] =	stream.indirect.gather [spmem:s1], $0x10, s24, s10, $0xb8;
	[tilespmem:$0xCF10] =	vst v63  }
0xbf: {  	_ =	swait.ge [sflag:s20], $0x7D0  }
0xc0: {  	[sflag:s20] =	ssyncset.done $0x0  }
.Ltmp1:
0xc1: {  	s24 =	sadd.s32 $0x2A00, s23;
	[sflag:s20] =	ssyncadd.s32 $0xFFFFF830;
	(pc) =	sbr.rel @p0 .LBB2_4-.Ltmp1, $4  }
0xc2: {  	[spmem:s2] =	stream.indirect.scatter.add.f32 [tilespmem:s15], [sflag:$0x6], $0x10, s24, s10, $0xb8;
	[tilespmem:$0xCF10] =	vst v63  }
0xc3: {  	_ =	swait.ge [sflag:s7], $0x7D0  }
0xc4: {  	[sflag:s7] =	ssyncset.done $0x0  }
0xc5: {  	s23 =	sadd.s32 $0x480, s23;
	[sflag:s7] =	ssyncadd.s32 $0xFFFFF830  }
0xc6: {  	[tilespmem:s15], [sflag:$0x5] =	stream.indirect.gather [hbm4b:s5+s10], $0x10, s23, s10, $0xb8;
	[tilespmem:$0xCF10] =	vst v63  }
0xc7: {  	_ =	swait.ge [sflag:s16], $0x7D0  }
0xc8: {  	[sflag:s16] =	ssyncset.done $0x0  }
0xc9: {  	s22 =	simm.s32 $0x4D80;
	[sflag:s16] =	ssyncadd.s32 $0xFFFFF830  }
0xca: {  	[spmem:s2] =	stream.indirect.scatter.add.f32 [tilespmem:s11], [sflag:$0x6], $0x10, s22, s10, $0xb8;
	[tilespmem:$0xCF10] =	vst v63  }
0xcb: {  	_ =	swait.ge [sflag:s7], $0x7D0  }
0xcc: {  	[sflag:s7] =	ssyncset.done $0x0  }
0xcd: {  	[sflag:s7] =	ssyncadd.s32 $0xFFFFF830  }
0xce: {  	_ =	swait.ge [sflag:s17], $0x7D0  }
0xcf: {  	[sflag:s17] =	ssyncset.done $0x0  }
0xd0: {  	s23 =	simm.s32 $0x4E00;
	[sflag:s17] =	ssyncadd.s32 $0xFFFFF830  }
0xd1: {  	[spmem:s2] =	stream.indirect.scatter.add.f32 [tilespmem:s12], [sflag:$0x6], $0x10, s23, s10, $0xb8;
	[tilespmem:$0xCF10] =	vst v63  }
0xd2: {  	_ =	swait.ge [sflag:s7], $0x7D0  }
0xd3: {  	[sflag:s7] =	ssyncset.done $0x0  }
0xd4: {  	[sflag:s7] =	ssyncadd.s32 $0xFFFFF830  }
0xd5: {  	_ =	swait.ge [sflag:s18], $0x7D0  }
0xd6: {  	[sflag:s18] =	ssyncset.done $0x0  }
0xd7: {  	s24 =	simm.s32 $0x4E80;
	[sflag:s18] =	ssyncadd.s32 $0xFFFFF830  }
0xd8: {  	[spmem:s2] =	stream.indirect.scatter.add.f32 [tilespmem:s13], [sflag:$0x6], $0x10, s24, s10, $0xb8;
	[tilespmem:$0xCF10] =	vst v63  }
0xd9: {  	_ =	swait.ge [sflag:s7], $0x7D0  }
0xda: {  	[sflag:s7] =	ssyncset.done $0x0  }
0xdb: {  	[sflag:s7] =	ssyncadd.s32 $0xFFFFF830  }
0xdc: {  	_ =	swait.ge [sflag:s19], $0x7D0  }
0xdd: {  	[sflag:s19] =	ssyncset.done $0x0  }
0xde: {  	s23 =	simm.s32 $0x4F00;
	[sflag:s19] =	ssyncadd.s32 $0xFFFFF830  }
0xdf: {  	[spmem:s2] =	stream.indirect.scatter.add.f32 [tilespmem:s14], [sflag:$0x6], $0x10, s23, s10, $0xb8;
	[tilespmem:$0xCF10] =	vst v63  }
0xe0: {  	_ =	swait.ge [sflag:s7], $0x7D0  }
0xe1: {  	[sflag:s7] =	ssyncset.done $0x0  }
0xe2: {  	[sflag:s7] =	ssyncadd.s32 $0xFFFFF830  }
0xe3: {  	_ =	swait.ge [sflag:s20], $0x7D0  }
0xe4: {  	[sflag:s20] =	ssyncset.done $0x0  }
0xe5: {  	s24 =	simm.s32 $0x4F80;
	[sflag:s20] =	ssyncadd.s32 $0xFFFFF830  }
0xe6: {  	[spmem:s2] =	stream.indirect.scatter.add.f32 [tilespmem:s15], [sflag:$0x6], $0x10, s24, s10, $0xb8;
	[tilespmem:$0xCF10] =	vst v63  }
0xe7: {  	_ =	swait.ge [sflag:s7], $0x7D0  }
0xe8: {  	[sflag:s7] =	ssyncset.done $0x0  }
0xe9: {  	[sflag:s7] =	ssyncadd.s32 $0xFFFFF830  }
0xea: {  	[bflag:$0x0] =	sbarrier.arrive $0xFFFF  }
0xeb: {  	s23 =	rddreg [dreg:$0x12]  }
0xec: {  	[tilespmem:s9], [sflag:$0x6] =	stream.linear.gather [spmem:s23], $0x800, $0x38;
	[tilespmem:$0xCF10] =	vst v63  }
0xed: {  	_ =	swait.ge [sflag:s7], $0x800  }
0xee: {  	[sflag:s7] =	ssyncset.done $0x0  }
0xef: {  	s24 =	rddreg [dreg:$0xc];
	[sflag:s7] =	ssyncadd.s32 $0xFFFFF800  }
0xf0: {  	[hbm4b:s24+s4] =	stream.linear.scatter [tilespmem:s9], [sflag:$0x6], $0x800, $0x38;
	[tilespmem:$0xCF10] =	vst v63  }
0xf1: {  	_ =	swait.ge [sflag:s7], $0x800  }
0xf2: {  	[sflag:s7] =	ssyncset.done $0x0  }
0xf3: {  	s23 =	rddreg [dreg:$0x14];
	[sflag:s7] =	ssyncadd.s32 $0xFFFFF800  }
0xf4: {  	[tilespmem:s9], [sflag:$0x6] =	stream.linear.gather [spmem:s23], $0x800, $0x38;
	[tilespmem:$0xCF10] =	vst v63  }
0xf5: {  	_ =	swait.ge [sflag:s7], $0x800  }
0xf6: {  	[sflag:s7] =	ssyncset.done $0x0  }
0xf7: {  	s24 =	rddreg [dreg:$0xd];
	[sflag:s7] =	ssyncadd.s32 $0xFFFFF800  }
0xf8: {  	[hbm4b:s24+s4] =	stream.linear.scatter [tilespmem:s9], [sflag:$0x6], $0x800, $0x38;
	[tilespmem:$0xCF10] =	vst v63  }
0xf9: {  	_ =	swait.ge [sflag:s7], $0x800  }
0xfa: {  	[sflag:s7] =	ssyncset.done $0x0  }
0xfb: {  	[sflag:s7] =	ssyncadd.s32 $0xFFFFF800  }
0xfc: {  	[tilespmem:s9], [sflag:$0x6] =	stream.linear.gather [spmem:s25], $0x800, $0x38;
	[tilespmem:$0xCF10] =	vst v63  }
0xfd: {  	_ =	swait.ge [sflag:s7], $0x800  }
0xfe: {  	[sflag:s7] =	ssyncset.done $0x0  }
0xff: {  	s23 =	rddreg [dreg:$0xe];
	[sflag:s7] =	ssyncadd.s32 $0xFFFFF800  }
0x100: {  	[hbm4b:s23+s4] =	stream.linear.scatter [tilespmem:s9], [sflag:$0x6], $0x800, $0x38;
	[tilespmem:$0xCF10] =	vst v63  }
0x101: {  	_ =	swait.ge [sflag:s7], $0x800  }
0x102: {  	[sflag:s7] =	ssyncset.done $0x0  }
0x103: {  	[sflag:s7] =	ssyncadd.s32 $0xFFFFF800  }
0x104: {  	[tilespmem:s9], [sflag:$0x6] =	stream.linear.gather [spmem:s28], $0x800, $0x38;
	[tilespmem:$0xCF10] =	vst v63  }
0x105: {  	_ =	swait.ge [sflag:s7], $0x800  }
0x106: {  	[sflag:s7] =	ssyncset.done $0x0  }
0x107: {  	s24 =	rddreg [dreg:$0xf];
	[sflag:s7] =	ssyncadd.s32 $0xFFFFF800  }
0x108: {  	[hbm4b:s24+s4] =	stream.linear.scatter [tilespmem:s9], [sflag:$0x6], $0x800, $0x38;
	[tilespmem:$0xCF10] =	vst v63  }
0x109: {  	_ =	swait.ge [sflag:s7], $0x800  }
0x10a: {  	[sflag:s7] =	ssyncset.done $0x0  }
0x10b: {  	[sflag:s7] =	ssyncadd.s32 $0xFFFFF800  }
0x10c: {  	[tilespmem:s9], [sflag:$0x6] =	stream.linear.gather [spmem:s30], $0x800, $0x38;
	[tilespmem:$0xCF10] =	vst v63  }
0x10d: {  	_ =	swait.ge [sflag:s7], $0x800  }
0x10e: {  	[sflag:s7] =	ssyncset.done $0x0  }
0x10f: {  	s23 =	rddreg [dreg:$0x10];
	[sflag:s7] =	ssyncadd.s32 $0xFFFFF800  }
0x110: {  	[hbm4b:s23+s4] =	stream.linear.scatter [tilespmem:s9], [sflag:$0x6], $0x800, $0x38;
	[tilespmem:$0xCF10] =	vst v63  }
0x111: {  	_ =	swait.ge [sflag:s7], $0x800  }
0x112: {  	s21 =	sadd.s32 $0x1, s21;
	s24 =	rddreg [dreg:$0x6]  }
0x113: {  	p0 =	sne.s32 s21, s24  }
.Ltmp2:
0x114: {  	_ = 	snop;
	(pc) =	sbr.rel @p0 .LBB2_1-.Ltmp2, $3  }
0x115: {  	_ =	sdelay $0x1  }
0x116: {  	[sflag:s7] =	ssyncset.done $0x0  }
0x117: {  	[sflag:s7] =	ssyncadd.s32 $0xFFFFF800  }
0x118: {  	_ =	sfence.sel $0x180000  }
0x119: {  	[bflag:$0x0] =	sbarrier.arrive $0xFFFF  }
0x11a: {  	_ =	strace $0x9000004D  }
0x11b: {  	s0 =	stileid.u32;
	[bflag:$0x2] =	sbarrier.arrive $0xFFFF  }
0x11c: {  	p0 =	sne.s32 s0, $0x0;
	s0 =	rddreg [dreg:$0x3]  }
0x11d: {  	s0 =	sadd.s32 @!p0 $0x100000, s0  }
0x11e: {  	[sflag:s0] =	ssyncadd.tile.s32 @!p0 $0x1;
	_ =	shalt  }
.Lfunc_end2:
_tile_overlayer_lowered:
.L_overlay_start_2:
0x11f: {  	(tag) =	ssettag $0x2  }
0x120: {  	s0 =	rddreg [dreg:$0x0];
	s2 =	stileid.u32  }
0x121: {  	s1 =	rddreg [dreg:$0x1];
	p0 =	sne.s32 s2, $0x0  }
0x122: {  	s3 =	rddreg [dreg:$0x2];
	[bflag:$0x3] =	sbarrier.arrive $0xFFFF;
	s2 =	simm.s32 @!p0 $0x1C06  }
0x123: {  	[timem:s3], [sflag:s2] =	dma.local @!p0 [hbm:s0], s1  }
0x124: {  	s0 =	simm.s32 @!p0 $0x6  }
0x125: {  	_ =	swait.ge @!p0 [sflag:s0], s1  }
0x126: {  	s1 =	ssub.s32 @!p0 $0x0, s1;
	[sflag:s0] =	ssyncset.done @!p0 $0x0  }
0x127: {  	[sflag:s0] =	ssyncadd.s32 @!p0 s1  }
0x128: {  	[bflag:$0x3] =	sbarrier.arrive $0xFFFF  }
0x129: {  	_ =	shalt  }

// kernel: sc_gcn_agg_64.3.cloned.1.call-start
scs
__scs_entry_jumppad:
0x0: {  	(pc) =	sbr.rel $0x88, $3  }
0x1: {  	(tag) =	ssettag $0x0;
	lr =	simm.s32 $0x1  }
0x2: {  	[smem:$0x3F9B] =	sst lr;
	_ =	strace $0xD0000000  }
0x3: {  	_ = 	snop  }
0x4: {  	_ = 	snop  }
0x5: {  	_ = 	snop  }
0x6: {  	_ = 	snop  }
0x7: {  	_ = 	snop  }
__scs_overlays_trampoline_lowered:
0x8: {  	[smem:$0x3FAA] =	sst s0  }
0x9: {  	[smem:$0x3FAB] =	sst s1  }
0xa: {  	[smem:$0x3FAC] =	sst s2  }
0xb: {  	[smem:$0x3FAD] =	sst s3  }
0xc: {  	[smem:$0x3FAE] =	sst s4  }
0xd: {  	[smem:$0x3FAF] =	sst s5  }
0xe: {  	[smem:$0x3FB0] =	sst s6  }
0xf: {  	[smem:$0x3FB1] =	sst s7  }
0x10: {  	[smem:$0x3FB2] =	sst s8  }
0x11: {  	[smem:$0x3FB3] =	sst s9;
	s0 =	simm.s32 @!p0 $0x0  }
0x12: {  	s1 =	sld [smem:$0x3F99];
	s0 =	simm.s32 @p0 $0x1  }
0x13: {  	[smem:$0x3FB4] =	sst s0;
	s0 =	simm.s32 @!p1 $0x0  }
0x14: {  	s2 =	sld [smem:$0x3F98];
	s0 =	simm.s32 @p1 $0x1  }
0x15: {  	[smem:$0x3FB5] =	sst s0;
	s0 =	simm.s32 @!p2 $0x0  }
0x16: {  	s3 =	sld [smem:$0x3FDB];
	s0 =	simm.s32 @p2 $0x1  }
0x17: {  	s4 =	simm.s32 $0x1BF5;
	[smem:$0x3FB7] =	sst s0  }
0x18: {  	s0 =	sld [smem:$0x3F9A];
	_ =	swait.ge [sflag:s4], $0x0  }
0x19: {  	s7 =	sld [smem:$0x3F9B]  }
0x1a: {  	s8 =	sadd.s32 $0xFFFFE003, lr  }
0x1b: {  	s9 =	sadd.s32 $0xFFFFFEF7, lr;
	s5 =	simm.s32 $0xFFFFFFFF;
	p2 =	slt.u32 s8, $0xFFFFF086  }
0x1c: {  	p1 =	slt.u32 s9, $0xF7A;
	s5 =	simm.s32 @!p2 $0x0  }
0x1d: {  	s5 =	simm.s32 @p1 $0x1;
	p0 =	seq.s32 s7, s2  }
0x1e: {  	s7 =	smul.u32 @!p0 $0xF7A, s2;
	p2 =	seq.s32 @!p0 s5, $0x0  }
0x1f: {  	s9 =	smul.u32 $0xF7A, s1;
	s8 =	simm.s32 @!p0 $0x1BF5;
	p2 =	por !p2, p0  }
0x20: {  	[sflag:s8] =	ssyncset.s32 @!p0 $0xFFFFF086;
	s6 =	sadd.s32 @!p0 s3, s7;
	s7 =	simm.s32 @!p0 $0x108  }
0x21: {  	s3 =	sadd.s32 s3, s9;
	s6 =	sadd.s32 @!p0 $0x88, s6;
	s7 =	simm.s32 @p2 $0x1082  }
0x22: {  	[simem:s7], [sflag:s8] =	dma.local @!p0 [hbm:s6], $0xF7A  }
0x23: {  	s9 =	sor.u32 $0xD0000000, s2;
	s6 =	simm.s32 $0x108;
	_ =	swait.ge @!p0 [sflag:s8], $0x0  }
0x24: {  	s3 =	sadd.s32 $0x88, s3;
	s6 =	simm.s32 @!p1 $0x1082;
	[sflag:s4] =	ssyncset.s32 $0xFFFFF086  }
0x25: {  	[simem:s6], [sflag:s4] =	dma.local [hbm:s3], $0xF7A  }
0x26: {  	[smem:$0x3F9B] =	sst s1;
	(tag) =	ssettag s2;
	_ =	strace s9  }
0x27: {  	s1 =	sld [smem:$0x3FAB]  }
0x28: {  	s2 =	sld [smem:$0x3FAC]  }
0x29: {  	s4 =	sld [smem:$0x3FAE]  }
0x2a: {  	p0 =	seq.s32 s5, $0x0;
	s5 =	sld [smem:$0x3FAF]  }
0x2b: {  	s6 =	sld [smem:$0x3FB0]  }
0x2c: {  	s7 =	sld [smem:$0x3FB1]  }
0x2d: {  	s3 =	simm.s32 $0x108;
	s8 =	sld [smem:$0x3FB2]  }
0x2e: {  	s3 =	simm.s32 @!p0 $0x1082;
	s9 =	sld [smem:$0x3FB3]  }
0x2f: {  	lr =	sadd.s32 s0, s3;
	s0 =	sld [smem:$0x3FAA]  }
0x30: {  	s3 =	sld [smem:$0x3FAD]  }
0x31: {  	[smem:$0x3FB6] =	sst s10  }
0x32: {  	s10 =	sld [smem:$0x3FB4];
	_ =	sdelay $0x3  }
0x33: {  	p0 =	seq.s32 s10, $0x1;
	s10 =	sld [smem:$0x3FB6];
	_ =	sdelay $0x3  }
0x34: {  	[smem:$0x3FB6] =	sst s10  }
0x35: {  	s10 =	sld [smem:$0x3FB5];
	_ =	sdelay $0x3  }
0x36: {  	p1 =	seq.s32 s10, $0x1;
	s10 =	sld [smem:$0x3FB6];
	_ =	sdelay $0x3  }
0x37: {  	[smem:$0x3FB6] =	sst s10  }
0x38: {  	s10 =	sld [smem:$0x3FB7]  }
0x39: {  	_ = 	snop;
	(pc) =	sbr.ind lr, $3  }
0x3a: {  	_ = 	snop  }
0x3b: {  	_ = 	snop  }
0x3c: {  	p2 =	seq.s32 s10, $0x1;
	s10 =	sld [smem:$0x3FB6]  }
0x3d: {  	_ =	shalt  }
0x3e: {  	_ =	shalt  }
0x3f: {  	_ =	shalt  }
0x40: {  	_ =	shalt  }
0x41: {  	_ =	shalt  }
0x42: {  	_ =	shalt  }
0x43: {  	_ =	shalt  }
0x44: {  	_ =	shalt  }
0x45: {  	_ =	shalt  }
0x46: {  	_ =	shalt  }
0x47: {  	_ =	shalt  }
0x48: {  	_ =	shalt  }
0x49: {  	_ =	shalt  }
0x4a: {  	_ =	shalt  }
0x4b: {  	_ =	shalt  }
0x4c: {  	_ =	shalt  }
0x4d: {  	_ =	shalt  }
0x4e: {  	_ =	shalt  }
0x4f: {  	_ =	shalt  }
0x50: {  	_ =	shalt  }
0x51: {  	_ =	shalt  }
0x52: {  	_ =	shalt  }
0x53: {  	_ =	shalt  }
0x54: {  	_ =	shalt  }
0x55: {  	_ =	shalt  }
0x56: {  	_ =	shalt  }
0x57: {  	_ =	shalt  }
0x58: {  	_ =	shalt  }
0x59: {  	_ =	shalt  }
0x5a: {  	_ =	shalt  }
0x5b: {  	_ =	shalt  }
0x5c: {  	_ =	shalt  }
0x5d: {  	_ =	shalt  }
0x5e: {  	_ =	shalt  }
0x5f: {  	_ =	shalt  }
0x60: {  	_ =	shalt  }
0x61: {  	_ =	shalt  }
0x62: {  	_ =	shalt  }
0x63: {  	_ =	shalt  }
0x64: {  	_ =	shalt  }
0x65: {  	_ =	shalt  }
0x66: {  	_ =	shalt  }
0x67: {  	_ =	shalt  }
0x68: {  	_ =	shalt  }
0x69: {  	_ =	shalt  }
0x6a: {  	_ =	shalt  }
0x6b: {  	_ =	shalt  }
0x6c: {  	_ =	shalt  }
0x6d: {  	_ =	shalt  }
0x6e: {  	_ =	shalt  }
0x6f: {  	_ =	shalt  }
0x70: {  	_ =	shalt  }
0x71: {  	_ =	shalt  }
0x72: {  	_ =	shalt  }
0x73: {  	_ =	shalt  }
0x74: {  	_ =	shalt  }
0x75: {  	_ =	shalt  }
0x76: {  	_ =	shalt  }
0x77: {  	_ =	shalt  }
0x78: {  	_ =	shalt  }
0x79: {  	_ =	shalt  }
0x7a: {  	_ =	shalt  }
0x7b: {  	_ =	shalt  }
0x7c: {  	_ =	shalt  }
0x7d: {  	_ =	shalt  }
0x7e: {  	_ =	shalt  }
0x7f: {  	_ =	shalt  }
0x80: {  	_ =	shalt  }
0x81: {  	_ =	shalt  }
0x82: {  	_ =	shalt  }
0x83: {  	_ =	shalt  }
0x84: {  	_ =	shalt  }
0x85: {  	_ =	shalt  }
0x86: {  	_ =	shalt  }
0x87: {  	_ =	shalt  }
.Lfunc_end0:
.L_simem_size_0:
called_computation.1_lowered:
.L_overlay_start_0:
0x88: {  	s2 =	sld [smem:$0x3FD9]  }
0x89: {  	s3 =	sld [smem:$0x3FFE];
	_ =	sdelay $0x1  }
0x8a: {  	s1 =	srdreg.scid  }
0x8b: {  	s0 =	sand.u32 $0x1, s1  }
0x8c: {  	s16 =	sshll.u32 s0, $0xA;
	s2 =	sadd.s32 s3, s2  }
0x8d: {  	s2 =	sadd.s32 s2, s16  }
0x8e: {  	[smem:$0x3FC2] =	sst s2  }
0x8f: {  	_ = 	snop  }
0x90: {  	(tm) =	ssettm $0x1  }
0x91: {  	s17 =	sld [smem:$0x3FFB];
	_ =	sdelay $0x3  }
0x92: {  	_ =	strace s17  }
0x93: {  	s2 =	sld [smem:$0x3FFC];
	_ =	sdelay $0x3  }
0x94: {  	_ =	strace s2  }
0x95: {  	s2 =	sld [smem:$0x3FFD];
	_ =	sdelay $0x3  }
0x96: {  	_ =	strace s2  }
0x97: {  	_ =	strace $0x8FFFFFFF  }
0x98: {  	s18 =	sld [smem:$0x3FDB];
	_ =	sdelay $0x1  }
0x99: {  	s19 =	simm.s32 $_scs_section_size  }
0x9a: {  	s4 =	simm.s32 $_size__tile_overlayer_lowered;
	s5 =	simm.s32 $_tile_overlayer_lowered  }
0x9b: {  	s22 =	simm.s32 $0x1BFF;
	s21 =	sshll.u32 s5, $0x1;
	s2 =	sadd.s32 s19, s18  }
0x9c: {  	s6 =	simm.s32 $0x0;
	s20 =	sshll.u32 s4, $0x1;
	s4 =	sadd.s32 s21, s2  }
0x9d: {  	[timem:s6], [sflag:s22] =	dma.local [hbm:s4], s20  }
0x9e: {  	_ =	swait.ge [sflag:s22], s20  }
0x9f: {  	s3 =	ssub.s32 $0x0, s20;
	[sflag:s22] =	ssyncset.done $0x0  }
0xa0: {  	[sflag:s22] =	ssyncadd.s32 s3;
	_ =	sdelay $0x1  }
0xa1: {  	s23 =	simm.s32 $0x1B8B  }
0xa2: {  	_ =	swait.ge [sflag:s23], $0x1  }
0xa3: {  	[sflag:s23] =	ssyncset.done $0x0  }
0xa4: {  	s25 =	simm.s32 $0x1B8E;
	s24 =	sld [smem:$0x3FFE];
	[sflag:s23] =	ssyncadd.s32 $0xFFFFFFFF  }
0xa5: {  	s26 =	simm.s32 $execute0_lowered;
	[smem:$0x3FD2] =	sst s25  }
0xa6: {  	s4 =	sshll.u32 s26, $0x1;
	_ =	strace $0x80000049;
	[dreg:$0x1] =	wrdreg $0xFFFFFFFF  }
0xa7: {  	s28 =	simm.s32 $_size_execute0_lowered;
	s2 =	sadd.s32 s2, s4;
	[dreg:$0x0] =	wrdreg $0x0  }
0xa8: {  	s4 =	sshll.u32 s28, $0x1;
	[dreg:$0x2] =	wrdreg s2  }
0xa9: {  	[dreg:$0x3] =	wrdreg s4  }
0xaa: {  	[dreg:$0x4] =	wrdreg $0xC0  }
0xab: {  	_ =	task [dreg:s6], $0x5FFFF  }
0xac: {  	[dreg:$0x1] =	wrdreg $0xFFFFFFFF  }
0xad: {  	[dreg:$0x0] =	wrdreg $0x60  }
0xae: {  	[dreg:$0x2] =	wrdreg s24  }
0xaf: {  	[dreg:$0x3] =	wrdreg $0x10C400  }
0xb0: {  	[dreg:$0x4] =	wrdreg $0x9  }
0xb1: {  	_ =	task.clear_ibuf [dreg:s6], $0x5FFFF;
	_ =	strace $0x90000049  }
0xb2: {  	s29 =	simm.s32 $0x9;
	_ =	strace $0x8000004B  }
0xb3: {  	_ =	swait.ge [sflag:s29], $0x1  }
0xb4: {  	[sflag:s29] =	ssyncadd.s32 $0xFFFFFFFF  }
0xb5: {  	_ =	strace $0x9000004B  }
0xb6: {  	_ =	sfence  }
0xb7: {  	s30 =	sld [smem:$0x0];
	_ =	sdelay $0x2  }
0xb8: {  	s31 =	sshll.u32 s1, $0xD;
	s1 =	sshrl.u32 s1, $0x2  }
0xb9: {  	s3 =	sand.u32 $0x4000, s31;
	s1 =	sadd.s32 s1, s30  }
0xba: {  	s0 =	sor.u32 s3, s0;
	s1 =	sshll.u32 s1, $0x11  }
0xbb: {  	s0 =	sor.u32 s1, s0  }
0xbc: {  	s0 =	sadd.s32 $0x8F2B, s0  }
0xbd: {  	[sflag:s0] =	ssyncadd.remote.s32 $0x1  }
0xbe: {  	_ =	sfence.sel $0xFFFF  }
0xbf: {  	[dreg:$0x0] =	wrdreg $0xFFFFFFFF;
	(pc) =	sbr.abs _section_cstart, $3  }
0xc0: {  	[dreg:$0x1] =	wrdreg $0xFFFFFFFF  }
0xc1: {  	_ =	task.clear_ibuf [dreg:s6], $0x2FFFF;
	_ =	strace $0x9FFFFFFF  }
0xc2: {  	(tm) =	ssettm $0x7FFFFFFF  }
0xc3: {  	_ =	shalt  }
tec
execute0_lowered:
.L_overlay_start_1:
0x0: {  	(tag) =	ssettag $0x1  }
0x1: {  	s0 =	srdreg.scid;
	s1 =	rddreg [dreg:$0x0]  }
0x2: {  	s2 =	rddreg [dreg:$0x1];
	s9 =	stileid.u32;
	s3 =	simm.s32 $0x0  }
0x3: {  	s14 =	simm.s32 $0xAD000;
	s28 =	simm.s32 $0x5000;
	s30 =	simm.s32 $0x6F40  }
0x4: {  	s31 =	simm.s32 $0xCD00;
	s29 =	simm.s32 $0x2;
	s8 =	smul.u32 $0x28000, s9  }
0x5: {  	s0 =	sand.u32 $0x1, s0;
	[smem:$0x7FF] =	sst s3;
	s17 =	smul.u32 $0xA000, s9  }
0x6: {  	s4 =	sshll.u32 s0, $0x4;
	s6 =	ssub.s32 $0x2, s0;
	_ =	strace $0x8000004A  }
0x7: {  	p0 =	seq.s32 s0, $0x1;
	s0 =	simm.s32 $0x8E80;
	s4 =	sor.u32 s9, s4  }
0x8: {  	s7 =	sshrl.u32 s6, $0x1;
	s16 =	sshrl.u32 s8, $0x2;
	s23 =	sadd.s32 $0x2000, s17  }
0x9: {  	s24 =	sshrl.u32 s17, $0x3;
	s9 =	sadd.s32 $0x4000, s17;
	s11 =	sadd.s32 $0x6000, s17  }
0xa: {  	s14 =	simm.s32 @!p0 $0xC1000;
	s13 =	sadd.s32 s17, s2;
	s8 =	simm.s32 $0x5  }
0xb: {  	s5 =	smul.u32 $0x500, s4;
	s4 =	sadd.s32 $0x3600, s1;
	s6 =	ssub.s32 s6, s7  }
0xc: {  	s7 =	sadd.s32 s16, s2;
	s25 =	sshrl.u32 s23, $0x3;
	s10 =	sshrl.u32 s9, $0x3  }
0xd: {  	s26 =	sadd.s32 s14, s1;
	s18 =	smax.u32 s6, $0x1;
	s19 =	sadd.s32 $0x2000, s7  }
0xe: {  	s20 =	sadd.s32 $0x4000, s7;
	s21 =	sadd.s32 $0x6000, s7;
	[dreg:$0x5] =	wrdreg s18  }
0xf: {  	s22 =	sadd.s32 $0x8000, s7;
	s14 =	sadd.s32 s26, s24;
	[dreg:$0x6] =	wrdreg s19  }
0x10: {  	s16 =	sadd.s32 s26, s25;
	s25 =	simm.s32 $0xEC40;
	[dreg:$0x7] =	wrdreg s20  }
0x11: {  	s24 =	simm.s32 $0xADC0;
	s6 =	simm.s32 $0x4;
	[dreg:$0x8] =	wrdreg s21  }
0x12: {  	s5 =	sadd.s32 s5, s1;
	[dreg:$0x9] =	wrdreg s22;
	s20 =	sshrl.u32 s11, $0x3  }
0x13: {  	s21 =	sadd.s32 $0x8000, s17;
	s17 =	sadd.s32 s9, s2;
	s18 =	sadd.s32 s26, s10  }
0x14: {  	s19 =	sadd.s32 s11, s2;
	s1 =	simm.s32 $0x1;
	s9 =	simm.s32 $0x0  }
0x15: {  	s15 =	sadd.s32 $0x2B000, s5;
	s5 =	sadd.s32 $0x21000, s5;
	s22 =	sshrl.u32 s21, $0x3  }
0x16: {  	s20 =	sadd.s32 s26, s20;
	s21 =	sadd.s32 s21, s2;
	[dreg:$0x3] =	wrdreg s15  }
0x17: {  	[dreg:$0x4] =	wrdreg s5;
	s15 =	sadd.s32 s23, s2;
	s22 =	sadd.s32 s26, s22  }
0x18: {  	v0 =	vimm.f32 $0.0e+00;
	s23 =	simm.s32 $0x6;
	s26 =	simm.s32 $0x7D;
	s5 =	simm.s32 $0x3  }
.LBB2_1:
0x19: {  	s10 =	rddreg [dreg:$0x3]  }
0x1a: {  	[tilespmem:s3], [sflag:$0x6] =	stream.linear.gather [hbm4b:s10+s3], $0x2800, $0x38;
	[tilespmem:$0x1AC40] =	vst v63  }
0x1b: {  	_ =	swait.ge [sflag:s23], $0x2800  }
0x1c: {  	[sflag:s23] =	ssyncset.done $0x0  }
0x1d: {  	s11 =	simm.s32 $0x2800;
	s12 =	rddreg [dreg:$0x4];
	[sflag:s23] =	ssyncadd.s32 $0xFFFFD800  }
0x1e: {  	[tilespmem:s11], [sflag:$0x6] =	stream.linear.gather [hbm4b:s12+s3], $0x2800, $0x38;
	[tilespmem:$0x1AC40] =	vst v63  }
0x1f: {  	_ =	swait.ge [sflag:s23], $0x2800  }
0x20: {  	[sflag:s23] =	ssyncset.done $0x0  }
0x21: {  	s10 =	simm.s32 $0x0;
	s11 =	simm.s32 $0x100;
	[sflag:s23] =	ssyncadd.s32 $0xFFFFD800  }
.LBB2_2:
0x22: {  	p0 =	sne.s32 s11, $0x7F00;
	[tilespmem:s10+$0xEC70] =	vst v0;
	s12 =	smov.u32 s11;
	s11 =	sadd.s32 $0x100, s11  }
.Ltmp0:
0x23: {  	[tilespmem:s10+$0xEC60] =	vst v0;
	(pc) =	sbr.rel @p0 .LBB2_2-.Ltmp0, $3  }
0x24: {  	[tilespmem:s10+$0xEC40] =	vst v0  }
0x25: {  	[tilespmem:s10+$0xEC50] =	vst v0;
	_ =	sdelay $0x1  }
0x26: {  	s10 =	sshra.s32 s12, $0x2  }
0x27: {  	[tilespmem:s10+$0xEC70] =	vst v0  }
0x28: {  	[tilespmem:s10+$0xEC60] =	vst v0  }
0x29: {  	[tilespmem:s10+$0xEC40] =	vst v0  }
0x2a: {  	[tilespmem:s10+$0xEC50] =	vst v0  }
0x2b: {  	[spmem:s7] =	stream.linear.scatter [tilespmem:s25], [sflag:$0x6], $0x2000, $0x38;
	[tilespmem:$0x1AC40] =	vst v63  }
0x2c: {  	_ =	swait.ge [sflag:s23], $0x2000  }
0x2d: {  	[sflag:s23] =	ssyncset.done $0x0  }
0x2e: {  	s11 =	rddreg [dreg:$0x6];
	[sflag:s23] =	ssyncadd.s32 $0xFFFFE000  }
0x2f: {  	[spmem:s11] =	stream.linear.scatter [tilespmem:s25], [sflag:$0x6], $0x2000, $0x38;
	[tilespmem:$0x1AC40] =	vst v63  }
0x30: {  	_ =	swait.ge [sflag:s23], $0x2000  }
0x31: {  	[sflag:s23] =	ssyncset.done $0x0  }
0x32: {  	s12 =	rddreg [dreg:$0x7];
	[sflag:s23] =	ssyncadd.s32 $0xFFFFE000  }
0x33: {  	[spmem:s12] =	stream.linear.scatter [tilespmem:s25], [sflag:$0x6], $0x2000, $0x38;
	[tilespmem:$0x1AC40] =	vst v63  }
0x34: {  	_ =	swait.ge [sflag:s23], $0x2000  }
0x35: {  	[sflag:s23] =	ssyncset.done $0x0  }
0x36: {  	s11 =	rddreg [dreg:$0x8];
	[sflag:s23] =	ssyncadd.s32 $0xFFFFE000  }
0x37: {  	[spmem:s11] =	stream.linear.scatter [tilespmem:s25], [sflag:$0x6], $0x2000, $0x38;
	[tilespmem:$0x1AC40] =	vst v63  }
0x38: {  	_ =	swait.ge [sflag:s23], $0x2000  }
0x39: {  	[sflag:s23] =	ssyncset.done $0x0  }
0x3a: {  	s12 =	rddreg [dreg:$0x9];
	[sflag:s23] =	ssyncadd.s32 $0xFFFFE000  }
0x3b: {  	[spmem:s12] =	stream.linear.scatter [tilespmem:s25], [sflag:$0x6], $0x2000, $0x38;
	[tilespmem:$0x1AC40] =	vst v63  }
0x3c: {  	_ =	swait.ge [sflag:s23], $0x2000  }
0x3d: {  	[sflag:s23] =	ssyncset.done $0x0  }
0x3e: {  	[sflag:s23] =	ssyncadd.s32 $0xFFFFE000  }
0x3f: {  	s11 =	simm.s32 $0x0;
	[bflag:$0x0] =	sbarrier.arrive $0xFFFF  }
0x40: {  	[tilespmem:s28], [sflag:$0x1] =	stream.indirect.gather [hbm4b:s4+s26], $0x40, s11, s26, $0xb8;
	[tilespmem:$0x1AC40] =	vst v63  }
0x41: {  	s12 =	simm.s32 $0x80  }
0x42: {  	[tilespmem:s30], [sflag:$0x2] =	stream.indirect.gather [hbm4b:s4+s26], $0x40, s12, s26, $0xb8;
	[tilespmem:$0x1AC40] =	vst v63  }
0x43: {  	s11 =	simm.s32 $0x100  }
0x44: {  	[tilespmem:s0], [sflag:$0x3] =	stream.indirect.gather [hbm4b:s4+s26], $0x40, s11, s26, $0xb8;
	[tilespmem:$0x1AC40] =	vst v63  }
0x45: {  	s12 =	simm.s32 $0x180  }
0x46: {  	[tilespmem:s24], [sflag:$0x4] =	stream.indirect.gather [hbm4b:s4+s26], $0x40, s12, s26, $0xb8;
	[tilespmem:$0x1AC40] =	vst v63  }
0x47: {  	s11 =	simm.s32 $0x200  }
0x48: {  	[tilespmem:s31], [sflag:$0x5] =	stream.indirect.gather [hbm4b:s4+s26], $0x40, s11, s26, $0xb8;
	[tilespmem:$0x1AC40] =	vst v63  }
0x49: {  	_ =	swait.ge [sflag:s1], $0x1F40  }
0x4a: {  	[sflag:s1] =	ssyncset.done $0x0  }
0x4b: {  	s12 =	simm.s32 $0x2800;
	[sflag:s1] =	ssyncadd.s32 $0xFFFFE0C0  }
0x4c: {  	[spmem:s2] =	stream.indirect.scatter.add.f32 [tilespmem:s28], [sflag:$0x6], $0x40, s12, s26, $0xb8;
	[tilespmem:$0x1AC40] =	vst v63  }
0x4d: {  	_ =	swait.ge [sflag:s23], $0x1F40  }
0x4e: {  	[sflag:s23] =	ssyncset.done $0x0  }
0x4f: {  	s11 =	simm.s32 $0x280;
	[sflag:s23] =	ssyncadd.s32 $0xFFFFE0C0  }
0x50: {  	[tilespmem:s28], [sflag:$0x1] =	stream.indirect.gather [hbm4b:s4+s26], $0x40, s11, s26, $0xb8;
	[tilespmem:$0x1AC40] =	vst v63  }
0x51: {  	_ =	swait.ge [sflag:s29], $0x1F40  }
0x52: {  	[sflag:s29] =	ssyncset.done $0x0  }
0x53: {  	s12 =	simm.s32 $0x2880;
	[sflag:s29] =	ssyncadd.s32 $0xFFFFE0C0  }
0x54: {  	[spmem:s2] =	stream.indirect.scatter.add.f32 [tilespmem:s30], [sflag:$0x6], $0x40, s12, s26, $0xb8;
	[tilespmem:$0x1AC40] =	vst v63  }
0x55: {  	_ =	swait.ge [sflag:s23], $0x1F40  }
0x56: {  	[sflag:s23] =	ssyncset.done $0x0  }
0x57: {  	s11 =	simm.s32 $0x300;
	[sflag:s23] =	ssyncadd.s32 $0xFFFFE0C0  }
0x58: {  	[tilespmem:s30], [sflag:$0x2] =	stream.indirect.gather [hbm4b:s4+s26], $0x40, s11, s26, $0xb8;
	[tilespmem:$0x1AC40] =	vst v63  }
0x59: {  	_ =	swait.ge [sflag:s5], $0x1F40  }
0x5a: {  	[sflag:s5] =	ssyncset.done $0x0  }
0x5b: {  	s12 =	simm.s32 $0x2900;
	[sflag:s5] =	ssyncadd.s32 $0xFFFFE0C0  }
0x5c: {  	[spmem:s2] =	stream.indirect.scatter.add.f32 [tilespmem:s0], [sflag:$0x6], $0x40, s12, s26, $0xb8;
	[tilespmem:$0x1AC40] =	vst v63  }
0x5d: {  	_ =	swait.ge [sflag:s23], $0x1F40  }
0x5e: {  	[sflag:s23] =	ssyncset.done $0x0  }
0x5f: {  	s11 =	simm.s32 $0x380;
	[sflag:s23] =	ssyncadd.s32 $0xFFFFE0C0  }
0x60: {  	[tilespmem:s0], [sflag:$0x3] =	stream.indirect.gather [hbm4b:s4+s26], $0x40, s11, s26, $0xb8;
	[tilespmem:$0x1AC40] =	vst v63  }
0x61: {  	_ =	swait.ge [sflag:s6], $0x1F40  }
0x62: {  	[sflag:s6] =	ssyncset.done $0x0  }
0x63: {  	s12 =	simm.s32 $0x2980;
	[sflag:s6] =	ssyncadd.s32 $0xFFFFE0C0  }
0x64: {  	[spmem:s2] =	stream.indirect.scatter.add.f32 [tilespmem:s24], [sflag:$0x6], $0x40, s12, s26, $0xb8;
	[tilespmem:$0x1AC40] =	vst v63  }
0x65: {  	_ =	swait.ge [sflag:s23], $0x1F40  }
0x66: {  	[sflag:s23] =	ssyncset.done $0x0  }
0x67: {  	s11 =	simm.s32 $0x400;
	[sflag:s23] =	ssyncadd.s32 $0xFFFFE0C0  }
0x68: {  	[tilespmem:s24], [sflag:$0x4] =	stream.indirect.gather [hbm4b:s4+s26], $0x40, s11, s26, $0xb8;
	[tilespmem:$0x1AC40] =	vst v63  }
0x69: {  	_ =	swait.ge [sflag:s8], $0x1F40  }
0x6a: {  	[sflag:s8] =	ssyncset.done $0x0  }
0x6b: {  	s12 =	simm.s32 $0x2A00;
	[sflag:s8] =	ssyncadd.s32 $0xFFFFE0C0  }
0x6c: {  	[spmem:s2] =	stream.indirect.scatter.add.f32 [tilespmem:s31], [sflag:$0x6], $0x40, s12, s26, $0xb8;
	[tilespmem:$0x1AC40] =	vst v63  }
0x6d: {  	_ =	swait.ge [sflag:s23], $0x1F40  }
0x6e: {  	[sflag:s23] =	ssyncset.done $0x0  }
0x6f: {  	s10 =	simm.s32 $0xA00;
	s11 =	simm.s32 $0x480;
	[sflag:s23] =	ssyncadd.s32 $0xFFFFE0C0  }
.LBB2_4:
0x70: {  	[tilespmem:s31], [sflag:$0x5] =	stream.indirect.gather [hbm4b:s4+s26], $0x40, s11, s26, $0xb8;
	[tilespmem:$0x1AC40] =	vst v63  }
0x71: {  	s11 =	smov.u32 s10  }
0x72: {  	p0 =	sne.s32 s10, $0x8C00;
	s10 =	sadd.s32 $0xA00, s10;
	_ =	swait.ge [sflag:s1], $0x1F40  }
0x73: {  	s11 =	sshra.s32 s11, $0x2;
	[sflag:s1] =	ssyncset.done $0x0  }
0x74: {  	s12 =	sadd.s32 $0x2800, s11;
	[sflag:s1] =	ssyncadd.s32 $0xFFFFE0C0  }
0x75: {  	[spmem:s2] =	stream.indirect.scatter.add.f32 [tilespmem:s28], [sflag:$0x6], $0x40, s12, s26, $0xb8;
	[tilespmem:$0x1AC40] =	vst v63  }
0x76: {  	_ =	swait.ge [sflag:s23], $0x1F40  }
0x77: {  	[sflag:s23] =	ssyncset.done $0x0  }
0x78: {  	s12 =	sadd.s32 $0x280, s11;
	[sflag:s23] =	ssyncadd.s32 $0xFFFFE0C0  }
0x79: {  	[tilespmem:s28], [sflag:$0x1] =	stream.indirect.gather [hbm4b:s4+s26], $0x40, s12, s26, $0xb8;
	[tilespmem:$0x1AC40] =	vst v63  }
0x7a: {  	_ =	swait.ge [sflag:s29], $0x1F40  }
0x7b: {  	[sflag:s29] =	ssyncset.done $0x0  }
0x7c: {  	s12 =	sadd.s32 $0x2880, s11;
	[sflag:s29] =	ssyncadd.s32 $0xFFFFE0C0  }
0x7d: {  	[spmem:s2] =	stream.indirect.scatter.add.f32 [tilespmem:s30], [sflag:$0x6], $0x40, s12, s26, $0xb8;
	[tilespmem:$0x1AC40] =	vst v63  }
0x7e: {  	_ =	swait.ge [sflag:s23], $0x1F40  }
0x7f: {  	[sflag:s23] =	ssyncset.done $0x0  }
0x80: {  	s12 =	sadd.s32 $0x300, s11;
	[sflag:s23] =	ssyncadd.s32 $0xFFFFE0C0  }
0x81: {  	[tilespmem:s30], [sflag:$0x2] =	stream.indirect.gather [hbm4b:s4+s26], $0x40, s12, s26, $0xb8;
	[tilespmem:$0x1AC40] =	vst v63  }
0x82: {  	_ =	swait.ge [sflag:s5], $0x1F40  }
0x83: {  	[sflag:s5] =	ssyncset.done $0x0  }
0x84: {  	s12 =	sadd.s32 $0x2900, s11;
	[sflag:s5] =	ssyncadd.s32 $0xFFFFE0C0  }
0x85: {  	[spmem:s2] =	stream.indirect.scatter.add.f32 [tilespmem:s0], [sflag:$0x6], $0x40, s12, s26, $0xb8;
	[tilespmem:$0x1AC40] =	vst v63  }
0x86: {  	_ =	swait.ge [sflag:s23], $0x1F40  }
0x87: {  	[sflag:s23] =	ssyncset.done $0x0  }
0x88: {  	s12 =	sadd.s32 $0x380, s11;
	[sflag:s23] =	ssyncadd.s32 $0xFFFFE0C0  }
0x89: {  	[tilespmem:s0], [sflag:$0x3] =	stream.indirect.gather [hbm4b:s4+s26], $0x40, s12, s26, $0xb8;
	[tilespmem:$0x1AC40] =	vst v63  }
0x8a: {  	_ =	swait.ge [sflag:s6], $0x1F40  }
0x8b: {  	[sflag:s6] =	ssyncset.done $0x0  }
0x8c: {  	s12 =	sadd.s32 $0x2980, s11;
	[sflag:s6] =	ssyncadd.s32 $0xFFFFE0C0  }
0x8d: {  	[spmem:s2] =	stream.indirect.scatter.add.f32 [tilespmem:s24], [sflag:$0x6], $0x40, s12, s26, $0xb8;
	[tilespmem:$0x1AC40] =	vst v63  }
0x8e: {  	_ =	swait.ge [sflag:s23], $0x1F40  }
0x8f: {  	[sflag:s23] =	ssyncset.done $0x0  }
0x90: {  	s12 =	sadd.s32 $0x400, s11;
	[sflag:s23] =	ssyncadd.s32 $0xFFFFE0C0  }
0x91: {  	[tilespmem:s24], [sflag:$0x4] =	stream.indirect.gather [hbm4b:s4+s26], $0x40, s12, s26, $0xb8;
	[tilespmem:$0x1AC40] =	vst v63  }
0x92: {  	_ =	swait.ge [sflag:s8], $0x1F40  }
0x93: {  	[sflag:s8] =	ssyncset.done $0x0  }
.Ltmp1:
0x94: {  	s12 =	sadd.s32 $0x2A00, s11;
	[sflag:s8] =	ssyncadd.s32 $0xFFFFE0C0;
	(pc) =	sbr.rel @p0 .LBB2_4-.Ltmp1, $4  }
0x95: {  	[spmem:s2] =	stream.indirect.scatter.add.f32 [tilespmem:s31], [sflag:$0x6], $0x40, s12, s26, $0xb8;
	[tilespmem:$0x1AC40] =	vst v63  }
0x96: {  	_ =	swait.ge [sflag:s23], $0x1F40  }
0x97: {  	[sflag:s23] =	ssyncset.done $0x0  }
0x98: {  	s11 =	sadd.s32 $0x480, s11;
	[sflag:s23] =	ssyncadd.s32 $0xFFFFE0C0  }
0x99: {  	[tilespmem:s31], [sflag:$0x5] =	stream.indirect.gather [hbm4b:s4+s26], $0x40, s11, s26, $0xb8;
	[tilespmem:$0x1AC40] =	vst v63  }
0x9a: {  	_ =	swait.ge [sflag:s1], $0x1F40  }
0x9b: {  	[sflag:s1] =	ssyncset.done $0x0  }
0x9c: {  	s10 =	simm.s32 $0x4D80;
	[sflag:s1] =	ssyncadd.s32 $0xFFFFE0C0  }
0x9d: {  	[spmem:s2] =	stream.indirect.scatter.add.f32 [tilespmem:s28], [sflag:$0x6], $0x40, s10, s26, $0xb8;
	[tilespmem:$0x1AC40] =	vst v63  }
0x9e: {  	_ =	swait.ge [sflag:s23], $0x1F40  }
0x9f: {  	[sflag:s23] =	ssyncset.done $0x0  }
0xa0: {  	[sflag:s23] =	ssyncadd.s32 $0xFFFFE0C0  }
0xa1: {  	_ =	swait.ge [sflag:s29], $0x1F40  }
0xa2: {  	[sflag:s29] =	ssyncset.done $0x0  }
0xa3: {  	s12 =	simm.s32 $0x4E00;
	[sflag:s29] =	ssyncadd.s32 $0xFFFFE0C0  }
0xa4: {  	[spmem:s2] =	stream.indirect.scatter.add.f32 [tilespmem:s30], [sflag:$0x6], $0x40, s12, s26, $0xb8;
	[tilespmem:$0x1AC40] =	vst v63  }
0xa5: {  	_ =	swait.ge [sflag:s23], $0x1F40  }
0xa6: {  	[sflag:s23] =	ssyncset.done $0x0  }
0xa7: {  	[sflag:s23] =	ssyncadd.s32 $0xFFFFE0C0  }
0xa8: {  	_ =	swait.ge [sflag:s5], $0x1F40  }
0xa9: {  	[sflag:s5] =	ssyncset.done $0x0  }
0xaa: {  	s11 =	simm.s32 $0x4E80;
	[sflag:s5] =	ssyncadd.s32 $0xFFFFE0C0  }
0xab: {  	[spmem:s2] =	stream.indirect.scatter.add.f32 [tilespmem:s0], [sflag:$0x6], $0x40, s11, s26, $0xb8;
	[tilespmem:$0x1AC40] =	vst v63  }
0xac: {  	_ =	swait.ge [sflag:s23], $0x1F40  }
0xad: {  	[sflag:s23] =	ssyncset.done $0x0  }
0xae: {  	[sflag:s23] =	ssyncadd.s32 $0xFFFFE0C0  }
0xaf: {  	_ =	swait.ge [sflag:s6], $0x1F40  }
0xb0: {  	[sflag:s6] =	ssyncset.done $0x0  }
0xb1: {  	s12 =	simm.s32 $0x4F00;
	[sflag:s6] =	ssyncadd.s32 $0xFFFFE0C0  }
0xb2: {  	[spmem:s2] =	stream.indirect.scatter.add.f32 [tilespmem:s24], [sflag:$0x6], $0x40, s12, s26, $0xb8;
	[tilespmem:$0x1AC40] =	vst v63  }
0xb3: {  	_ =	swait.ge [sflag:s23], $0x1F40  }
0xb4: {  	[sflag:s23] =	ssyncset.done $0x0  }
0xb5: {  	[sflag:s23] =	ssyncadd.s32 $0xFFFFE0C0  }
0xb6: {  	_ =	swait.ge [sflag:s8], $0x1F40  }
0xb7: {  	[sflag:s8] =	ssyncset.done $0x0  }
0xb8: {  	s11 =	simm.s32 $0x4F80;
	[sflag:s8] =	ssyncadd.s32 $0xFFFFE0C0  }
0xb9: {  	[spmem:s2] =	stream.indirect.scatter.add.f32 [tilespmem:s31], [sflag:$0x6], $0x40, s11, s26, $0xb8;
	[tilespmem:$0x1AC40] =	vst v63  }
0xba: {  	_ =	swait.ge [sflag:s23], $0x1F40  }
0xbb: {  	[sflag:s23] =	ssyncset.done $0x0  }
0xbc: {  	[sflag:s23] =	ssyncadd.s32 $0xFFFFE0C0  }
0xbd: {  	[bflag:$0x0] =	sbarrier.arrive $0xFFFF  }
0xbe: {  	[tilespmem:s25], [sflag:$0x6] =	stream.linear.gather [spmem:s13], $0x2000, $0x38;
	[tilespmem:$0x1AC40] =	vst v63  }
0xbf: {  	_ =	swait.ge [sflag:s23], $0x2000  }
0xc0: {  	[sflag:s23] =	ssyncset.done $0x0  }
0xc1: {  	[sflag:s23] =	ssyncadd.s32 $0xFFFFE000  }
0xc2: {  	[hbm4b:s14+s3] =	stream.linear.scatter [tilespmem:s25], [sflag:$0x6], $0x2000, $0x38;
	[tilespmem:$0x1AC40] =	vst v63  }
0xc3: {  	_ =	swait.ge [sflag:s23], $0x2000  }
0xc4: {  	[sflag:s23] =	ssyncset.done $0x0  }
0xc5: {  	[sflag:s23] =	ssyncadd.s32 $0xFFFFE000  }
0xc6: {  	[tilespmem:s25], [sflag:$0x6] =	stream.linear.gather [spmem:s15], $0x2000, $0x38;
	[tilespmem:$0x1AC40] =	vst v63  }
0xc7: {  	_ =	swait.ge [sflag:s23], $0x2000  }
0xc8: {  	[sflag:s23] =	ssyncset.done $0x0  }
0xc9: {  	[sflag:s23] =	ssyncadd.s32 $0xFFFFE000  }
0xca: {  	[hbm4b:s16+s3] =	stream.linear.scatter [tilespmem:s25], [sflag:$0x6], $0x2000, $0x38;
	[tilespmem:$0x1AC40] =	vst v63  }
0xcb: {  	_ =	swait.ge [sflag:s23], $0x2000  }
0xcc: {  	[sflag:s23] =	ssyncset.done $0x0  }
0xcd: {  	[sflag:s23] =	ssyncadd.s32 $0xFFFFE000  }
0xce: {  	[tilespmem:s25], [sflag:$0x6] =	stream.linear.gather [spmem:s17], $0x2000, $0x38;
	[tilespmem:$0x1AC40] =	vst v63  }
0xcf: {  	_ =	swait.ge [sflag:s23], $0x2000  }
0xd0: {  	[sflag:s23] =	ssyncset.done $0x0  }
0xd1: {  	[sflag:s23] =	ssyncadd.s32 $0xFFFFE000  }
0xd2: {  	[hbm4b:s18+s3] =	stream.linear.scatter [tilespmem:s25], [sflag:$0x6], $0x2000, $0x38;
	[tilespmem:$0x1AC40] =	vst v63  }
0xd3: {  	_ =	swait.ge [sflag:s23], $0x2000  }
0xd4: {  	[sflag:s23] =	ssyncset.done $0x0  }
0xd5: {  	[sflag:s23] =	ssyncadd.s32 $0xFFFFE000  }
0xd6: {  	[tilespmem:s25], [sflag:$0x6] =	stream.linear.gather [spmem:s19], $0x2000, $0x38;
	[tilespmem:$0x1AC40] =	vst v63  }
0xd7: {  	_ =	swait.ge [sflag:s23], $0x2000  }
0xd8: {  	[sflag:s23] =	ssyncset.done $0x0  }
0xd9: {  	[sflag:s23] =	ssyncadd.s32 $0xFFFFE000  }
0xda: {  	[hbm4b:s20+s3] =	stream.linear.scatter [tilespmem:s25], [sflag:$0x6], $0x2000, $0x38;
	[tilespmem:$0x1AC40] =	vst v63  }
0xdb: {  	_ =	swait.ge [sflag:s23], $0x2000  }
0xdc: {  	[sflag:s23] =	ssyncset.done $0x0  }
0xdd: {  	[sflag:s23] =	ssyncadd.s32 $0xFFFFE000  }
0xde: {  	[tilespmem:s25], [sflag:$0x6] =	stream.linear.gather [spmem:s21], $0x2000, $0x38;
	[tilespmem:$0x1AC40] =	vst v63  }
0xdf: {  	_ =	swait.ge [sflag:s23], $0x2000  }
0xe0: {  	[sflag:s23] =	ssyncset.done $0x0  }
0xe1: {  	[sflag:s23] =	ssyncadd.s32 $0xFFFFE000  }
0xe2: {  	[hbm4b:s22+s3] =	stream.linear.scatter [tilespmem:s25], [sflag:$0x6], $0x2000, $0x38;
	[tilespmem:$0x1AC40] =	vst v63  }
0xe3: {  	_ =	swait.ge [sflag:s23], $0x2000  }
0xe4: {  	s9 =	sadd.s32 $0x1, s9;
	s12 =	rddreg [dreg:$0x5]  }
0xe5: {  	p0 =	sne.s32 s9, s12  }
.Ltmp2:
0xe6: {  	_ = 	snop;
	(pc) =	sbr.rel @p0 .LBB2_1-.Ltmp2, $3  }
0xe7: {  	_ =	sdelay $0x1  }
0xe8: {  	[sflag:s23] =	ssyncset.done $0x0  }
0xe9: {  	[sflag:s23] =	ssyncadd.s32 $0xFFFFE000  }
0xea: {  	_ =	sfence.sel $0x180000  }
0xeb: {  	[bflag:$0x0] =	sbarrier.arrive $0xFFFF  }
0xec: {  	_ =	strace $0x9000004A  }
0xed: {  	s0 =	stileid.u32;
	[bflag:$0x2] =	sbarrier.arrive $0xFFFF  }
0xee: {  	p0 =	sne.s32 s0, $0x0;
	s0 =	rddreg [dreg:$0x2]  }
0xef: {  	s0 =	sadd.s32 @!p0 $0x100000, s0  }
0xf0: {  	[sflag:s0] =	ssyncadd.tile.s32 @!p0 $0x1;
	_ =	shalt  }
.Lfunc_end2:
_tile_overlayer_lowered:
.L_overlay_start_2:
0xf1: {  	(tag) =	ssettag $0x2  }
0xf2: {  	s0 =	rddreg [dreg:$0x0];
	s2 =	stileid.u32  }
0xf3: {  	s1 =	rddreg [dreg:$0x1];
	p0 =	sne.s32 s2, $0x0  }
0xf4: {  	s3 =	rddreg [dreg:$0x2];
	[bflag:$0x3] =	sbarrier.arrive $0xFFFF;
	s2 =	simm.s32 @!p0 $0x1C06  }
0xf5: {  	[timem:s3], [sflag:s2] =	dma.local @!p0 [hbm:s0], s1  }
0xf6: {  	s0 =	simm.s32 @!p0 $0x6  }
0xf7: {  	_ =	swait.ge @!p0 [sflag:s0], s1  }
0xf8: {  	s1 =	ssub.s32 @!p0 $0x0, s1;
	[sflag:s0] =	ssyncset.done @!p0 $0x0  }
0xf9: {  	[sflag:s0] =	ssyncadd.s32 @!p0 s1  }
0xfa: {  	[bflag:$0x3] =	sbarrier.arrive $0xFFFF  }
0xfb: {  	_ =	shalt  }

// kernel: sc_gcn_degree.3.cloned.1.call-start
scs
__scs_entry_jumppad:
0x0: {  	(pc) =	sbr.rel $0x88, $3  }
0x1: {  	(tag) =	ssettag $0x0;
	lr =	simm.s32 $0x1  }
0x2: {  	[smem:$0x3F9B] =	sst lr;
	_ =	strace $0xD0000000  }
0x3: {  	_ = 	snop  }
0x4: {  	_ = 	snop  }
0x5: {  	_ = 	snop  }
0x6: {  	_ = 	snop  }
0x7: {  	_ = 	snop  }
__scs_overlays_trampoline_lowered:
0x8: {  	[smem:$0x3FAA] =	sst s0  }
0x9: {  	[smem:$0x3FAB] =	sst s1  }
0xa: {  	[smem:$0x3FAC] =	sst s2  }
0xb: {  	[smem:$0x3FAD] =	sst s3  }
0xc: {  	[smem:$0x3FAE] =	sst s4  }
0xd: {  	[smem:$0x3FAF] =	sst s5  }
0xe: {  	[smem:$0x3FB0] =	sst s6  }
0xf: {  	[smem:$0x3FB1] =	sst s7  }
0x10: {  	[smem:$0x3FB2] =	sst s8  }
0x11: {  	[smem:$0x3FB3] =	sst s9;
	s0 =	simm.s32 @!p0 $0x0  }
0x12: {  	s1 =	sld [smem:$0x3F99];
	s0 =	simm.s32 @p0 $0x1  }
0x13: {  	[smem:$0x3FB4] =	sst s0;
	s0 =	simm.s32 @!p1 $0x0  }
0x14: {  	s2 =	sld [smem:$0x3F98];
	s0 =	simm.s32 @p1 $0x1  }
0x15: {  	[smem:$0x3FB5] =	sst s0;
	s0 =	simm.s32 @!p2 $0x0  }
0x16: {  	s3 =	sld [smem:$0x3FDB];
	s0 =	simm.s32 @p2 $0x1  }
0x17: {  	s4 =	simm.s32 $0x1BF5;
	[smem:$0x3FB7] =	sst s0  }
0x18: {  	s0 =	sld [smem:$0x3F9A];
	_ =	swait.ge [sflag:s4], $0x0  }
0x19: {  	s7 =	sld [smem:$0x3F9B]  }
0x1a: {  	s8 =	sadd.s32 $0xFFFFE003, lr  }
0x1b: {  	s9 =	sadd.s32 $0xFFFFFEF7, lr;
	s5 =	simm.s32 $0xFFFFFFFF;
	p2 =	slt.u32 s8, $0xFFFFF086  }
0x1c: {  	p1 =	slt.u32 s9, $0xF7A;
	s5 =	simm.s32 @!p2 $0x0  }
0x1d: {  	s5 =	simm.s32 @p1 $0x1;
	p0 =	seq.s32 s7, s2  }
0x1e: {  	s7 =	smul.u32 @!p0 $0xF7A, s2;
	p2 =	seq.s32 @!p0 s5, $0x0  }
0x1f: {  	s9 =	smul.u32 $0xF7A, s1;
	s8 =	simm.s32 @!p0 $0x1BF5;
	p2 =	por !p2, p0  }
0x20: {  	[sflag:s8] =	ssyncset.s32 @!p0 $0xFFFFF086;
	s6 =	sadd.s32 @!p0 s3, s7;
	s7 =	simm.s32 @!p0 $0x108  }
0x21: {  	s3 =	sadd.s32 s3, s9;
	s6 =	sadd.s32 @!p0 $0x88, s6;
	s7 =	simm.s32 @p2 $0x1082  }
0x22: {  	[simem:s7], [sflag:s8] =	dma.local @!p0 [hbm:s6], $0xF7A  }
0x23: {  	s9 =	sor.u32 $0xD0000000, s2;
	s6 =	simm.s32 $0x108;
	_ =	swait.ge @!p0 [sflag:s8], $0x0  }
0x24: {  	s3 =	sadd.s32 $0x88, s3;
	s6 =	simm.s32 @!p1 $0x1082;
	[sflag:s4] =	ssyncset.s32 $0xFFFFF086  }
0x25: {  	[simem:s6], [sflag:s4] =	dma.local [hbm:s3], $0xF7A  }
0x26: {  	[smem:$0x3F9B] =	sst s1;
	(tag) =	ssettag s2;
	_ =	strace s9  }
0x27: {  	s1 =	sld [smem:$0x3FAB]  }
0x28: {  	s2 =	sld [smem:$0x3FAC]  }
0x29: {  	s4 =	sld [smem:$0x3FAE]  }
0x2a: {  	p0 =	seq.s32 s5, $0x0;
	s5 =	sld [smem:$0x3FAF]  }
0x2b: {  	s6 =	sld [smem:$0x3FB0]  }
0x2c: {  	s7 =	sld [smem:$0x3FB1]  }
0x2d: {  	s3 =	simm.s32 $0x108;
	s8 =	sld [smem:$0x3FB2]  }
0x2e: {  	s3 =	simm.s32 @!p0 $0x1082;
	s9 =	sld [smem:$0x3FB3]  }
0x2f: {  	lr =	sadd.s32 s0, s3;
	s0 =	sld [smem:$0x3FAA]  }
0x30: {  	s3 =	sld [smem:$0x3FAD]  }
0x31: {  	[smem:$0x3FB6] =	sst s10  }
0x32: {  	s10 =	sld [smem:$0x3FB4];
	_ =	sdelay $0x3  }
0x33: {  	p0 =	seq.s32 s10, $0x1;
	s10 =	sld [smem:$0x3FB6];
	_ =	sdelay $0x3  }
0x34: {  	[smem:$0x3FB6] =	sst s10  }
0x35: {  	s10 =	sld [smem:$0x3FB5];
	_ =	sdelay $0x3  }
0x36: {  	p1 =	seq.s32 s10, $0x1;
	s10 =	sld [smem:$0x3FB6];
	_ =	sdelay $0x3  }
0x37: {  	[smem:$0x3FB6] =	sst s10  }
0x38: {  	s10 =	sld [smem:$0x3FB7]  }
0x39: {  	_ = 	snop;
	(pc) =	sbr.ind lr, $3  }
0x3a: {  	_ = 	snop  }
0x3b: {  	_ = 	snop  }
0x3c: {  	p2 =	seq.s32 s10, $0x1;
	s10 =	sld [smem:$0x3FB6]  }
0x3d: {  	_ =	shalt  }
0x3e: {  	_ =	shalt  }
0x3f: {  	_ =	shalt  }
0x40: {  	_ =	shalt  }
0x41: {  	_ =	shalt  }
0x42: {  	_ =	shalt  }
0x43: {  	_ =	shalt  }
0x44: {  	_ =	shalt  }
0x45: {  	_ =	shalt  }
0x46: {  	_ =	shalt  }
0x47: {  	_ =	shalt  }
0x48: {  	_ =	shalt  }
0x49: {  	_ =	shalt  }
0x4a: {  	_ =	shalt  }
0x4b: {  	_ =	shalt  }
0x4c: {  	_ =	shalt  }
0x4d: {  	_ =	shalt  }
0x4e: {  	_ =	shalt  }
0x4f: {  	_ =	shalt  }
0x50: {  	_ =	shalt  }
0x51: {  	_ =	shalt  }
0x52: {  	_ =	shalt  }
0x53: {  	_ =	shalt  }
0x54: {  	_ =	shalt  }
0x55: {  	_ =	shalt  }
0x56: {  	_ =	shalt  }
0x57: {  	_ =	shalt  }
0x58: {  	_ =	shalt  }
0x59: {  	_ =	shalt  }
0x5a: {  	_ =	shalt  }
0x5b: {  	_ =	shalt  }
0x5c: {  	_ =	shalt  }
0x5d: {  	_ =	shalt  }
0x5e: {  	_ =	shalt  }
0x5f: {  	_ =	shalt  }
0x60: {  	_ =	shalt  }
0x61: {  	_ =	shalt  }
0x62: {  	_ =	shalt  }
0x63: {  	_ =	shalt  }
0x64: {  	_ =	shalt  }
0x65: {  	_ =	shalt  }
0x66: {  	_ =	shalt  }
0x67: {  	_ =	shalt  }
0x68: {  	_ =	shalt  }
0x69: {  	_ =	shalt  }
0x6a: {  	_ =	shalt  }
0x6b: {  	_ =	shalt  }
0x6c: {  	_ =	shalt  }
0x6d: {  	_ =	shalt  }
0x6e: {  	_ =	shalt  }
0x6f: {  	_ =	shalt  }
0x70: {  	_ =	shalt  }
0x71: {  	_ =	shalt  }
0x72: {  	_ =	shalt  }
0x73: {  	_ =	shalt  }
0x74: {  	_ =	shalt  }
0x75: {  	_ =	shalt  }
0x76: {  	_ =	shalt  }
0x77: {  	_ =	shalt  }
0x78: {  	_ =	shalt  }
0x79: {  	_ =	shalt  }
0x7a: {  	_ =	shalt  }
0x7b: {  	_ =	shalt  }
0x7c: {  	_ =	shalt  }
0x7d: {  	_ =	shalt  }
0x7e: {  	_ =	shalt  }
0x7f: {  	_ =	shalt  }
0x80: {  	_ =	shalt  }
0x81: {  	_ =	shalt  }
0x82: {  	_ =	shalt  }
0x83: {  	_ =	shalt  }
0x84: {  	_ =	shalt  }
0x85: {  	_ =	shalt  }
0x86: {  	_ =	shalt  }
0x87: {  	_ =	shalt  }
.Lfunc_end0:
.L_simem_size_0:
called_computation_lowered:
.L_overlay_start_0:
0x88: {  	s2 =	sld [smem:$0x3FD9]  }
0x89: {  	s3 =	sld [smem:$0x3FFE];
	_ =	sdelay $0x1  }
0x8a: {  	s1 =	srdreg.scid  }
0x8b: {  	s0 =	sand.u32 $0x1, s1  }
0x8c: {  	s16 =	sshll.u32 s0, $0xA;
	s2 =	sadd.s32 s3, s2  }
0x8d: {  	s2 =	sadd.s32 s2, s16  }
0x8e: {  	[smem:$0x3FC2] =	sst s2  }
0x8f: {  	_ = 	snop  }
0x90: {  	(tm) =	ssettm $0x1  }
0x91: {  	s17 =	sld [smem:$0x3FFB];
	_ =	sdelay $0x3  }
0x92: {  	_ =	strace s17  }
0x93: {  	s2 =	sld [smem:$0x3FFC];
	_ =	sdelay $0x3  }
0x94: {  	_ =	strace s2  }
0x95: {  	s2 =	sld [smem:$0x3FFD];
	_ =	sdelay $0x3  }
0x96: {  	_ =	strace s2  }
0x97: {  	_ =	strace $0x8FFFFFFF  }
0x98: {  	s18 =	sld [smem:$0x3FDB];
	_ =	sdelay $0x1  }
0x99: {  	s19 =	simm.s32 $_scs_section_size  }
0x9a: {  	s4 =	simm.s32 $_size__tile_overlayer_lowered;
	s5 =	simm.s32 $_tile_overlayer_lowered  }
0x9b: {  	s22 =	simm.s32 $0x1BFF;
	s21 =	sshll.u32 s5, $0x1;
	s2 =	sadd.s32 s19, s18  }
0x9c: {  	s6 =	simm.s32 $0x0;
	s20 =	sshll.u32 s4, $0x1;
	s4 =	sadd.s32 s21, s2  }
0x9d: {  	[timem:s6], [sflag:s22] =	dma.local [hbm:s4], s20  }
0x9e: {  	_ =	swait.ge [sflag:s22], s20  }
0x9f: {  	s3 =	ssub.s32 $0x0, s20;
	[sflag:s22] =	ssyncset.done $0x0  }
0xa0: {  	[sflag:s22] =	ssyncadd.s32 s3;
	_ =	sdelay $0x1  }
0xa1: {  	s23 =	simm.s32 $0x1B8B  }
0xa2: {  	_ =	swait.ge [sflag:s23], $0x1  }
0xa3: {  	[sflag:s23] =	ssyncset.done $0x0  }
0xa4: {  	s25 =	simm.s32 $0x1B8E;
	s24 =	sld [smem:$0x3FFE];
	[sflag:s23] =	ssyncadd.s32 $0xFFFFFFFF  }
0xa5: {  	s26 =	simm.s32 $execute0_lowered;
	[smem:$0x3FD2] =	sst s25  }
0xa6: {  	s4 =	sshll.u32 s26, $0x1;
	_ =	strace $0x80000046;
	[dreg:$0x1] =	wrdreg $0xFFFFFFFF  }
0xa7: {  	s28 =	simm.s32 $_size_execute0_lowered;
	s2 =	sadd.s32 s2, s4;
	[dreg:$0x0] =	wrdreg $0x0  }
0xa8: {  	s4 =	sshll.u32 s28, $0x1;
	[dreg:$0x2] =	wrdreg s2  }
0xa9: {  	[dreg:$0x3] =	wrdreg s4  }
0xaa: {  	[dreg:$0x4] =	wrdreg $0xC0  }
0xab: {  	_ =	task [dreg:s6], $0x5FFFF  }
0xac: {  	[dreg:$0x1] =	wrdreg $0xFFFFFFFF  }
0xad: {  	[dreg:$0x0] =	wrdreg $0x60  }
0xae: {  	[dreg:$0x2] =	wrdreg s24  }
0xaf: {  	[dreg:$0x3] =	wrdreg $0x34100  }
0xb0: {  	[dreg:$0x4] =	wrdreg $0x9  }
0xb1: {  	_ =	task.clear_ibuf [dreg:s6], $0x5FFFF;
	_ =	strace $0x90000046  }
0xb2: {  	s29 =	simm.s32 $0x9;
	_ =	strace $0x80000048  }
0xb3: {  	_ =	swait.ge [sflag:s29], $0x1  }
0xb4: {  	[sflag:s29] =	ssyncadd.s32 $0xFFFFFFFF  }
0xb5: {  	_ =	strace $0x90000048  }
0xb6: {  	_ =	sfence  }
0xb7: {  	s30 =	sld [smem:$0x0];
	_ =	sdelay $0x2  }
0xb8: {  	s31 =	sshll.u32 s1, $0xD;
	s1 =	sshrl.u32 s1, $0x2  }
0xb9: {  	s3 =	sand.u32 $0x4000, s31;
	s1 =	sadd.s32 s1, s30  }
0xba: {  	s0 =	sor.u32 s3, s0;
	s1 =	sshll.u32 s1, $0x11  }
0xbb: {  	s0 =	sor.u32 s1, s0  }
0xbc: {  	s0 =	sadd.s32 $0x8F2B, s0  }
0xbd: {  	[sflag:s0] =	ssyncadd.remote.s32 $0x1  }
0xbe: {  	_ =	sfence.sel $0xFFFF  }
0xbf: {  	[dreg:$0x0] =	wrdreg $0xFFFFFFFF;
	(pc) =	sbr.abs _section_cstart, $3  }
0xc0: {  	[dreg:$0x1] =	wrdreg $0xFFFFFFFF  }
0xc1: {  	_ =	task.clear_ibuf [dreg:s6], $0x2FFFF;
	_ =	strace $0x9FFFFFFF  }
0xc2: {  	(tm) =	ssettm $0x7FFFFFFF  }
0xc3: {  	_ =	shalt  }
tec
execute0_lowered:
.L_overlay_start_1:
0x0: {  	(tag) =	ssettag $0x1  }
0x1: {  	s10 =	rddreg [dreg:$0x0]  }
0x2: {  	s0 =	srdreg.scid;
	s2 =	rddreg [dreg:$0x1]  }
0x3: {  	s1 =	rddreg [dreg:$0x2];
	s3 =	simm.s32 $0x0;
	s5 =	sand.u32 $0x1, s0  }
0x4: {  	s16 =	simm.s32 $0x17000;
	s0 =	stileid.u32;
	s4 =	smul.u32 $0x27100, s5  }
0x5: {  	s24 =	simm.s32 $0x50;
	s25 =	simm.s32 $0x2710;
	s6 =	smul.u32 $0x2710, s0  }
0x6: {  	s26 =	simm.s32 $0x0;
	[smem:$0x7FF] =	sst s3;
	s31 =	smul.u32 $0xA000, s0  }
0x7: {  	_ =	strace $0x80000047;
	s7 =	ssub.s32 $0x2, s5;
	p0 =	seq.s32 s5, $0x1  }
0x8: {  	s11 =	smul.u32 $0x2800, s0;
	s8 =	sshrl.u32 s7, $0x1;
	s16 =	simm.s32 @!p0 $0x1C000  }
0x9: {  	s4 =	sadd.s32 s6, s4;
	s6 =	sshrl.u32 s31, $0x2;
	s7 =	ssub.s32 s7, s8  }
0xa: {  	s12 =	sshrl.u32 s11, $0x3;
	s13 =	sadd.s32 $0x800, s11;
	s15 =	sadd.s32 $0x1000, s11  }
0xb: {  	s18 =	sadd.s32 $0x1800, s11;
	s21 =	sadd.s32 $0x2000, s11;
	s22 =	sadd.s32 s16, s10  }
0xc: {  	s4 =	sadd.s32 $0x4E200, s4;
	s5 =	smax.u32 s7, $0x1;
	s14 =	sshrl.u32 s13, $0x3  }
0xd: {  	s17 =	sshrl.u32 s15, $0x3;
	s19 =	sshrl.u32 s18, $0x3;
	s23 =	sshrl.u32 s21, $0x3  }
0xe: {  	s16 =	sadd.s32 s18, s2;
	s18 =	sadd.s32 s21, s2;
	s4 =	sshrl.u32 s4, $0x3  }
0xf: {  	s21 =	simm.s32 $0x1;
	s20 =	sadd.s32 s4, s10;
	s4 =	sadd.s32 s6, s2  }
0x10: {  	s10 =	sadd.s32 s11, s2;
	s11 =	sadd.s32 s22, s12;
	s12 =	sadd.s32 s13, s2  }
0x11: {  	s13 =	sadd.s32 s22, s14;
	s14 =	sadd.s32 s15, s2;
	s15 =	sadd.s32 s22, s17  }
0x12: {  	s17 =	sadd.s32 s22, s19;
	s19 =	sadd.s32 s22, s23;
	s22 =	simm.s32 $0x2C10  }
0x13: {  	s23 =	simm.s32 $0x2;
	s6 =	sadd.s32 $0x800, s4;
	s7 =	sadd.s32 $0x1000, s4  }
0x14: {  	v0 =	vimm.f32 $1.000000000e+00;
	v1 =	vimm.f32 $0.0e+00;
	s8 =	sadd.s32 $0x1800, s4;
	s9 =	sadd.s32 $0x2000, s4;
	s20 =	sadd.s32 $0x3600, s20  }
.LBB2_1:
0x15: {  	s28 =	simm.s32 $0x0;
	s29 =	simm.s32 $0x0  }
.LBB2_2:
0x16: {  	p0 =	sne.s32 s29, $0x4D8  }
.Ltmp0:
0x17: {  	_ = 	snop;
	(pc) =	sbr.rel @p0 .LBB2_2-.Ltmp0, $4  }
0x18: {  	_ = 	snop  }
0x19: {  	s30 =	sadd.s32 s29, s20  }
0x1a: {  	[tilespmem:s28], [sflag:$0x1] =	stream.linear.gather [hbm4b:s30+s3], $0x50, $0x38;
	[tilespmem:$0x5C10] =	vst v63  }
0x1b: {  	s29 =	sadd.s32 $0xA, s29;
	s28 =	sadd.s32 $0x50, s28  }
0x1c: {  	_ =	swait.ge [sflag:s21], $0x50  }
0x1d: {  	s28 =	simm.s32 $0x7C;
	[sflag:s21] =	ssyncset.done $0x0  }
.LBB2_4:
0x1e: {  	p0 =	sne.s32 s28, $0x1;
	s28 =	sadd.s32 $0xFFFFFFFF, s28;
	[sflag:s21] =	ssyncadd.s32 $0xFFFFFFB0  }
.Ltmp1:
0x1f: {  	(pc) =	sbr.rel @p0 .LBB2_4-.Ltmp1, $3  }
0x20: {  	_ =	sdelay $0x1  }
0x21: {  	_ =	swait.ge [sflag:s21], $0x50  }
0x22: {  	[sflag:s21] =	ssyncset.done $0x0  }
0x23: {  	[sflag:s21] =	ssyncadd.s32 $0xFFFFFFB0;
	s28 =	simm.s32 $0x40;
	s29 =	simm.s32 $0x0  }
.LBB2_6:
0x24: {  	p0 =	seq.s32 s28, $0x13C0;
	[tilespmem:s29+$0x2710] =	vst v0;
	s29 =	smov.u32 s28;
	s28 =	sadd.s32 $0x40, s28  }
.Ltmp2:
0x25: {  	(pc) =	sbr.rel @!p0 .LBB2_6-.Ltmp2, $2  }
0x26: {  	_ =	sdelay $0x2  }
0x27: {  	s29 =	sshra.s32 s29, $0x2  }
0x28: {  	[tilespmem:s29+$0x2710] =	vst v0;
	s28 =	simm.s32 $0x40;
	s29 =	simm.s32 $0x0  }
.LBB2_8:
0x29: {  	p0 =	seq.s32 s28, $0x1FC0;
	[tilespmem:s29+$0x2C10] =	vst v1;
	s29 =	smov.u32 s28;
	s28 =	sadd.s32 $0x40, s28  }
.Ltmp3:
0x2a: {  	(pc) =	sbr.rel @!p0 .LBB2_8-.Ltmp3, $2  }
0x2b: {  	_ =	sdelay $0x2  }
0x2c: {  	s29 =	sshra.s32 s29, $0x2  }
0x2d: {  	[tilespmem:s29+$0x2C10] =	vst v1  }
0x2e: {  	[spmem:s4] =	stream.linear.scatter [tilespmem:s22], [sflag:$0x2], $0x800, $0x38;
	[tilespmem:$0x5C10] =	vst v63  }
0x2f: {  	_ =	swait.ge [sflag:s23], $0x800  }
0x30: {  	[sflag:s23] =	ssyncset.done $0x0  }
0x31: {  	[sflag:s23] =	ssyncadd.s32 $0xFFFFF800  }
0x32: {  	[spmem:s6] =	stream.linear.scatter [tilespmem:s22], [sflag:$0x2], $0x800, $0x38;
	[tilespmem:$0x5C10] =	vst v63  }
0x33: {  	_ =	swait.ge [sflag:s23], $0x800  }
0x34: {  	[sflag:s23] =	ssyncset.done $0x0  }
0x35: {  	[sflag:s23] =	ssyncadd.s32 $0xFFFFF800  }
0x36: {  	[spmem:s7] =	stream.linear.scatter [tilespmem:s22], [sflag:$0x2], $0x800, $0x38;
	[tilespmem:$0x5C10] =	vst v63  }
0x37: {  	_ =	swait.ge [sflag:s23], $0x800  }
0x38: {  	[sflag:s23] =	ssyncset.done $0x0  }
0x39: {  	[sflag:s23] =	ssyncadd.s32 $0xFFFFF800  }
0x3a: {  	[spmem:s8] =	stream.linear.scatter [tilespmem:s22], [sflag:$0x2], $0x800, $0x38;
	[tilespmem:$0x5C10] =	vst v63  }
0x3b: {  	_ =	swait.ge [sflag:s23], $0x800  }
0x3c: {  	[sflag:s23] =	ssyncset.done $0x0  }
0x3d: {  	[sflag:s23] =	ssyncadd.s32 $0xFFFFF800  }
0x3e: {  	[spmem:s9] =	stream.linear.scatter [tilespmem:s22], [sflag:$0x2], $0x800, $0x38;
	[tilespmem:$0x5C10] =	vst v63  }
0x3f: {  	_ =	swait.ge [sflag:s23], $0x800  }
0x40: {  	[sflag:s23] =	ssyncset.done $0x0  }
0x41: {  	[sflag:s23] =	ssyncadd.s32 $0xFFFFF800  }
0x42: {  	s28 =	simm.s32 $0x0;
	[bflag:$0x0] =	sbarrier.arrive $0xFFFF  }
.LBB2_10:
0x43: {  	p0 =	sne.s32 s28, $0x9B00  }
.Ltmp4:
0x44: {  	_ = 	snop;
	(pc) =	sbr.rel @p0 .LBB2_10-.Ltmp4, $3  }
0x45: {  	_ =	sdelay $0x1  }
0x46: {  	s29 =	sshra.s32 s28, $0x2;
	s28 =	sadd.s32 $0x140, s28  }
0x47: {  	[spmem:s2] =	stream.indirect.scatter.add.f32 [tilespmem:s25], [sflag:$0x1], $0x10, s29, s24, $0xb8;
	[tilespmem:$0x5C10] =	vst v63  }
0x48: {  	_ =	swait.ge [sflag:s21], $0x500  }
0x49: {  	s28 =	simm.s32 $0x7C;
	[sflag:s21] =	ssyncset.done $0x0  }
.LBB2_12:
0x4a: {  	p0 =	sne.s32 s28, $0x1;
	s28 =	sadd.s32 $0xFFFFFFFF, s28;
	[sflag:s21] =	ssyncadd.s32 $0xFFFFFB00  }
.Ltmp5:
0x4b: {  	(pc) =	sbr.rel @p0 .LBB2_12-.Ltmp5, $3  }
0x4c: {  	_ =	sdelay $0x1  }
0x4d: {  	_ =	swait.ge [sflag:s21], $0x500  }
0x4e: {  	[sflag:s21] =	ssyncset.done $0x0  }
0x4f: {  	[sflag:s21] =	ssyncadd.s32 $0xFFFFFB00  }
0x50: {  	[bflag:$0x0] =	sbarrier.arrive $0xFFFF  }
0x51: {  	[tilespmem:s22], [sflag:$0x2] =	stream.linear.gather [spmem:s10], $0x800, $0x38;
	[tilespmem:$0x5C10] =	vst v63  }
0x52: {  	_ =	swait.ge [sflag:s23], $0x800  }
0x53: {  	[sflag:s23] =	ssyncset.done $0x0  }
0x54: {  	[sflag:s23] =	ssyncadd.s32 $0xFFFFF800  }
0x55: {  	[hbm4b:s11+s3] =	stream.linear.scatter [tilespmem:s22], [sflag:$0x2], $0x800, $0x38;
	[tilespmem:$0x5C10] =	vst v63  }
0x56: {  	_ =	swait.ge [sflag:s23], $0x800  }
0x57: {  	[sflag:s23] =	ssyncset.done $0x0  }
0x58: {  	[sflag:s23] =	ssyncadd.s32 $0xFFFFF800  }
0x59: {  	[tilespmem:s22], [sflag:$0x2] =	stream.linear.gather [spmem:s12], $0x800, $0x38;
	[tilespmem:$0x5C10] =	vst v63  }
0x5a: {  	_ =	swait.ge [sflag:s23], $0x800  }
0x5b: {  	[sflag:s23] =	ssyncset.done $0x0  }
0x5c: {  	[sflag:s23] =	ssyncadd.s32 $0xFFFFF800  }
0x5d: {  	[hbm4b:s13+s3] =	stream.linear.scatter [tilespmem:s22], [sflag:$0x2], $0x800, $0x38;
	[tilespmem:$0x5C10] =	vst v63  }
0x5e: {  	_ =	swait.ge [sflag:s23], $0x800  }
0x5f: {  	[sflag:s23] =	ssyncset.done $0x0  }
0x60: {  	[sflag:s23] =	ssyncadd.s32 $0xFFFFF800  }
0x61: {  	[tilespmem:s22], [sflag:$0x2] =	stream.linear.gather [spmem:s14], $0x800, $0x38;
	[tilespmem:$0x5C10] =	vst v63  }
0x62: {  	_ =	swait.ge [sflag:s23], $0x800  }
0x63: {  	[sflag:s23] =	ssyncset.done $0x0  }
0x64: {  	[sflag:s23] =	ssyncadd.s32 $0xFFFFF800  }
0x65: {  	[hbm4b:s15+s3] =	stream.linear.scatter [tilespmem:s22], [sflag:$0x2], $0x800, $0x38;
	[tilespmem:$0x5C10] =	vst v63  }
0x66: {  	_ =	swait.ge [sflag:s23], $0x800  }
0x67: {  	[sflag:s23] =	ssyncset.done $0x0  }
0x68: {  	[sflag:s23] =	ssyncadd.s32 $0xFFFFF800  }
0x69: {  	[tilespmem:s22], [sflag:$0x2] =	stream.linear.gather [spmem:s16], $0x800, $0x38;
	[tilespmem:$0x5C10] =	vst v63  }
0x6a: {  	_ =	swait.ge [sflag:s23], $0x800  }
0x6b: {  	[sflag:s23] =	ssyncset.done $0x0  }
0x6c: {  	[sflag:s23] =	ssyncadd.s32 $0xFFFFF800  }
0x6d: {  	[hbm4b:s17+s3] =	stream.linear.scatter [tilespmem:s22], [sflag:$0x2], $0x800, $0x38;
	[tilespmem:$0x5C10] =	vst v63  }
0x6e: {  	_ =	swait.ge [sflag:s23], $0x800  }
0x6f: {  	[sflag:s23] =	ssyncset.done $0x0  }
0x70: {  	[sflag:s23] =	ssyncadd.s32 $0xFFFFF800  }
0x71: {  	[tilespmem:s22], [sflag:$0x2] =	stream.linear.gather [spmem:s18], $0x800, $0x38;
	[tilespmem:$0x5C10] =	vst v63  }
0x72: {  	s26 =	sadd.s32 $0x1, s26;
	_ =	swait.ge [sflag:s23], $0x800  }
0x73: {  	p0 =	sne.s32 s26, s5;
	[sflag:s23] =	ssyncset.done $0x0  }
.Ltmp6:
0x74: {  	[sflag:s23] =	ssyncadd.s32 $0xFFFFF800;
	(pc) =	sbr.rel @p0 .LBB2_1-.Ltmp6, $4  }
0x75: {  	[hbm4b:s19+s3] =	stream.linear.scatter [tilespmem:s22], [sflag:$0x2], $0x800, $0x38;
	[tilespmem:$0x5C10] =	vst v63  }
0x76: {  	_ =	swait.ge [sflag:s23], $0x800  }
0x77: {  	[sflag:s23] =	ssyncset.done $0x0  }
0x78: {  	[sflag:s23] =	ssyncadd.s32 $0xFFFFF800  }
0x79: {  	_ =	sfence.sel $0x180000  }
0x7a: {  	[bflag:$0x0] =	sbarrier.arrive $0xFFFF  }
0x7b: {  	p0 =	sne.s32 s0, $0x0;
	_ =	strace $0x90000047  }
0x7c: {  	s0 =	sadd.s32 @!p0 $0x100000, s1;
	[bflag:$0x2] =	sbarrier.arrive $0xFFFF  }
0x7d: {  	[sflag:s0] =	ssyncadd.tile.s32 @!p0 $0x1;
	_ =	shalt  }
.Lfunc_end2:
_tile_overlayer_lowered:
.L_overlay_start_2:
0x7e: {  	(tag) =	ssettag $0x2  }
0x7f: {  	s0 =	rddreg [dreg:$0x0];
	s2 =	stileid.u32  }
0x80: {  	s1 =	rddreg [dreg:$0x1];
	p0 =	sne.s32 s2, $0x0  }
0x81: {  	s3 =	rddreg [dreg:$0x2];
	[bflag:$0x3] =	sbarrier.arrive $0xFFFF;
	s2 =	simm.s32 @!p0 $0x1C02  }
0x82: {  	[timem:s3], [sflag:s2] =	dma.local @!p0 [hbm:s0], s1  }
0x83: {  	s0 =	simm.s32 @!p0 $0x2  }
0x84: {  	_ =	swait.ge @!p0 [sflag:s0], s1  }
0x85: {  	s1 =	ssub.s32 @!p0 $0x0, s1;
	[sflag:s0] =	ssyncset.done @!p0 $0x0  }
0x86: {  	[sflag:s0] =	ssyncadd.s32 @!p0 s1  }
0x87: {  	[bflag:$0x3] =	sbarrier.arrive $0xFFFF  }
0x88: {  	_ =	shalt  }

</sc_bundles>
